<compile_context>
chip_gen: v7x
topology: tpu7x:2x2x1
jax: 0.10.2.dev20260603
libtpu: 0.0.44.dev20260713+nightly
codegen_flags: <defaults>
</compile_context>

<pallas_src>
import functools

import jax
import jax.numpy as jnp
from jax import lax
from jax.experimental import pallas as pl
from jax.experimental.pallas import tpu as pltpu
from jax.experimental.pallas import tpu_sc as plsc

N_NODES = 10000
N_PAD = 10240
N_EDGES = 160000
FEATS = 256
HALF = 128
NEG_SLOPE = 0.2

NS = 16
EPT = N_EDGES // NS
ROWCH = 16
NROWCH = N_NODES // ROWCH
DSLC = N_PAD // NS
CHB = 80
SUP = 2000
NSUB = EPT // CHB
SPS = SUP // CHB


def _mm_body(feat_ref, wt_ref, at_ref, fs_ref, o2_ref):
    fs = lax.dot_general(feat_ref[...], wt_ref[...], (((1,), (0,)), ((), ())),
                         preferred_element_type=jnp.float32)
    fs_ref[...] = fs
    o2_ref[...] = lax.dot_general(fs, at_ref[...], (((1,), (0,)), ((), ())),
                                  preferred_element_type=jnp.float32)


def _tc_matmul(feat, wt, at):
    return pl.pallas_call(
        _mm_body,
        grid=(10,),
        in_specs=[
            pl.BlockSpec((1000, FEATS), lambda i: (i, 0)),
            pl.BlockSpec((FEATS, FEATS), lambda i: (0, 0)),
            pl.BlockSpec((FEATS, HALF), lambda i: (0, 0)),
        ],
        out_specs=[
            pl.BlockSpec((1000, FEATS), lambda i: (i, 0)),
            pl.BlockSpec((1000, HALF), lambda i: (i, 0)),
        ],
        out_shape=[
            jax.ShapeDtypeStruct((N_NODES, FEATS), jnp.float32),
            jax.ShapeDtypeStruct((N_NODES, HALF), jnp.float32),
        ],
    )(feat, wt, at)


def _scores_body(elh, erh, srch, dsth, eeh, denh,
                 elv, erv, srcc, dstc, eec, partial, buf, denv, spbuf):
    c = lax.axis_index("c")
    s = lax.axis_index("s")
    ebase = s * EPT

    pltpu.sync_copy(elh, elv)
    pltpu.sync_copy(erh, erv)

    z = jnp.zeros((16,), jnp.float32)

    def pz(i, carry):
        partial[pl.ds(i * 16, 16)] = z
        return carry

    lax.fori_loop(0, N_PAD // 16, pz, 0)

    pltpu.sync_copy(srch.at[pl.ds(ebase, EPT)], srcc)
    pltpu.sync_copy(dsth.at[pl.ds(ebase, EPT)], dstc)

    def ee16(g, carry):
        for u in range(5):
            kb = (g * 5 + u) * 16
            didx = dstc[pl.ds(kb, 16)]
            e = (plsc.load_gather(elv, [srcc[pl.ds(kb, 16)]]) +
                 plsc.load_gather(erv, [didx]))
            e = jnp.where(e > 0, e, NEG_SLOPE * e)
            ee = jnp.exp(e)
            eec[pl.ds(kb, 16)] = ee
            plsc.addupdate_scatter(partial, [didx], ee)
        return carry

    lax.fori_loop(0, EPT // 80, ee16, 0)

    @pl.when(c == 0)
    def _():
        pltpu.sync_copy(eec.at[pl.ds(0, 5120)],
                        eeh.at[pl.ds(ebase, 5120)])

    @pl.when(c == 1)
    def _():
        pltpu.sync_copy(eec.at[pl.ds(5120, EPT - 5120)],
                        eeh.at[pl.ds(ebase + 5120, EPT - 5120)])

    pltpu.sync_copy(partial, spbuf.at[s])
    plsc.subcore_barrier()
    pltpu.sync_copy(spbuf.at[:, pl.ds(s * DSLC, DSLC)], buf)

    def red(g, carry):
        gb = g * 16
        tot = buf[0, pl.ds(gb, 16)]
        for r in range(1, NS):
            tot = tot + buf[r, pl.ds(gb, 16)]
        denv[pl.ds(gb, 16)] = tot
        return carry

    lax.fori_loop(0, DSLC // 16, red, 0)

    @pl.when(c == 0)
    def _():
        pltpu.sync_copy(denv, denh.at[pl.ds(s * DSLC, DSLC)])


@functools.partial(
    pl.kernel,
    out_type=[
        jax.ShapeDtypeStruct((N_EDGES,), jnp.float32),
        jax.ShapeDtypeStruct((N_PAD,), jnp.float32),
    ],
    mesh=plsc.VectorSubcoreMesh(core_axis_name="c", subcore_axis_name="s"),
    compiler_params=pltpu.CompilerParams(needs_layout_passes=False),
    scratch_types=[
        pltpu.VMEM((N_NODES,), jnp.float32),
        pltpu.VMEM((N_NODES,), jnp.float32),
        pltpu.VMEM((EPT,), jnp.int32),
        pltpu.VMEM((EPT,), jnp.int32),
        pltpu.VMEM((EPT,), jnp.float32),
        pltpu.VMEM((N_PAD,), jnp.float32),
        pltpu.VMEM((NS, DSLC), jnp.float32),
        pltpu.VMEM((DSLC,), jnp.float32),
        pltpu.VMEM_SHARED((NS, N_PAD), jnp.float32),
    ],
)
def _sc_scores(elh, erh, srch, dsth, eeh, denh, *scratch):
    _scores_body(elh, erh, srch, dsth, eeh, denh, *scratch)


def _agg_body(fs2, eeh, denh, srch, dsth, outh,
              denomv, srcs, dsts, ees, dstc0, idxv0, alphac0, rows0,
              dstc1, idxv1, alphac1, rows1, obuf, oidx,
              acc, sem0, sem1, sem2, sem3, sem4):
    c = lax.axis_index("c")
    s = lax.axis_index("s")
    dstc = (dstc0, dstc1)
    idxv = (idxv0, idxv1)
    alphac = (alphac0, alphac1)
    rows = (rows0, rows1)
    sem = (sem0, sem1)
    semsc = (sem3, sem4)

    pltpu.sync_copy(denh, denomv)

    z = jnp.zeros((16,), jnp.float32)

    def zrow(r, carry):
        for v in range(HALF // 16):
            obuf[r, pl.ds(v * 16, 16)] = z
        return carry

    lax.fori_loop(0, ROWCH, zrow, 0)

    nz = (NROWCH - s + NS - 1) // NS

    def zinit(k, carry):
        j = s + k * NS
        pltpu.sync_copy(obuf, acc.at[pl.ds(j * ROWCH, ROWCH)])
        return carry

    lax.fori_loop(0, nz, zinit, 0)

    plsc.subcore_barrier()

    zero16 = jnp.zeros((16,), jnp.int32)
    ncb = NSUB
    ebase = s * EPT

    def start_gather(jj, p):
        @pl.when(jj % SPS == 0)
        def _():
            b = ebase + (jj // SPS) * SUP
            d1 = pltpu.async_copy(srch.at[pl.ds(b, SUP)], srcs, sem2)
            d2 = pltpu.async_copy(dsth.at[pl.ds(b, SUP)], dsts, sem2)
            d3 = pltpu.async_copy(eeh.at[pl.ds(b, SUP)], ees, sem2)
            d1.wait()
            d2.wait()
            d3.wait()

        sb = (jj % SPS) * CHB
        for k in range(CHB // 16):
            kb = k * 16
            dv = dsts[pl.ds(sb + kb, 16)]
            dstc[p][pl.ds(kb, 16)] = dv
            idxv[p][pl.ds(kb, 16)] = srcs[pl.ds(sb + kb, 16)] * 2 + c
            den = plsc.load_gather(denomv, [dv])
            alphac[p][pl.ds(kb, 16)] = ees[pl.ds(sb + kb, 16)] / den
        pltpu.async_copy(fs2.at[idxv[p]], rows[p], sem[p])

    def process(p):
        pltpu.make_async_copy(fs2.at[idxv[p]], rows[p], sem[p]).wait()

        def scale(g, carry2):
            for u in range(4):
                e = g * 4 + u
                asp = plsc.load_gather(alphac[p], [zero16 + e])
                for v in range(HALF // 16):
                    rows[p][e, pl.ds(v * 16, 16)] = (
                        rows[p][e, pl.ds(v * 16, 16)] * asp)
            return carry2

        lax.fori_loop(0, CHB // 4, scale, 0)
        pltpu.async_copy(rows[p], acc.at[dstc[p]], semsc[p], add=True)

    start_gather(0, 0)
    npair = (NSUB + 1) // 2

    def pair(pp, carry):
        for b2 in range(2):
            jj = pp * 2 + b2

            @pl.when(jj + 1 < ncb)
            def _():
                @pl.when(jj >= 1)
                def _():
                    pltpu.make_async_copy(
                        rows[1 - b2], acc.at[dstc[1 - b2]],
                        semsc[1 - b2]).wait()

                start_gather(jj + 1, 1 - b2)

            @pl.when(jj < ncb)
            def _():
                process(b2)
        return carry

    lax.fori_loop(0, npair, pair, 0)

    pltpu.make_async_copy(rows[0], acc.at[dstc[0]], semsc[0]).wait()
    pltpu.make_async_copy(rows[1], acc.at[dstc[1]], semsc[1]).wait()

    plsc.subcore_barrier()

    def wout(k, carry):
        nb = (s + k * NS) * ROWCH
        pltpu.sync_copy(acc.at[pl.ds(nb, ROWCH)], obuf)
        for g in range(ROWCH // 16):
            oidx[pl.ds(g * 16, 16)] = (
                (lax.iota(jnp.int32, 16) + (nb + g * 16)) * 2 + c)
        pltpu.async_copy(obuf, outh.at[oidx], sem[0]).wait()
        return carry

    lax.fori_loop(0, nz, wout, 0)


@functools.partial(
    pl.kernel,
    out_type=jax.ShapeDtypeStruct((2 * N_NODES, HALF), jnp.float32),
    mesh=plsc.VectorSubcoreMesh(core_axis_name="c", subcore_axis_name="s"),
    compiler_params=pltpu.CompilerParams(needs_layout_passes=False),
    scratch_types=[
        pltpu.VMEM((N_PAD,), jnp.float32),
        pltpu.VMEM((SUP,), jnp.int32),
        pltpu.VMEM((SUP,), jnp.int32),
        pltpu.VMEM((SUP,), jnp.float32),
        pltpu.VMEM((CHB,), jnp.int32),
        pltpu.VMEM((CHB,), jnp.int32),
        pltpu.VMEM((CHB,), jnp.float32),
        pltpu.VMEM((CHB, HALF), jnp.float32),
        pltpu.VMEM((CHB,), jnp.int32),
        pltpu.VMEM((CHB,), jnp.int32),
        pltpu.VMEM((CHB,), jnp.float32),
        pltpu.VMEM((CHB, HALF), jnp.float32),
        pltpu.VMEM((ROWCH, HALF), jnp.float32),
        pltpu.VMEM((ROWCH,), jnp.int32),
        pltpu.VMEM_SHARED((N_NODES, HALF), jnp.float32),
        pltpu.SemaphoreType.DMA,
        pltpu.SemaphoreType.DMA,
        pltpu.SemaphoreType.DMA,
        pltpu.SemaphoreType.DMA,
        pltpu.SemaphoreType.DMA,
    ],
)
def _sc_aggregate(fs2, eeh, denh, srch, dsth, outh, *scratch):
    _agg_body(fs2, eeh, denh, srch, dsth, outh, *scratch)


def kernel(feat, edge_index, W, attn_l, attn_r, bias):
    wt = W.T
    at = jnp.zeros((FEATS, HALF), jnp.float32)
    at = at.at[:, 0].set(attn_l[0]).at[:, 1].set(attn_r[0])
    fs, o2 = _tc_matmul(feat, wt, at)
    el = o2[:, 0]
    er = o2[:, 1]
    src = edge_index[0].astype(jnp.int32)
    dst = edge_index[1].astype(jnp.int32)
    ee, den = _sc_scores(el, er, src, dst)
    fs2 = fs.reshape(2 * N_NODES, HALF)
    out2 = _sc_aggregate(fs2, ee, den, src, dst)
    return out2.reshape(N_NODES, FEATS) + bias.reshape(1, FEATS)

# --- scband reference (transcript-rebuilt; emitter-appended) ---
"""Pipeline reference for scband-gatconv-49658411876593 (READ-ONLY COPY).

The authoritative reference and input builder live on the scoring server;
editing this copy changes nothing except your own understanding.
"""

import jax, jax.numpy as jnp
import numpy as np

N_NODES = 10000
N_EDGES = 160000
IN_FEATS = 256
OUT_FEATS = 256
NEG_SLOPE = 0.2


def setup_inputs(seed: int = 0) -> dict:
    key = jax.random.key(seed)
    k1, k2, k3, k4, k5, k6 = jax.random.split(key, 6)
    feat = jax.random.normal(k1, (N_NODES, IN_FEATS), dtype=jnp.float32)
    edge_index = jax.random.randint(k2, (2, N_EDGES), 0, N_NODES, dtype=jnp.int64)
    gain = float(np.sqrt(2.0))  # calculate_gain('relu')
    # xavier_normal: std = gain * sqrt(2 / (fan_in + fan_out))
    W = jax.random.normal(k3, (OUT_FEATS, IN_FEATS), dtype=jnp.float32) * (gain * np.sqrt(2.0 / (IN_FEATS + OUT_FEATS)))
    attn_l = jax.random.normal(k4, (1, OUT_FEATS), dtype=jnp.float32) * (gain * np.sqrt(2.0 / (1 + OUT_FEATS)))
    attn_r = jax.random.normal(k5, (1, OUT_FEATS), dtype=jnp.float32) * (gain * np.sqrt(2.0 / (1 + OUT_FEATS)))
    bias = jnp.zeros((OUT_FEATS,), dtype=jnp.float32)
    return {"feat": feat, "edge_index": edge_index, "W": W, "attn_l": attn_l, "attn_r": attn_r, "bias": bias}


def reference(feat, edge_index, W, attn_l, attn_r, bias):
    # feat_drop / attn_drop are identity (p=0.0)
    feat_src = feat @ W.T  # fc, no bias
    el = (feat_src * attn_l).sum(axis=-1)  # [N]
    er = (feat_src * attn_r).sum(axis=-1)  # [N]
    src = edge_index[0]
    dst = edge_index[1]
    # sparse.apply_edge: per-edge score el[src] + er[dst]
    e = el[src] + er[dst]  # [E]
    # leaky relu
    e = jnp.where(e > 0, e, NEG_SLOPE * e)
    # sparse.edge_softmax over destination nodes
    emax = jax.ops.segment_max(e, dst, num_segments=N_NODES)
    emax = jnp.where(jnp.isfinite(emax), emax, 0.0)
    ee = jnp.exp(e - emax[dst])
    denom = jax.ops.segment_sum(ee, dst, num_segments=N_NODES)
    alpha = ee / (denom[dst])
    # sparse.run_gspmv_op: weighted aggregation of feat_src by dst
    rst = jax.ops.segment_sum(feat_src[src] * alpha[:, None], dst, num_segments=N_NODES)
    # residual disabled; bias enabled; activation None
    rst = rst + bias.reshape(1, OUT_FEATS)
    return rst

if __name__ == "__main__":
    import jax
    _d = setup_inputs()
    print(jax.jit(kernel)(*tuple(_d.values())))

</pallas_src>

<mosaic_0001>
#map = affine_map<(d0, d1) -> (0, 0)>
#map1 = affine_map<(d0, d1) -> (0)>
module attributes {stable_mosaic.version = 14 : i64} {
  func.func @_sc_aggregate(%arg0: i32, %arg1: i32, %arg2: memref<20000x128xf32, #tpu.memory_space<hbm>>, %arg3: memref<160000xf32, #tpu.memory_space<hbm>>, %arg4: memref<10240xf32, #tpu.memory_space<hbm>>, %arg5: memref<160000xi32, #tpu.memory_space<hbm>>, %arg6: memref<160000xi32, #tpu.memory_space<hbm>>, %arg7: memref<20000x128xf32, #tpu.memory_space<hbm>>, %arg8: memref<10240xf32, #tpu.memory_space<vmem>>, %arg9: memref<2000xi32, #tpu.memory_space<vmem>>, %arg10: memref<2000xi32, #tpu.memory_space<vmem>>, %arg11: memref<2000xf32, #tpu.memory_space<vmem>>, %arg12: memref<80xi32, #tpu.memory_space<vmem>>, %arg13: memref<80xi32, #tpu.memory_space<vmem>>, %arg14: memref<80xf32, #tpu.memory_space<vmem>>, %arg15: memref<80x128xf32, #tpu.memory_space<vmem>>, %arg16: memref<80xi32, #tpu.memory_space<vmem>>, %arg17: memref<80xi32, #tpu.memory_space<vmem>>, %arg18: memref<80xf32, #tpu.memory_space<vmem>>, %arg19: memref<80x128xf32, #tpu.memory_space<vmem>>, %arg20: memref<16x128xf32, #tpu.memory_space<vmem>>, %arg21: memref<16xi32, #tpu.memory_space<vmem>>, %arg22: memref<10000x128xf32, #tpu.memory_space<vmem_shared>>, %arg23: memref<!tpu.dma_semaphore, #tpu.memory_space<semaphore_mem>>, %arg24: memref<!tpu.dma_semaphore, #tpu.memory_space<semaphore_mem>>, %arg25: memref<!tpu.dma_semaphore, #tpu.memory_space<semaphore_mem>>, %arg26: memref<!tpu.dma_semaphore, #tpu.memory_space<semaphore_mem>>, %arg27: memref<!tpu.dma_semaphore, #tpu.memory_space<semaphore_mem>>) attributes {dimension_semantics = [#tpu.dimension_semantics<core_parallel>, #tpu.dimension_semantics<subcore_parallel>], iteration_bounds = array<i64: 2, 16>, scalar_prefetch = 0 : i64, scratch_operands = 20 : i64, tpu.core_type = #tpu.core_type<sc_vector_subcore>, window_params = [{transform_indices = #map}, {transform_indices = #map1}, {transform_indices = #map1}, {transform_indices = #map1}, {transform_indices = #map1}, {transform_indices = #map}]} {
    "tpu.region"() ({
      %run_scoped3A = tpu.sem_alloc : memref<!tpu.dma_semaphore, #tpu.memory_space<semaphore_mem>>
      tpu.enqueue_dma source(%arg4 : memref<10240xf32, #tpu.memory_space<hbm>>) target(%arg8 : memref<10240xf32, #tpu.memory_space<vmem>>) target_semaphore(%run_scoped3A : memref<!tpu.dma_semaphore, #tpu.memory_space<semaphore_mem>>)
      tpu.wait_dma2 semaphore(%run_scoped3A : memref<!tpu.dma_semaphore, #tpu.memory_space<semaphore_mem>>) src(%arg4 : memref<10240xf32, #tpu.memory_space<hbm>>) dst(%arg8 : memref<10240xf32, #tpu.memory_space<vmem>>)
      tpu.yield
    }) : () -> ()
    %broadcast_in_dim3A = arith.constant 0.000000e+00 : f32
    %broadcast_in_dim3A_0 = vector.broadcast %broadcast_in_dim3A : f32 to vector<16xf32>
    %scan3A = arith.constant 0 : i32
    %scan3A_1 = arith.constant 0 : i32
    %scan3A_2 = arith.constant 16 : i32
    %scan3A_3 = arith.addi %scan3A_1, %scan3A_2 : i32
    %scan3A_4 = arith.constant 1 : i32
    scf.for %scan3A_169 = %scan3A_1 to %scan3A_3 step %scan3A_4  : i32 {
      %swap3A_170 = arith.index_cast %scan3A_169 : i32 to index
      %swap3A_171 = arith.constant 0 : index
      %swap3A_172 = tpu.vector_load %arg20[%swap3A_170, %swap3A_171] {strides = array<i32>} : memref<16x128xf32, #tpu.memory_space<vmem>>, vector<16xf32>,
      tpu.vector_store %arg20[%swap3A_170, %swap3A_171], %broadcast_in_dim3A_0 {strides = array<i32>} : memref<16x128xf32, #tpu.memory_space<vmem>>, vector<16xf32>,
      %swap3A_173 = arith.index_cast %scan3A_169 : i32 to index
      %swap3A_174 = arith.constant 16 : index
      %swap3A_175 = tpu.vector_load %arg20[%swap3A_173, %swap3A_174] {strides = array<i32>} : memref<16x128xf32, #tpu.memory_space<vmem>>, vector<16xf32>,
      tpu.vector_store %arg20[%swap3A_173, %swap3A_174], %broadcast_in_dim3A_0 {strides = array<i32>} : memref<16x128xf32, #tpu.memory_space<vmem>>, vector<16xf32>,
      %swap3A_176 = arith.index_cast %scan3A_169 : i32 to index
      %swap3A_177 = arith.constant 32 : index
      %swap3A_178 = tpu.vector_load %arg20[%swap3A_176, %swap3A_177] {strides = array<i32>} : memref<16x128xf32, #tpu.memory_space<vmem>>, vector<16xf32>,
      tpu.vector_store %arg20[%swap3A_176, %swap3A_177], %broadcast_in_dim3A_0 {strides = array<i32>} : memref<16x128xf32, #tpu.memory_space<vmem>>, vector<16xf32>,
      %swap3A_179 = arith.index_cast %scan3A_169 : i32 to index
      %swap3A_180 = arith.constant 48 : index
      %swap3A_181 = tpu.vector_load %arg20[%swap3A_179, %swap3A_180] {strides = array<i32>} : memref<16x128xf32, #tpu.memory_space<vmem>>, vector<16xf32>,
      tpu.vector_store %arg20[%swap3A_179, %swap3A_180], %broadcast_in_dim3A_0 {strides = array<i32>} : memref<16x128xf32, #tpu.memory_space<vmem>>, vector<16xf32>,
      %swap3A_182 = arith.index_cast %scan3A_169 : i32 to index
      %swap3A_183 = arith.constant 64 : index
      %swap3A_184 = tpu.vector_load %arg20[%swap3A_182, %swap3A_183] {strides = array<i32>} : memref<16x128xf32, #tpu.memory_space<vmem>>, vector<16xf32>,
      tpu.vector_store %arg20[%swap3A_182, %swap3A_183], %broadcast_in_dim3A_0 {strides = array<i32>} : memref<16x128xf32, #tpu.memory_space<vmem>>, vector<16xf32>,
      %swap3A_185 = arith.index_cast %scan3A_169 : i32 to index
      %swap3A_186 = arith.constant 80 : index
      %swap3A_187 = tpu.vector_load %arg20[%swap3A_185, %swap3A_186] {strides = array<i32>} : memref<16x128xf32, #tpu.memory_space<vmem>>, vector<16xf32>,
      tpu.vector_store %arg20[%swap3A_185, %swap3A_186], %broadcast_in_dim3A_0 {strides = array<i32>} : memref<16x128xf32, #tpu.memory_space<vmem>>, vector<16xf32>,
      %swap3A_188 = arith.index_cast %scan3A_169 : i32 to index
      %swap3A_189 = arith.constant 96 : index
      %swap3A_190 = tpu.vector_load %arg20[%swap3A_188, %swap3A_189] {strides = array<i32>} : memref<16x128xf32, #tpu.memory_space<vmem>>, vector<16xf32>,
      tpu.vector_store %arg20[%swap3A_188, %swap3A_189], %broadcast_in_dim3A_0 {strides = array<i32>} : memref<16x128xf32, #tpu.memory_space<vmem>>, vector<16xf32>,
      %swap3A_191 = arith.index_cast %scan3A_169 : i32 to index
      %swap3A_192 = arith.constant 112 : index
      %swap3A_193 = tpu.vector_load %arg20[%swap3A_191, %swap3A_192] {strides = array<i32>} : memref<16x128xf32, #tpu.memory_space<vmem>>, vector<16xf32>,
      tpu.vector_store %arg20[%swap3A_191, %swap3A_192], %broadcast_in_dim3A_0 {strides = array<i32>} : memref<16x128xf32, #tpu.memory_space<vmem>>, vector<16xf32>,
    }
    %scan3A_5 = arith.constant 16 : i32
    %sub3A = arith.constant 625 : i32
    %sub3A_6 = arith.subi %sub3A, %arg1 : i32
    %add3A = arith.constant 16 : i32
    %add3A_7 = arith.addi %sub3A_6, %add3A : i32
    %sub3A_8 = arith.constant 1 : i32
    %sub3A_9 = arith.subi %add3A_7, %sub3A_8 : i32
    %jit3A = arith.constant 16 : i32
    %div3A = arith.divsi %sub3A_9, %jit3A : i32
    %sign3A = arith.constant 0 : i32
    %sign3A_10 = arith.cmpi sgt, %sub3A_9, %sign3A : i32
    %sign3A_11 = arith.extui %sign3A_10 : i1 to i32
    %sign3A_12 = arith.constant 0 : i32
    %sign3A_13 = arith.cmpi slt, %sub3A_9, %sign3A_12 : i32
    %sign3A_14 = arith.extui %sign3A_13 : i1 to i32
    %sign3A_15 = arith.subi %sign3A_11, %sign3A_14 : i32
    %sign3A_16 = arith.constant 0 : i32
    %sign3A_17 = arith.cmpi sgt, %jit3A, %sign3A_16 : i32
    %sign3A_18 = arith.extui %sign3A_17 : i1 to i32
    %sign3A_19 = arith.constant 0 : i32
    %sign3A_20 = arith.cmpi slt, %jit3A, %sign3A_19 : i32
    %sign3A_21 = arith.extui %sign3A_20 : i1 to i32
    %sign3A_22 = arith.subi %sign3A_18, %sign3A_21 : i32
    %ne3A = arith.cmpi ne, %sign3A_15, %sign3A_22 : i32
    %rem3A = arith.remsi %sub3A_9, %jit3A : i32
    %ne3A_23 = arith.constant 0 : i32
    %ne3A_24 = arith.cmpi ne, %rem3A, %ne3A_23 : i32
    %and3A = arith.andi %ne3A, %ne3A_24 : i1
    %sub3A_25 = arith.constant 1 : i32
    %sub3A_26 = arith.subi %div3A, %sub3A_25 : i32
    %select_n3A = arith.select %and3A, %sub3A_26, %div3A : i32
    %while3A = arith.constant 0 : i32
    %while3A_27 = arith.constant 0 : i32
    %while3A_28 = arith.subi %select_n3A, %while3A_27 : i32
    %while3A_29 = arith.addi %while3A_27, %while3A_28 : i32
    %while3A_30 = arith.constant 1 : i32
    %while3A_31 = arith.divsi %while3A_28, %while3A_30 : i32
    %while3A_32 = arith.muli %while3A_31, %while3A_30 : i32
    %while3A_33 = arith.addi %while3A_27, %while3A_32 : i32
    %while3A_34 = arith.constant 1 : i32
    scf.for %while3A_169 = %while3A_27 to %while3A_33 step %while3A_34  : i32 {
      %mul3A_170 = arith.constant 16 : i32
      %mul3A_171 = arith.muli %while3A_169, %mul3A_170 : i32
      %add3A_172 = arith.addi %arg1, %mul3A_171 : i32
      %mul3A_173 = arith.constant 16 : i32
      %mul3A_174 = arith.muli %add3A_172, %mul3A_173 : i32
      "tpu.region"() ({
        %run_scoped3A = tpu.sem_alloc : memref<!tpu.dma_semaphore, #tpu.memory_space<semaphore_mem>>
        %dma_start3A_175 = arith.constant 0 : i32
        %dma_start3A_176 = tpu.memref_slice %arg22[%mul3A_174, %dma_start3A_175] : memref<10000x128xf32, #tpu.memory_space<vmem_shared>> -> memref<16x128xf32, #tpu.memory_space<vmem_shared>>
        %dma_start3A_177 = arith.constant 0 : i32
        %dma_start3A_178 = tpu.memref_slice %arg22[%mul3A_174, %dma_start3A_177] : memref<10000x128xf32, #tpu.memory_space<vmem_shared>> -> memref<16x128xf32, #tpu.memory_space<vmem_shared>>
        tpu.enqueue_dma source(%arg20 : memref<16x128xf32, #tpu.memory_space<vmem>>) target(%dma_start3A_178 : memref<16x128xf32, #tpu.memory_space<vmem_shared>>) target_semaphore(%run_scoped3A : memref<!tpu.dma_semaphore, #tpu.memory_space<semaphore_mem>>)
        %dma_wait3A_179 = arith.constant 0 : i32
        %dma_wait3A_180 = tpu.memref_slice %arg22[%mul3A_174, %dma_wait3A_179] : memref<10000x128xf32, #tpu.memory_space<vmem_shared>> -> memref<16x128xf32, #tpu.memory_space<vmem_shared>>
        %dma_wait3A_181 = arith.constant 0 : i32
        %dma_wait3A_182 = tpu.memref_slice %arg22[%mul3A_174, %dma_wait3A_181] : memref<10000x128xf32, #tpu.memory_space<vmem_shared>> -> memref<16x128xf32, #tpu.memory_space<vmem_shared>>
        tpu.wait_dma2 semaphore(%run_scoped3A : memref<!tpu.dma_semaphore, #tpu.memory_space<semaphore_mem>>) src(%arg20 : memref<16x128xf32, #tpu.memory_space<vmem>>) dst(%dma_wait3A_182 : memref<16x128xf32, #tpu.memory_space<vmem_shared>>)
        tpu.yield
      }) : () -> ()
    }
    %while3A_35 = arith.constant 1 : i32
    scf.for %while3A_169 = %while3A_33 to %while3A_29 step %while3A_35  : i32 {
      %mul3A_170 = arith.constant 16 : i32
      %mul3A_171 = arith.muli %while3A_169, %mul3A_170 : i32
      %add3A_172 = arith.addi %arg1, %mul3A_171 : i32
      %mul3A_173 = arith.constant 16 : i32
      %mul3A_174 = arith.muli %add3A_172, %mul3A_173 : i32
      "tpu.region"() ({
        %run_scoped3A = tpu.sem_alloc : memref<!tpu.dma_semaphore, #tpu.memory_space<semaphore_mem>>
        %dma_start3A_175 = arith.constant 0 : i32
        %dma_start3A_176 = tpu.memref_slice %arg22[%mul3A_174, %dma_start3A_175] : memref<10000x128xf32, #tpu.memory_space<vmem_shared>> -> memref<16x128xf32, #tpu.memory_space<vmem_shared>>
        %dma_start3A_177 = arith.constant 0 : i32
        %dma_start3A_178 = tpu.memref_slice %arg22[%mul3A_174, %dma_start3A_177] : memref<10000x128xf32, #tpu.memory_space<vmem_shared>> -> memref<16x128xf32, #tpu.memory_space<vmem_shared>>
        tpu.enqueue_dma source(%arg20 : memref<16x128xf32, #tpu.memory_space<vmem>>) target(%dma_start3A_178 : memref<16x128xf32, #tpu.memory_space<vmem_shared>>) target_semaphore(%run_scoped3A : memref<!tpu.dma_semaphore, #tpu.memory_space<semaphore_mem>>)
        %dma_wait3A_179 = arith.constant 0 : i32
        %dma_wait3A_180 = tpu.memref_slice %arg22[%mul3A_174, %dma_wait3A_179] : memref<10000x128xf32, #tpu.memory_space<vmem_shared>> -> memref<16x128xf32, #tpu.memory_space<vmem_shared>>
        %dma_wait3A_181 = arith.constant 0 : i32
        %dma_wait3A_182 = tpu.memref_slice %arg22[%mul3A_174, %dma_wait3A_181] : memref<10000x128xf32, #tpu.memory_space<vmem_shared>> -> memref<16x128xf32, #tpu.memory_space<vmem_shared>>
        tpu.wait_dma2 semaphore(%run_scoped3A : memref<!tpu.dma_semaphore, #tpu.memory_space<semaphore_mem>>) src(%arg20 : memref<16x128xf32, #tpu.memory_space<vmem>>) dst(%dma_wait3A_182 : memref<16x128xf32, #tpu.memory_space<vmem_shared>>)
        tpu.yield
      }) : () -> ()
    }
    %barrier3A = arith.constant 0 : index
    tpu.barrier barrier_id(%barrier3A)
    %broadcast_in_dim3A_36 = arith.constant 0 : i32
    %broadcast_in_dim3A_37 = vector.broadcast %broadcast_in_dim3A_36 : i32 to vector<16xi32>
    %mul3A = arith.constant 10000 : i32
    %mul3A_38 = arith.muli %arg1, %mul3A : i32
    %add3A_39 = arith.constant 0 : i32
    %add3A_40 = arith.addi %mul3A_38, %add3A_39 : i32
    %dma_start3A = tpu.memref_slice %arg5[%add3A_40] : memref<160000xi32, #tpu.memory_space<hbm>> -> memref<2000xi32, #tpu.memory_space<hbm>>
    %dma_start3A_41 = tpu.memref_slice %arg5[%add3A_40] : memref<160000xi32, #tpu.memory_space<hbm>> -> memref<2000xi32, #tpu.memory_space<hbm>>
    tpu.enqueue_dma source(%dma_start3A_41 : memref<2000xi32, #tpu.memory_space<hbm>>) target(%arg9 : memref<2000xi32, #tpu.memory_space<vmem>>) target_semaphore(%arg25 : memref<!tpu.dma_semaphore, #tpu.memory_space<semaphore_mem>>)
    %dma_start3A_42 = tpu.memref_slice %arg6[%add3A_40] : memref<160000xi32, #tpu.memory_space<hbm>> -> memref<2000xi32, #tpu.memory_space<hbm>>
    %dma_start3A_43 = tpu.memref_slice %arg6[%add3A_40] : memref<160000xi32, #tpu.memory_space<hbm>> -> memref<2000xi32, #tpu.memory_space<hbm>>
    tpu.enqueue_dma source(%dma_start3A_43 : memref<2000xi32, #tpu.memory_space<hbm>>) target(%arg10 : memref<2000xi32, #tpu.memory_space<vmem>>) target_semaphore(%arg25 : memref<!tpu.dma_semaphore, #tpu.memory_space<semaphore_mem>>)
    %dma_start3A_44 = tpu.memref_slice %arg3[%add3A_40] : memref<160000xf32, #tpu.memory_space<hbm>> -> memref<2000xf32, #tpu.memory_space<hbm>>
    %dma_start3A_45 = tpu.memref_slice %arg3[%add3A_40] : memref<160000xf32, #tpu.memory_space<hbm>> -> memref<2000xf32, #tpu.memory_space<hbm>>
    tpu.enqueue_dma source(%dma_start3A_45 : memref<2000xf32, #tpu.memory_space<hbm>>) target(%arg11 : memref<2000xf32, #tpu.memory_space<vmem>>) target_semaphore(%arg25 : memref<!tpu.dma_semaphore, #tpu.memory_space<semaphore_mem>>)
    %dma_wait3A = tpu.memref_slice %arg5[%add3A_40] : memref<160000xi32, #tpu.memory_space<hbm>> -> memref<2000xi32, #tpu.memory_space<hbm>>
    %dma_wait3A_46 = tpu.memref_slice %arg5[%add3A_40] : memref<160000xi32, #tpu.memory_space<hbm>> -> memref<2000xi32, #tpu.memory_space<hbm>>
    tpu.wait_dma2 semaphore(%arg25 : memref<!tpu.dma_semaphore, #tpu.memory_space<semaphore_mem>>) src(%dma_wait3A_46 : memref<2000xi32, #tpu.memory_space<hbm>>) dst(%arg9 : memref<2000xi32, #tpu.memory_space<vmem>>)
    %dma_wait3A_47 = tpu.memref_slice %arg6[%add3A_40] : memref<160000xi32, #tpu.memory_space<hbm>> -> memref<2000xi32, #tpu.memory_space<hbm>>
    %dma_wait3A_48 = tpu.memref_slice %arg6[%add3A_40] : memref<160000xi32, #tpu.memory_space<hbm>> -> memref<2000xi32, #tpu.memory_space<hbm>>
    tpu.wait_dma2 semaphore(%arg25 : memref<!tpu.dma_semaphore, #tpu.memory_space<semaphore_mem>>) src(%dma_wait3A_48 : memref<2000xi32, #tpu.memory_space<hbm>>) dst(%arg10 : memref<2000xi32, #tpu.memory_space<vmem>>)
    %dma_wait3A_49 = tpu.memref_slice %arg3[%add3A_40] : memref<160000xf32, #tpu.memory_space<hbm>> -> memref<2000xf32, #tpu.memory_space<hbm>>
    %dma_wait3A_50 = tpu.memref_slice %arg3[%add3A_40] : memref<160000xf32, #tpu.memory_space<hbm>> -> memref<2000xf32, #tpu.memory_space<hbm>>
    tpu.wait_dma2 semaphore(%arg25 : memref<!tpu.dma_semaphore, #tpu.memory_space<semaphore_mem>>) src(%dma_wait3A_50 : memref<2000xf32, #tpu.memory_space<hbm>>) dst(%arg11 : memref<2000xf32, #tpu.memory_space<vmem>>)
    %get3A = arith.constant 0 : index
    %get3A_51 = tpu.vector_load %arg10[%get3A] {strides = array<i32>} : memref<2000xi32, #tpu.memory_space<vmem>>, vector<16xi32>,
    %swap3A = arith.constant 0 : index
    %swap3A_52 = tpu.vector_load %arg12[%swap3A] {strides = array<i32>} : memref<80xi32, #tpu.memory_space<vmem>>, vector<16xi32>,
    tpu.vector_store %arg12[%swap3A], %get3A_51 {strides = array<i32>} : memref<80xi32, #tpu.memory_space<vmem>>, vector<16xi32>,
    %get3A_53 = arith.constant 0 : index
    %get3A_54 = tpu.vector_load %arg9[%get3A_53] {strides = array<i32>} : memref<2000xi32, #tpu.memory_space<vmem>>, vector<16xi32>,
    %mul3A_55 = arith.constant 2 : i32
    %mul3A_56 = vector.broadcast %mul3A_55 : i32 to vector<16xi32>
    %mul3A_57 = arith.muli %get3A_54, %mul3A_56 : vector<16xi32>
    %add3A_58 = vector.broadcast %arg0 : i32 to vector<16xi32>
    %add3A_59 = arith.addi %mul3A_57, %add3A_58 : vector<16xi32>
    %swap3A_60 = arith.constant 0 : index
    %swap3A_61 = tpu.vector_load %arg13[%swap3A_60] {strides = array<i32>} : memref<80xi32, #tpu.memory_space<vmem>>, vector<16xi32>,
    tpu.vector_store %arg13[%swap3A_60], %add3A_59 {strides = array<i32>} : memref<80xi32, #tpu.memory_space<vmem>>, vector<16xi32>,
    %gather3A = tpu.vector_load_idx %arg8[%get3A_51] : memref<10240xf32, #tpu.memory_space<vmem>>[vector<16xi32>], vector<16xf32>,
    %get3A_62 = arith.constant 0 : index
    %get3A_63 = tpu.vector_load %arg11[%get3A_62] {strides = array<i32>} : memref<2000xf32, #tpu.memory_space<vmem>>, vector<16xf32>,
    %div3A_64 = arith.divf %get3A_63, %gather3A : vector<16xf32>
    %swap3A_65 = arith.constant 0 : index
    %swap3A_66 = tpu.vector_load %arg14[%swap3A_65] {strides = array<i32>} : memref<80xf32, #tpu.memory_space<vmem>>, vector<16xf32>,
    tpu.vector_store %arg14[%swap3A_65], %div3A_64 {strides = array<i32>} : memref<80xf32, #tpu.memory_space<vmem>>, vector<16xf32>,
    %get3A_67 = arith.constant 16 : index
    %get3A_68 = tpu.vector_load %arg10[%get3A_67] {strides = array<i32>} : memref<2000xi32, #tpu.memory_space<vmem>>, vector<16xi32>,
    %swap3A_69 = arith.constant 16 : index
    %swap3A_70 = tpu.vector_load %arg12[%swap3A_69] {strides = array<i32>} : memref<80xi32, #tpu.memory_space<vmem>>, vector<16xi32>,
    tpu.vector_store %arg12[%swap3A_69], %get3A_68 {strides = array<i32>} : memref<80xi32, #tpu.memory_space<vmem>>, vector<16xi32>,
    %get3A_71 = arith.constant 16 : index
    %get3A_72 = tpu.vector_load %arg9[%get3A_71] {strides = array<i32>} : memref<2000xi32, #tpu.memory_space<vmem>>, vector<16xi32>,
    %mul3A_73 = arith.constant 2 : i32
    %mul3A_74 = vector.broadcast %mul3A_73 : i32 to vector<16xi32>
    %mul3A_75 = arith.muli %get3A_72, %mul3A_74 : vector<16xi32>
    %add3A_76 = vector.broadcast %arg0 : i32 to vector<16xi32>
    %add3A_77 = arith.addi %mul3A_75, %add3A_76 : vector<16xi32>
    %swap3A_78 = arith.constant 16 : index
    %swap3A_79 = tpu.vector_load %arg13[%swap3A_78] {strides = array<i32>} : memref<80xi32, #tpu.memory_space<vmem>>, vector<16xi32>,
    tpu.vector_store %arg13[%swap3A_78], %add3A_77 {strides = array<i32>} : memref<80xi32, #tpu.memory_space<vmem>>, vector<16xi32>,
    %gather3A_80 = tpu.vector_load_idx %arg8[%get3A_68] : memref<10240xf32, #tpu.memory_space<vmem>>[vector<16xi32>], vector<16xf32>,
    %get3A_81 = arith.constant 16 : index
    %get3A_82 = tpu.vector_load %arg11[%get3A_81] {strides = array<i32>} : memref<2000xf32, #tpu.memory_space<vmem>>, vector<16xf32>,
    %div3A_83 = arith.divf %get3A_82, %gather3A_80 : vector<16xf32>
    %swap3A_84 = arith.constant 16 : index
    %swap3A_85 = tpu.vector_load %arg14[%swap3A_84] {strides = array<i32>} : memref<80xf32, #tpu.memory_space<vmem>>, vector<16xf32>,
    tpu.vector_store %arg14[%swap3A_84], %div3A_83 {strides = array<i32>} : memref<80xf32, #tpu.memory_space<vmem>>, vector<16xf32>,
    %get3A_86 = arith.constant 32 : index
    %get3A_87 = tpu.vector_load %arg10[%get3A_86] {strides = array<i32>} : memref<2000xi32, #tpu.memory_space<vmem>>, vector<16xi32>,
    %swap3A_88 = arith.constant 32 : index
    %swap3A_89 = tpu.vector_load %arg12[%swap3A_88] {strides = array<i32>} : memref<80xi32, #tpu.memory_space<vmem>>, vector<16xi32>,
    tpu.vector_store %arg12[%swap3A_88], %get3A_87 {strides = array<i32>} : memref<80xi32, #tpu.memory_space<vmem>>, vector<16xi32>,
    %get3A_90 = arith.constant 32 : index
    %get3A_91 = tpu.vector_load %arg9[%get3A_90] {strides = array<i32>} : memref<2000xi32, #tpu.memory_space<vmem>>, vector<16xi32>,
    %mul3A_92 = arith.constant 2 : i32
    %mul3A_93 = vector.broadcast %mul3A_92 : i32 to vector<16xi32>
    %mul3A_94 = arith.muli %get3A_91, %mul3A_93 : vector<16xi32>
    %add3A_95 = vector.broadcast %arg0 : i32 to vector<16xi32>
    %add3A_96 = arith.addi %mul3A_94, %add3A_95 : vector<16xi32>
    %swap3A_97 = arith.constant 32 : index
    %swap3A_98 = tpu.vector_load %arg13[%swap3A_97] {strides = array<i32>} : memref<80xi32, #tpu.memory_space<vmem>>, vector<16xi32>,
    tpu.vector_store %arg13[%swap3A_97], %add3A_96 {strides = array<i32>} : memref<80xi32, #tpu.memory_space<vmem>>, vector<16xi32>,
    %gather3A_99 = tpu.vector_load_idx %arg8[%get3A_87] : memref<10240xf32, #tpu.memory_space<vmem>>[vector<16xi32>], vector<16xf32>,
    %get3A_100 = arith.constant 32 : index
    %get3A_101 = tpu.vector_load %arg11[%get3A_100] {strides = array<i32>} : memref<2000xf32, #tpu.memory_space<vmem>>, vector<16xf32>,
    %div3A_102 = arith.divf %get3A_101, %gather3A_99 : vector<16xf32>
    %swap3A_103 = arith.constant 32 : index
    %swap3A_104 = tpu.vector_load %arg14[%swap3A_103] {strides = array<i32>} : memref<80xf32, #tpu.memory_space<vmem>>, vector<16xf32>,
    tpu.vector_store %arg14[%swap3A_103], %div3A_102 {strides = array<i32>} : memref<80xf32, #tpu.memory_space<vmem>>, vector<16xf32>,
    %get3A_105 = arith.constant 48 : index
    %get3A_106 = tpu.vector_load %arg10[%get3A_105] {strides = array<i32>} : memref<2000xi32, #tpu.memory_space<vmem>>, vector<16xi32>,
    %swap3A_107 = arith.constant 48 : index
    %swap3A_108 = tpu.vector_load %arg12[%swap3A_107] {strides = array<i32>} : memref<80xi32, #tpu.memory_space<vmem>>, vector<16xi32>,
    tpu.vector_store %arg12[%swap3A_107], %get3A_106 {strides = array<i32>} : memref<80xi32, #tpu.memory_space<vmem>>, vector<16xi32>,
    %get3A_109 = arith.constant 48 : index
    %get3A_110 = tpu.vector_load %arg9[%get3A_109] {strides = array<i32>} : memref<2000xi32, #tpu.memory_space<vmem>>, vector<16xi32>,
    %mul3A_111 = arith.constant 2 : i32
    %mul3A_112 = vector.broadcast %mul3A_111 : i32 to vector<16xi32>
    %mul3A_113 = arith.muli %get3A_110, %mul3A_112 : vector<16xi32>
    %add3A_114 = vector.broadcast %arg0 : i32 to vector<16xi32>
    %add3A_115 = arith.addi %mul3A_113, %add3A_114 : vector<16xi32>
    %swap3A_116 = arith.constant 48 : index
    %swap3A_117 = tpu.vector_load %arg13[%swap3A_116] {strides = array<i32>} : memref<80xi32, #tpu.memory_space<vmem>>, vector<16xi32>,
    tpu.vector_store %arg13[%swap3A_116], %add3A_115 {strides = array<i32>} : memref<80xi32, #tpu.memory_space<vmem>>, vector<16xi32>,
    %gather3A_118 = tpu.vector_load_idx %arg8[%get3A_106] : memref<10240xf32, #tpu.memory_space<vmem>>[vector<16xi32>], vector<16xf32>,
    %get3A_119 = arith.constant 48 : index
    %get3A_120 = tpu.vector_load %arg11[%get3A_119] {strides = array<i32>} : memref<2000xf32, #tpu.memory_space<vmem>>, vector<16xf32>,
    %div3A_121 = arith.divf %get3A_120, %gather3A_118 : vector<16xf32>
    %swap3A_122 = arith.constant 48 : index
    %swap3A_123 = tpu.vector_load %arg14[%swap3A_122] {strides = array<i32>} : memref<80xf32, #tpu.memory_space<vmem>>, vector<16xf32>,
    tpu.vector_store %arg14[%swap3A_122], %div3A_121 {strides = array<i32>} : memref<80xf32, #tpu.memory_space<vmem>>, vector<16xf32>,
    %get3A_124 = arith.constant 64 : index
    %get3A_125 = tpu.vector_load %arg10[%get3A_124] {strides = array<i32>} : memref<2000xi32, #tpu.memory_space<vmem>>, vector<16xi32>,
    %swap3A_126 = arith.constant 64 : index
    %swap3A_127 = tpu.vector_load %arg12[%swap3A_126] {strides = array<i32>} : memref<80xi32, #tpu.memory_space<vmem>>, vector<16xi32>,
    tpu.vector_store %arg12[%swap3A_126], %get3A_125 {strides = array<i32>} : memref<80xi32, #tpu.memory_space<vmem>>, vector<16xi32>,
    %get3A_128 = arith.constant 64 : index
    %get3A_129 = tpu.vector_load %arg9[%get3A_128] {strides = array<i32>} : memref<2000xi32, #tpu.memory_space<vmem>>, vector<16xi32>,
    %mul3A_130 = arith.constant 2 : i32
    %mul3A_131 = vector.broadcast %mul3A_130 : i32 to vector<16xi32>
    %mul3A_132 = arith.muli %get3A_129, %mul3A_131 : vector<16xi32>
    %add3A_133 = vector.broadcast %arg0 : i32 to vector<16xi32>
    %add3A_134 = arith.addi %mul3A_132, %add3A_133 : vector<16xi32>
    %swap3A_135 = arith.constant 64 : index
    %swap3A_136 = tpu.vector_load %arg13[%swap3A_135] {strides = array<i32>} : memref<80xi32, #tpu.memory_space<vmem>>, vector<16xi32>,
    tpu.vector_store %arg13[%swap3A_135], %add3A_134 {strides = array<i32>} : memref<80xi32, #tpu.memory_space<vmem>>, vector<16xi32>,
    %gather3A_137 = tpu.vector_load_idx %arg8[%get3A_125] : memref<10240xf32, #tpu.memory_space<vmem>>[vector<16xi32>], vector<16xf32>,
    %get3A_138 = arith.constant 64 : index
    %get3A_139 = tpu.vector_load %arg11[%get3A_138] {strides = array<i32>} : memref<2000xf32, #tpu.memory_space<vmem>>, vector<16xf32>,
    %div3A_140 = arith.divf %get3A_139, %gather3A_137 : vector<16xf32>
    %swap3A_141 = arith.constant 64 : index
    %swap3A_142 = tpu.vector_load %arg14[%swap3A_141] {strides = array<i32>} : memref<80xf32, #tpu.memory_space<vmem>>, vector<16xf32>,
    tpu.vector_store %arg14[%swap3A_141], %div3A_140 {strides = array<i32>} : memref<80xf32, #tpu.memory_space<vmem>>, vector<16xf32>,
    %dma_start3A_143 = arith.constant 0 : i32
    %dma_start3A_144 = arith.constant 0 : i32
    %dma_start3A_145 = tpu.memref_slice %arg2[%dma_start3A_143, %dma_start3A_144] : memref<20000x128xf32, #tpu.memory_space<hbm>> -> memref<20000x128xf32, #tpu.memory_space<hbm>>
    tpu.enqueue_indirect_dma source(%dma_start3A_145 : memref<20000x128xf32, #tpu.memory_space<hbm>>) target(%arg15 : memref<80x128xf32, #tpu.memory_space<vmem>>) offsets(%arg13 : memref<80xi32, #tpu.memory_space<vmem>>) semaphore(%arg23 : memref<!tpu.dma_semaphore, #tpu.memory_space<semaphore_mem>>)
    %scan3A_146 = arith.constant 0 : i32
    %scan3A_147 = arith.constant 0 : i32
    %scan3A_148 = arith.constant 63 : i32
    %scan3A_149 = arith.addi %scan3A_147, %scan3A_148 : i32
    %scan3A_150 = arith.constant 1 : i32
    scf.for %scan3A_169 = %scan3A_147 to %scan3A_149 step %scan3A_150  : i32 {
      %mul3A_170 = arith.constant 2 : i32
      %mul3A_171 = arith.muli %scan3A_169, %mul3A_170 : i32
      %add3A_172 = arith.constant 0 : i32
      %add3A_173 = arith.addi %mul3A_171, %add3A_172 : i32
      %add3A_174 = arith.constant 1 : i32
      %add3A_175 = arith.addi %add3A_173, %add3A_174 : i32
      %lt3A = arith.constant 125 : i32
      %lt3A_176 = arith.cmpi slt, %add3A_175, %lt3A : i32
      %convert_element_type3A = arith.extui %lt3A_176 : i1 to i32
      %cond3A = arith.constant 0 : i32
      %cond3A_177 = arith.cmpi ne, %convert_element_type3A, %cond3A : i32
      scf.if %cond3A_177 {
        %ge3A = arith.constant 1 : i32
        %ge3A_199 = arith.cmpi sge, %add3A_173, %ge3A : i32
        %convert_element_type3A_200 = arith.extui %ge3A_199 : i1 to i32
        %cond3A_201 = arith.constant 0 : i32
        %cond3A_202 = arith.cmpi ne, %convert_element_type3A_200, %cond3A_201 : i32
        scf.if %cond3A_202 {
          %dma_wait3A_371 = arith.constant 0 : i32
          %dma_wait3A_372 = arith.constant 0 : i32
          %dma_wait3A_373 = tpu.memref_slice %arg22[%dma_wait3A_371, %dma_wait3A_372] : memref<10000x128xf32, #tpu.memory_space<vmem_shared>> -> memref<10000x128xf32, #tpu.memory_space<vmem_shared>>
          tpu.wait_indirect_dma semaphore(%arg27 : memref<!tpu.dma_semaphore, #tpu.memory_space<semaphore_mem>>) src(%arg19 : memref<80x128xf32, #tpu.memory_space<vmem>>) dst(%dma_wait3A_373 : memref<10000x128xf32, #tpu.memory_space<vmem_shared>>)
        } else {
        }
        %add3A_203 = arith.constant 1 : i32
        %add3A_204 = arith.addi %add3A_173, %add3A_203 : i32
        %jit3A_205 = arith.constant 25 : i32
        %eq3A = arith.constant 0 : i32
        %eq3A_206 = arith.cmpi eq, %jit3A_205, %eq3A : i32
        %jit3A_207 = arith.constant 1 : i32
        %select_n3A_208 = arith.select %eq3A_206, %jit3A_207, %jit3A_205 : i32
        %rem3A_209 = arith.remsi %add3A_204, %select_n3A_208 : i32
        %ne3A_210 = arith.constant 0 : i32
        %ne3A_211 = arith.cmpi ne, %rem3A_209, %ne3A_210 : i32
        %lt3A_212 = arith.constant 0 : i32
        %lt3A_213 = arith.cmpi slt, %rem3A_209, %lt3A_212 : i32
        %lt3A_214 = arith.constant 0 : i32
        %lt3A_215 = arith.cmpi slt, %select_n3A_208, %lt3A_214 : i32
        %ne3A_216 = arith.xori %lt3A_213, %lt3A_215 : i1
        %and3A_217 = arith.andi %ne3A_216, %ne3A_211 : i1
        %add3A_218 = arith.addi %rem3A_209, %select_n3A_208 : i32
        %select_n3A_219 = arith.select %and3A_217, %add3A_218, %rem3A_209 : i32
        %eq3A_220 = arith.constant 0 : i32
        %eq3A_221 = arith.cmpi eq, %select_n3A_219, %eq3A_220 : i32
        %convert_element_type3A_222 = arith.extui %eq3A_221 : i1 to i32
        %cond3A_223 = arith.constant 0 : i32
        %cond3A_224 = arith.cmpi ne, %convert_element_type3A_222, %cond3A_223 : i32
        scf.if %cond3A_224 {
          %jit3A_371 = arith.constant 25 : i32
          %div3A_372 = arith.divsi %add3A_204, %jit3A_371 : i32
          %sign3A_373 = arith.constant 0 : i32
          %sign3A_374 = arith.cmpi sgt, %add3A_204, %sign3A_373 : i32
          %sign3A_375 = arith.extui %sign3A_374 : i1 to i32
          %sign3A_376 = arith.constant 0 : i32
          %sign3A_377 = arith.cmpi slt, %add3A_204, %sign3A_376 : i32
          %sign3A_378 = arith.extui %sign3A_377 : i1 to i32
          %sign3A_379 = arith.subi %sign3A_375, %sign3A_378 : i32
          %sign3A_380 = arith.constant 0 : i32
          %sign3A_381 = arith.cmpi sgt, %jit3A_371, %sign3A_380 : i32
          %sign3A_382 = arith.extui %sign3A_381 : i1 to i32
          %sign3A_383 = arith.constant 0 : i32
          %sign3A_384 = arith.cmpi slt, %jit3A_371, %sign3A_383 : i32
          %sign3A_385 = arith.extui %sign3A_384 : i1 to i32
          %sign3A_386 = arith.subi %sign3A_382, %sign3A_385 : i32
          %ne3A_387 = arith.cmpi ne, %sign3A_379, %sign3A_386 : i32
          %rem3A_388 = arith.remsi %add3A_204, %jit3A_371 : i32
          %ne3A_389 = arith.constant 0 : i32
          %ne3A_390 = arith.cmpi ne, %rem3A_388, %ne3A_389 : i32
          %and3A_391 = arith.andi %ne3A_387, %ne3A_390 : i1
          %sub3A_392 = arith.constant 1 : i32
          %sub3A_393 = arith.subi %div3A_372, %sub3A_392 : i32
          %select_n3A_394 = arith.select %and3A_391, %sub3A_393, %div3A_372 : i32
          %mul3A_395 = arith.constant 2000 : i32
          %mul3A_396 = arith.muli %select_n3A_394, %mul3A_395 : i32
          %add3A_397 = arith.addi %mul3A_38, %mul3A_396 : i32
          %dma_start3A_398 = tpu.memref_slice %arg5[%add3A_397] : memref<160000xi32, #tpu.memory_space<hbm>> -> memref<2000xi32, #tpu.memory_space<hbm>>
          %dma_start3A_399 = tpu.memref_slice %arg5[%add3A_397] : memref<160000xi32, #tpu.memory_space<hbm>> -> memref<2000xi32, #tpu.memory_space<hbm>>
          tpu.enqueue_dma source(%dma_start3A_399 : memref<2000xi32, #tpu.memory_space<hbm>>) target(%arg9 : memref<2000xi32, #tpu.memory_space<vmem>>) target_semaphore(%arg25 : memref<!tpu.dma_semaphore, #tpu.memory_space<semaphore_mem>>)
          %dma_start3A_400 = tpu.memref_slice %arg6[%add3A_397] : memref<160000xi32, #tpu.memory_space<hbm>> -> memref<2000xi32, #tpu.memory_space<hbm>>
          %dma_start3A_401 = tpu.memref_slice %arg6[%add3A_397] : memref<160000xi32, #tpu.memory_space<hbm>> -> memref<2000xi32, #tpu.memory_space<hbm>>
          tpu.enqueue_dma source(%dma_start3A_401 : memref<2000xi32, #tpu.memory_space<hbm>>) target(%arg10 : memref<2000xi32, #tpu.memory_space<vmem>>) target_semaphore(%arg25 : memref<!tpu.dma_semaphore, #tpu.memory_space<semaphore_mem>>)
          %dma_start3A_402 = tpu.memref_slice %arg3[%add3A_397] : memref<160000xf32, #tpu.memory_space<hbm>> -> memref<2000xf32, #tpu.memory_space<hbm>>
          %dma_start3A_403 = tpu.memref_slice %arg3[%add3A_397] : memref<160000xf32, #tpu.memory_space<hbm>> -> memref<2000xf32, #tpu.memory_space<hbm>>
          tpu.enqueue_dma source(%dma_start3A_403 : memref<2000xf32, #tpu.memory_space<hbm>>) target(%arg11 : memref<2000xf32, #tpu.memory_space<vmem>>) target_semaphore(%arg25 : memref<!tpu.dma_semaphore, #tpu.memory_space<semaphore_mem>>)
          %dma_wait3A_404 = tpu.memref_slice %arg5[%add3A_397] : memref<160000xi32, #tpu.memory_space<hbm>> -> memref<2000xi32, #tpu.memory_space<hbm>>
          %dma_wait3A_405 = tpu.memref_slice %arg5[%add3A_397] : memref<160000xi32, #tpu.memory_space<hbm>> -> memref<2000xi32, #tpu.memory_space<hbm>>
          tpu.wait_dma2 semaphore(%arg25 : memref<!tpu.dma_semaphore, #tpu.memory_space<semaphore_mem>>) src(%dma_wait3A_405 : memref<2000xi32, #tpu.memory_space<hbm>>) dst(%arg9 : memref<2000xi32, #tpu.memory_space<vmem>>)
          %dma_wait3A_406 = tpu.memref_slice %arg6[%add3A_397] : memref<160000xi32, #tpu.memory_space<hbm>> -> memref<2000xi32, #tpu.memory_space<hbm>>
          %dma_wait3A_407 = tpu.memref_slice %arg6[%add3A_397] : memref<160000xi32, #tpu.memory_space<hbm>> -> memref<2000xi32, #tpu.memory_space<hbm>>
          tpu.wait_dma2 semaphore(%arg25 : memref<!tpu.dma_semaphore, #tpu.memory_space<semaphore_mem>>) src(%dma_wait3A_407 : memref<2000xi32, #tpu.memory_space<hbm>>) dst(%arg10 : memref<2000xi32, #tpu.memory_space<vmem>>)
          %dma_wait3A_408 = tpu.memref_slice %arg3[%add3A_397] : memref<160000xf32, #tpu.memory_space<hbm>> -> memref<2000xf32, #tpu.memory_space<hbm>>
          %dma_wait3A_409 = tpu.memref_slice %arg3[%add3A_397] : memref<160000xf32, #tpu.memory_space<hbm>> -> memref<2000xf32, #tpu.memory_space<hbm>>
          tpu.wait_dma2 semaphore(%arg25 : memref<!tpu.dma_semaphore, #tpu.memory_space<semaphore_mem>>) src(%dma_wait3A_409 : memref<2000xf32, #tpu.memory_space<hbm>>) dst(%arg11 : memref<2000xf32, #tpu.memory_space<vmem>>)
        } else {
        }
        %jit3A_225 = arith.constant 25 : i32
        %eq3A_226 = arith.constant 0 : i32
        %eq3A_227 = arith.cmpi eq, %jit3A_225, %eq3A_226 : i32
        %jit3A_228 = arith.constant 1 : i32
        %select_n3A_229 = arith.select %eq3A_227, %jit3A_228, %jit3A_225 : i32
        %rem3A_230 = arith.remsi %add3A_204, %select_n3A_229 : i32
        %ne3A_231 = arith.constant 0 : i32
        %ne3A_232 = arith.cmpi ne, %rem3A_230, %ne3A_231 : i32
        %lt3A_233 = arith.constant 0 : i32
        %lt3A_234 = arith.cmpi slt, %rem3A_230, %lt3A_233 : i32
        %lt3A_235 = arith.constant 0 : i32
        %lt3A_236 = arith.cmpi slt, %select_n3A_229, %lt3A_235 : i32
        %ne3A_237 = arith.xori %lt3A_234, %lt3A_236 : i1
        %and3A_238 = arith.andi %ne3A_237, %ne3A_232 : i1
        %add3A_239 = arith.addi %rem3A_230, %select_n3A_229 : i32
        %select_n3A_240 = arith.select %and3A_238, %add3A_239, %rem3A_230 : i32
        %mul3A_241 = arith.constant 80 : i32
        %mul3A_242 = arith.muli %select_n3A_240, %mul3A_241 : i32
        %add3A_243 = arith.constant 0 : i32
        %add3A_244 = arith.addi %mul3A_242, %add3A_243 : i32
        %get3A_245 = arith.index_cast %add3A_244 : i32 to index
        %get3A_246 = tpu.vector_load %arg10[%get3A_245] {strides = array<i32>} : memref<2000xi32, #tpu.memory_space<vmem>>, vector<16xi32>,
        %swap3A_247 = arith.constant 0 : index
        %swap3A_248 = tpu.vector_load %arg16[%swap3A_247] {strides = array<i32>} : memref<80xi32, #tpu.memory_space<vmem>>, vector<16xi32>,
        tpu.vector_store %arg16[%swap3A_247], %get3A_246 {strides = array<i32>} : memref<80xi32, #tpu.memory_space<vmem>>, vector<16xi32>,
        %add3A_249 = arith.constant 0 : i32
        %add3A_250 = arith.addi %mul3A_242, %add3A_249 : i32
        %get3A_251 = arith.index_cast %add3A_250 : i32 to index
        %get3A_252 = tpu.vector_load %arg9[%get3A_251] {strides = array<i32>} : memref<2000xi32, #tpu.memory_space<vmem>>, vector<16xi32>,
        %mul3A_253 = arith.constant 2 : i32
        %mul3A_254 = vector.broadcast %mul3A_253 : i32 to vector<16xi32>
        %mul3A_255 = arith.muli %get3A_252, %mul3A_254 : vector<16xi32>
        %add3A_256 = vector.broadcast %arg0 : i32 to vector<16xi32>
        %add3A_257 = arith.addi %mul3A_255, %add3A_256 : vector<16xi32>
        %swap3A_258 = arith.constant 0 : index
        %swap3A_259 = tpu.vector_load %arg17[%swap3A_258] {strides = array<i32>} : memref<80xi32, #tpu.memory_space<vmem>>, vector<16xi32>,
        tpu.vector_store %arg17[%swap3A_258], %add3A_257 {strides = array<i32>} : memref<80xi32, #tpu.memory_space<vmem>>, vector<16xi32>,
        %gather3A_260 = tpu.vector_load_idx %arg8[%get3A_246] : memref<10240xf32, #tpu.memory_space<vmem>>[vector<16xi32>], vector<16xf32>,
        %add3A_261 = arith.constant 0 : i32
        %add3A_262 = arith.addi %mul3A_242, %add3A_261 : i32
        %get3A_263 = arith.index_cast %add3A_262 : i32 to index
        %get3A_264 = tpu.vector_load %arg11[%get3A_263] {strides = array<i32>} : memref<2000xf32, #tpu.memory_space<vmem>>, vector<16xf32>,
        %div3A_265 = arith.divf %get3A_264, %gather3A_260 : vector<16xf32>
        %swap3A_266 = arith.constant 0 : index
        %swap3A_267 = tpu.vector_load %arg18[%swap3A_266] {strides = array<i32>} : memref<80xf32, #tpu.memory_space<vmem>>, vector<16xf32>,
        tpu.vector_store %arg18[%swap3A_266], %div3A_265 {strides = array<i32>} : memref<80xf32, #tpu.memory_space<vmem>>, vector<16xf32>,
        %add3A_268 = arith.constant 16 : i32
        %add3A_269 = arith.addi %mul3A_242, %add3A_268 : i32
        %get3A_270 = arith.index_cast %add3A_269 : i32 to index
        %get3A_271 = tpu.vector_load %arg10[%get3A_270] {strides = array<i32>} : memref<2000xi32, #tpu.memory_space<vmem>>, vector<16xi32>,
        %swap3A_272 = arith.constant 16 : index
        %swap3A_273 = tpu.vector_load %arg16[%swap3A_272] {strides = array<i32>} : memref<80xi32, #tpu.memory_space<vmem>>, vector<16xi32>,
        tpu.vector_store %arg16[%swap3A_272], %get3A_271 {strides = array<i32>} : memref<80xi32, #tpu.memory_space<vmem>>, vector<16xi32>,
        %add3A_274 = arith.constant 16 : i32
        %add3A_275 = arith.addi %mul3A_242, %add3A_274 : i32
        %get3A_276 = arith.index_cast %add3A_275 : i32 to index
        %get3A_277 = tpu.vector_load %arg9[%get3A_276] {strides = array<i32>} : memref<2000xi32, #tpu.memory_space<vmem>>, vector<16xi32>,
        %mul3A_278 = arith.constant 2 : i32
        %mul3A_279 = vector.broadcast %mul3A_278 : i32 to vector<16xi32>
        %mul3A_280 = arith.muli %get3A_277, %mul3A_279 : vector<16xi32>
        %add3A_281 = vector.broadcast %arg0 : i32 to vector<16xi32>
        %add3A_282 = arith.addi %mul3A_280, %add3A_281 : vector<16xi32>
        %swap3A_283 = arith.constant 16 : index
        %swap3A_284 = tpu.vector_load %arg17[%swap3A_283] {strides = array<i32>} : memref<80xi32, #tpu.memory_space<vmem>>, vector<16xi32>,
        tpu.vector_store %arg17[%swap3A_283], %add3A_282 {strides = array<i32>} : memref<80xi32, #tpu.memory_space<vmem>>, vector<16xi32>,
        %gather3A_285 = tpu.vector_load_idx %arg8[%get3A_271] : memref<10240xf32, #tpu.memory_space<vmem>>[vector<16xi32>], vector<16xf32>,
        %add3A_286 = arith.constant 16 : i32
        %add3A_287 = arith.addi %mul3A_242, %add3A_286 : i32
        %get3A_288 = arith.index_cast %add3A_287 : i32 to index
        %get3A_289 = tpu.vector_load %arg11[%get3A_288] {strides = array<i32>} : memref<2000xf32, #tpu.memory_space<vmem>>, vector<16xf32>,
        %div3A_290 = arith.divf %get3A_289, %gather3A_285 : vector<16xf32>
        %swap3A_291 = arith.constant 16 : index
        %swap3A_292 = tpu.vector_load %arg18[%swap3A_291] {strides = array<i32>} : memref<80xf32, #tpu.memory_space<vmem>>, vector<16xf32>,
        tpu.vector_store %arg18[%swap3A_291], %div3A_290 {strides = array<i32>} : memref<80xf32, #tpu.memory_space<vmem>>, vector<16xf32>,
        %add3A_293 = arith.constant 32 : i32
        %add3A_294 = arith.addi %mul3A_242, %add3A_293 : i32
        %get3A_295 = arith.index_cast %add3A_294 : i32 to index
        %get3A_296 = tpu.vector_load %arg10[%get3A_295] {strides = array<i32>} : memref<2000xi32, #tpu.memory_space<vmem>>, vector<16xi32>,
        %swap3A_297 = arith.constant 32 : index
        %swap3A_298 = tpu.vector_load %arg16[%swap3A_297] {strides = array<i32>} : memref<80xi32, #tpu.memory_space<vmem>>, vector<16xi32>,
        tpu.vector_store %arg16[%swap3A_297], %get3A_296 {strides = array<i32>} : memref<80xi32, #tpu.memory_space<vmem>>, vector<16xi32>,
        %add3A_299 = arith.constant 32 : i32
        %add3A_300 = arith.addi %mul3A_242, %add3A_299 : i32
        %get3A_301 = arith.index_cast %add3A_300 : i32 to index
        %get3A_302 = tpu.vector_load %arg9[%get3A_301] {strides = array<i32>} : memref<2000xi32, #tpu.memory_space<vmem>>, vector<16xi32>,
        %mul3A_303 = arith.constant 2 : i32
        %mul3A_304 = vector.broadcast %mul3A_303 : i32 to vector<16xi32>
        %mul3A_305 = arith.muli %get3A_302, %mul3A_304 : vector<16xi32>
        %add3A_306 = vector.broadcast %arg0 : i32 to vector<16xi32>
        %add3A_307 = arith.addi %mul3A_305, %add3A_306 : vector<16xi32>
        %swap3A_308 = arith.constant 32 : index
        %swap3A_309 = tpu.vector_load %arg17[%swap3A_308] {strides = array<i32>} : memref<80xi32, #tpu.memory_space<vmem>>, vector<16xi32>,
        tpu.vector_store %arg17[%swap3A_308], %add3A_307 {strides = array<i32>} : memref<80xi32, #tpu.memory_space<vmem>>, vector<16xi32>,
        %gather3A_310 = tpu.vector_load_idx %arg8[%get3A_296] : memref<10240xf32, #tpu.memory_space<vmem>>[vector<16xi32>], vector<16xf32>,
        %add3A_311 = arith.constant 32 : i32
        %add3A_312 = arith.addi %mul3A_242, %add3A_311 : i32
        %get3A_313 = arith.index_cast %add3A_312 : i32 to index
        %get3A_314 = tpu.vector_load %arg11[%get3A_313] {strides = array<i32>} : memref<2000xf32, #tpu.memory_space<vmem>>, vector<16xf32>,
        %div3A_315 = arith.divf %get3A_314, %gather3A_310 : vector<16xf32>
        %swap3A_316 = arith.constant 32 : index
        %swap3A_317 = tpu.vector_load %arg18[%swap3A_316] {strides = array<i32>} : memref<80xf32, #tpu.memory_space<vmem>>, vector<16xf32>,
        tpu.vector_store %arg18[%swap3A_316], %div3A_315 {strides = array<i32>} : memref<80xf32, #tpu.memory_space<vmem>>, vector<16xf32>,
        %add3A_318 = arith.constant 48 : i32
        %add3A_319 = arith.addi %mul3A_242, %add3A_318 : i32
        %get3A_320 = arith.index_cast %add3A_319 : i32 to index
        %get3A_321 = tpu.vector_load %arg10[%get3A_320] {strides = array<i32>} : memref<2000xi32, #tpu.memory_space<vmem>>, vector<16xi32>,
        %swap3A_322 = arith.constant 48 : index
        %swap3A_323 = tpu.vector_load %arg16[%swap3A_322] {strides = array<i32>} : memref<80xi32, #tpu.memory_space<vmem>>, vector<16xi32>,
        tpu.vector_store %arg16[%swap3A_322], %get3A_321 {strides = array<i32>} : memref<80xi32, #tpu.memory_space<vmem>>, vector<16xi32>,
        %add3A_324 = arith.constant 48 : i32
        %add3A_325 = arith.addi %mul3A_242, %add3A_324 : i32
        %get3A_326 = arith.index_cast %add3A_325 : i32 to index
        %get3A_327 = tpu.vector_load %arg9[%get3A_326] {strides = array<i32>} : memref<2000xi32, #tpu.memory_space<vmem>>, vector<16xi32>,
        %mul3A_328 = arith.constant 2 : i32
        %mul3A_329 = vector.broadcast %mul3A_328 : i32 to vector<16xi32>
        %mul3A_330 = arith.muli %get3A_327, %mul3A_329 : vector<16xi32>
        %add3A_331 = vector.broadcast %arg0 : i32 to vector<16xi32>
        %add3A_332 = arith.addi %mul3A_330, %add3A_331 : vector<16xi32>
        %swap3A_333 = arith.constant 48 : index
        %swap3A_334 = tpu.vector_load %arg17[%swap3A_333] {strides = array<i32>} : memref<80xi32, #tpu.memory_space<vmem>>, vector<16xi32>,
        tpu.vector_store %arg17[%swap3A_333], %add3A_332 {strides = array<i32>} : memref<80xi32, #tpu.memory_space<vmem>>, vector<16xi32>,
        %gather3A_335 = tpu.vector_load_idx %arg8[%get3A_321] : memref<10240xf32, #tpu.memory_space<vmem>>[vector<16xi32>], vector<16xf32>,
        %add3A_336 = arith.constant 48 : i32
        %add3A_337 = arith.addi %mul3A_242, %add3A_336 : i32
        %get3A_338 = arith.index_cast %add3A_337 : i32 to index
        %get3A_339 = tpu.vector_load %arg11[%get3A_338] {strides = array<i32>} : memref<2000xf32, #tpu.memory_space<vmem>>, vector<16xf32>,
        %div3A_340 = arith.divf %get3A_339, %gather3A_335 : vector<16xf32>
        %swap3A_341 = arith.constant 48 : index
        %swap3A_342 = tpu.vector_load %arg18[%swap3A_341] {strides = array<i32>} : memref<80xf32, #tpu.memory_space<vmem>>, vector<16xf32>,
        tpu.vector_store %arg18[%swap3A_341], %div3A_340 {strides = array<i32>} : memref<80xf32, #tpu.memory_space<vmem>>, vector<16xf32>,
        %add3A_343 = arith.constant 64 : i32
        %add3A_344 = arith.addi %mul3A_242, %add3A_343 : i32
        %get3A_345 = arith.index_cast %add3A_344 : i32 to index
        %get3A_346 = tpu.vector_load %arg10[%get3A_345] {strides = array<i32>} : memref<2000xi32, #tpu.memory_space<vmem>>, vector<16xi32>,
        %swap3A_347 = arith.constant 64 : index
        %swap3A_348 = tpu.vector_load %arg16[%swap3A_347] {strides = array<i32>} : memref<80xi32, #tpu.memory_space<vmem>>, vector<16xi32>,
        tpu.vector_store %arg16[%swap3A_347], %get3A_346 {strides = array<i32>} : memref<80xi32, #tpu.memory_space<vmem>>, vector<16xi32>,
        %add3A_349 = arith.constant 64 : i32
        %add3A_350 = arith.addi %mul3A_242, %add3A_349 : i32
        %get3A_351 = arith.index_cast %add3A_350 : i32 to index
        %get3A_352 = tpu.vector_load %arg9[%get3A_351] {strides = array<i32>} : memref<2000xi32, #tpu.memory_space<vmem>>, vector<16xi32>,
        %mul3A_353 = arith.constant 2 : i32
        %mul3A_354 = vector.broadcast %mul3A_353 : i32 to vector<16xi32>
        %mul3A_355 = arith.muli %get3A_352, %mul3A_354 : vector<16xi32>
        %add3A_356 = vector.broadcast %arg0 : i32 to vector<16xi32>
        %add3A_357 = arith.addi %mul3A_355, %add3A_356 : vector<16xi32>
        %swap3A_358 = arith.constant 64 : index
        %swap3A_359 = tpu.vector_load %arg17[%swap3A_358] {strides = array<i32>} : memref<80xi32, #tpu.memory_space<vmem>>, vector<16xi32>,
        tpu.vector_store %arg17[%swap3A_358], %add3A_357 {strides = array<i32>} : memref<80xi32, #tpu.memory_space<vmem>>, vector<16xi32>,
        %gather3A_360 = tpu.vector_load_idx %arg8[%get3A_346] : memref<10240xf32, #tpu.memory_space<vmem>>[vector<16xi32>], vector<16xf32>,
        %add3A_361 = arith.constant 64 : i32
        %add3A_362 = arith.addi %mul3A_242, %add3A_361 : i32
        %get3A_363 = arith.index_cast %add3A_362 : i32 to index
        %get3A_364 = tpu.vector_load %arg11[%get3A_363] {strides = array<i32>} : memref<2000xf32, #tpu.memory_space<vmem>>, vector<16xf32>,
        %div3A_365 = arith.divf %get3A_364, %gather3A_360 : vector<16xf32>
        %swap3A_366 = arith.constant 64 : index
        %swap3A_367 = tpu.vector_load %arg18[%swap3A_366] {strides = array<i32>} : memref<80xf32, #tpu.memory_space<vmem>>, vector<16xf32>,
        tpu.vector_store %arg18[%swap3A_366], %div3A_365 {strides = array<i32>} : memref<80xf32, #tpu.memory_space<vmem>>, vector<16xf32>,
        %dma_start3A_368 = arith.constant 0 : i32
        %dma_start3A_369 = arith.constant 0 : i32
        %dma_start3A_370 = tpu.memref_slice %arg2[%dma_start3A_368, %dma_start3A_369] : memref<20000x128xf32, #tpu.memory_space<hbm>> -> memref<20000x128xf32, #tpu.memory_space<hbm>>
        tpu.enqueue_indirect_dma source(%dma_start3A_370 : memref<20000x128xf32, #tpu.memory_space<hbm>>) target(%arg19 : memref<80x128xf32, #tpu.memory_space<vmem>>) offsets(%arg17 : memref<80xi32, #tpu.memory_space<vmem>>) semaphore(%arg24 : memref<!tpu.dma_semaphore, #tpu.memory_space<semaphore_mem>>)
      } else {
      }
      %lt3A_178 = arith.constant 125 : i32
      %lt3A_179 = arith.cmpi slt, %add3A_173, %lt3A_178 : i32
      %convert_element_type3A_180 = arith.extui %lt3A_179 : i1 to i32
      %cond3A_181 = arith.constant 0 : i32
      %cond3A_182 = arith.cmpi ne, %convert_element_type3A_180, %cond3A_181 : i32
      scf.if %cond3A_182 {
        %dma_wait3A_199 = arith.constant 0 : i32
        %dma_wait3A_200 = arith.constant 0 : i32
        %dma_wait3A_201 = tpu.memref_slice %arg2[%dma_wait3A_199, %dma_wait3A_200] : memref<20000x128xf32, #tpu.memory_space<hbm>> -> memref<20000x128xf32, #tpu.memory_space<hbm>>
        tpu.wait_indirect_dma semaphore(%arg23 : memref<!tpu.dma_semaphore, #tpu.memory_space<semaphore_mem>>) src(%dma_wait3A_201 : memref<20000x128xf32, #tpu.memory_space<hbm>>) dst(%arg15 : memref<80x128xf32, #tpu.memory_space<vmem>>)
        %scan3A_202 = arith.constant 0 : i32
        %scan3A_203 = arith.constant 0 : i32
        %scan3A_204 = arith.constant 20 : i32
        %scan3A_205 = arith.addi %scan3A_203, %scan3A_204 : i32
        %scan3A_206 = arith.constant 1 : i32
        scf.for %scan3A_211 = %scan3A_203 to %scan3A_205 step %scan3A_206  : i32 {
          %mul3A_212 = arith.constant 4 : i32
          %mul3A_213 = arith.muli %scan3A_211, %mul3A_212 : i32
          %add3A_214 = arith.constant 0 : i32
          %add3A_215 = arith.addi %mul3A_213, %add3A_214 : i32
          %add3A_216 = vector.broadcast %add3A_215 : i32 to vector<16xi32>
          %add3A_217 = arith.addi %broadcast_in_dim3A_37, %add3A_216 : vector<16xi32>
          %gather3A_218 = tpu.vector_load_idx %arg14[%add3A_217] : memref<80xf32, #tpu.memory_space<vmem>>[vector<16xi32>], vector<16xf32>,
          %get3A_219 = arith.index_cast %add3A_215 : i32 to index
          %get3A_220 = arith.constant 0 : index
          %get3A_221 = tpu.vector_load %arg15[%get3A_219, %get3A_220] {strides = array<i32>} : memref<80x128xf32, #tpu.memory_space<vmem>>, vector<16xf32>,
          %mul3A_222 = arith.mulf %get3A_221, %gather3A_218 : vector<16xf32>
          %swap3A_223 = arith.index_cast %add3A_215 : i32 to index
          %swap3A_224 = arith.constant 0 : index
          %swap3A_225 = tpu.vector_load %arg15[%swap3A_223, %swap3A_224] {strides = array<i32>} : memref<80x128xf32, #tpu.memory_space<vmem>>, vector<16xf32>,
          tpu.vector_store %arg15[%swap3A_223, %swap3A_224], %mul3A_222 {strides = array<i32>} : memref<80x128xf32, #tpu.memory_space<vmem>>, vector<16xf32>,
          %get3A_226 = arith.index_cast %add3A_215 : i32 to index
          %get3A_227 = arith.constant 16 : index
          %get3A_228 = tpu.vector_load %arg15[%get3A_226, %get3A_227] {strides = array<i32>} : memref<80x128xf32, #tpu.memory_space<vmem>>, vector<16xf32>,
          %mul3A_229 = arith.mulf %get3A_228, %gather3A_218 : vector<16xf32>
          %swap3A_230 = arith.index_cast %add3A_215 : i32 to index
          %swap3A_231 = arith.constant 16 : index
          %swap3A_232 = tpu.vector_load %arg15[%swap3A_230, %swap3A_231] {strides = array<i32>} : memref<80x128xf32, #tpu.memory_space<vmem>>, vector<16xf32>,
          tpu.vector_store %arg15[%swap3A_230, %swap3A_231], %mul3A_229 {strides = array<i32>} : memref<80x128xf32, #tpu.memory_space<vmem>>, vector<16xf32>,
          %get3A_233 = arith.index_cast %add3A_215 : i32 to index
          %get3A_234 = arith.constant 32 : index
          %get3A_235 = tpu.vector_load %arg15[%get3A_233, %get3A_234] {strides = array<i32>} : memref<80x128xf32, #tpu.memory_space<vmem>>, vector<16xf32>,
          %mul3A_236 = arith.mulf %get3A_235, %gather3A_218 : vector<16xf32>
          %swap3A_237 = arith.index_cast %add3A_215 : i32 to index
          %swap3A_238 = arith.constant 32 : index
          %swap3A_239 = tpu.vector_load %arg15[%swap3A_237, %swap3A_238] {strides = array<i32>} : memref<80x128xf32, #tpu.memory_space<vmem>>, vector<16xf32>,
          tpu.vector_store %arg15[%swap3A_237, %swap3A_238], %mul3A_236 {strides = array<i32>} : memref<80x128xf32, #tpu.memory_space<vmem>>, vector<16xf32>,
          %get3A_240 = arith.index_cast %add3A_215 : i32 to index
          %get3A_241 = arith.constant 48 : index
          %get3A_242 = tpu.vector_load %arg15[%get3A_240, %get3A_241] {strides = array<i32>} : memref<80x128xf32, #tpu.memory_space<vmem>>, vector<16xf32>,
          %mul3A_243 = arith.mulf %get3A_242, %gather3A_218 : vector<16xf32>
          %swap3A_244 = arith.index_cast %add3A_215 : i32 to index
          %swap3A_245 = arith.constant 48 : index
          %swap3A_246 = tpu.vector_load %arg15[%swap3A_244, %swap3A_245] {strides = array<i32>} : memref<80x128xf32, #tpu.memory_space<vmem>>, vector<16xf32>,
          tpu.vector_store %arg15[%swap3A_244, %swap3A_245], %mul3A_243 {strides = array<i32>} : memref<80x128xf32, #tpu.memory_space<vmem>>, vector<16xf32>,
          %get3A_247 = arith.index_cast %add3A_215 : i32 to index
          %get3A_248 = arith.constant 64 : index
          %get3A_249 = tpu.vector_load %arg15[%get3A_247, %get3A_248] {strides = array<i32>} : memref<80x128xf32, #tpu.memory_space<vmem>>, vector<16xf32>,
          %mul3A_250 = arith.mulf %get3A_249, %gather3A_218 : vector<16xf32>
          %swap3A_251 = arith.index_cast %add3A_215 : i32 to index
          %swap3A_252 = arith.constant 64 : index
          %swap3A_253 = tpu.vector_load %arg15[%swap3A_251, %swap3A_252] {strides = array<i32>} : memref<80x128xf32, #tpu.memory_space<vmem>>, vector<16xf32>,
          tpu.vector_store %arg15[%swap3A_251, %swap3A_252], %mul3A_250 {strides = array<i32>} : memref<80x128xf32, #tpu.memory_space<vmem>>, vector<16xf32>,
          %get3A_254 = arith.index_cast %add3A_215 : i32 to index
          %get3A_255 = arith.constant 80 : index
          %get3A_256 = tpu.vector_load %arg15[%get3A_254, %get3A_255] {strides = array<i32>} : memref<80x128xf32, #tpu.memory_space<vmem>>, vector<16xf32>,
          %mul3A_257 = arith.mulf %get3A_256, %gather3A_218 : vector<16xf32>
          %swap3A_258 = arith.index_cast %add3A_215 : i32 to index
          %swap3A_259 = arith.constant 80 : index
          %swap3A_260 = tpu.vector_load %arg15[%swap3A_258, %swap3A_259] {strides = array<i32>} : memref<80x128xf32, #tpu.memory_space<vmem>>, vector<16xf32>,
          tpu.vector_store %arg15[%swap3A_258, %swap3A_259], %mul3A_257 {strides = array<i32>} : memref<80x128xf32, #tpu.memory_space<vmem>>, vector<16xf32>,
          %get3A_261 = arith.index_cast %add3A_215 : i32 to index
          %get3A_262 = arith.constant 96 : index
          %get3A_263 = tpu.vector_load %arg15[%get3A_261, %get3A_262] {strides = array<i32>} : memref<80x128xf32, #tpu.memory_space<vmem>>, vector<16xf32>,
          %mul3A_264 = arith.mulf %get3A_263, %gather3A_218 : vector<16xf32>
          %swap3A_265 = arith.index_cast %add3A_215 : i32 to index
          %swap3A_266 = arith.constant 96 : index
          %swap3A_267 = tpu.vector_load %arg15[%swap3A_265, %swap3A_266] {strides = array<i32>} : memref<80x128xf32, #tpu.memory_space<vmem>>, vector<16xf32>,
          tpu.vector_store %arg15[%swap3A_265, %swap3A_266], %mul3A_264 {strides = array<i32>} : memref<80x128xf32, #tpu.memory_space<vmem>>, vector<16xf32>,
          %get3A_268 = arith.index_cast %add3A_215 : i32 to index
          %get3A_269 = arith.constant 112 : index
          %get3A_270 = tpu.vector_load %arg15[%get3A_268, %get3A_269] {strides = array<i32>} : memref<80x128xf32, #tpu.memory_space<vmem>>, vector<16xf32>,
          %mul3A_271 = arith.mulf %get3A_270, %gather3A_218 : vector<16xf32>
          %swap3A_272 = arith.index_cast %add3A_215 : i32 to index
          %swap3A_273 = arith.constant 112 : index
          %swap3A_274 = tpu.vector_load %arg15[%swap3A_272, %swap3A_273] {strides = array<i32>} : memref<80x128xf32, #tpu.memory_space<vmem>>, vector<16xf32>,
          tpu.vector_store %arg15[%swap3A_272, %swap3A_273], %mul3A_271 {strides = array<i32>} : memref<80x128xf32, #tpu.memory_space<vmem>>, vector<16xf32>,
          %mul3A_275 = arith.constant 4 : i32
          %mul3A_276 = arith.muli %scan3A_211, %mul3A_275 : i32
          %add3A_277 = arith.constant 1 : i32
          %add3A_278 = arith.addi %mul3A_276, %add3A_277 : i32
          %add3A_279 = vector.broadcast %add3A_278 : i32 to vector<16xi32>
          %add3A_280 = arith.addi %broadcast_in_dim3A_37, %add3A_279 : vector<16xi32>
          %gather3A_281 = tpu.vector_load_idx %arg14[%add3A_280] : memref<80xf32, #tpu.memory_space<vmem>>[vector<16xi32>], vector<16xf32>,
          %get3A_282 = arith.index_cast %add3A_278 : i32 to index
          %get3A_283 = arith.constant 0 : index
          %get3A_284 = tpu.vector_load %arg15[%get3A_282, %get3A_283] {strides = array<i32>} : memref<80x128xf32, #tpu.memory_space<vmem>>, vector<16xf32>,
          %mul3A_285 = arith.mulf %get3A_284, %gather3A_281 : vector<16xf32>
          %swap3A_286 = arith.index_cast %add3A_278 : i32 to index
          %swap3A_287 = arith.constant 0 : index
          %swap3A_288 = tpu.vector_load %arg15[%swap3A_286, %swap3A_287] {strides = array<i32>} : memref<80x128xf32, #tpu.memory_space<vmem>>, vector<16xf32>,
          tpu.vector_store %arg15[%swap3A_286, %swap3A_287], %mul3A_285 {strides = array<i32>} : memref<80x128xf32, #tpu.memory_space<vmem>>, vector<16xf32>,
          %get3A_289 = arith.index_cast %add3A_278 : i32 to index
          %get3A_290 = arith.constant 16 : index
          %get3A_291 = tpu.vector_load %arg15[%get3A_289, %get3A_290] {strides = array<i32>} : memref<80x128xf32, #tpu.memory_space<vmem>>, vector<16xf32>,
          %mul3A_292 = arith.mulf %get3A_291, %gather3A_281 : vector<16xf32>
          %swap3A_293 = arith.index_cast %add3A_278 : i32 to index
          %swap3A_294 = arith.constant 16 : index
          %swap3A_295 = tpu.vector_load %arg15[%swap3A_293, %swap3A_294] {strides = array<i32>} : memref<80x128xf32, #tpu.memory_space<vmem>>, vector<16xf32>,
          tpu.vector_store %arg15[%swap3A_293, %swap3A_294], %mul3A_292 {strides = array<i32>} : memref<80x128xf32, #tpu.memory_space<vmem>>, vector<16xf32>,
          %get3A_296 = arith.index_cast %add3A_278 : i32 to index
          %get3A_297 = arith.constant 32 : index
          %get3A_298 = tpu.vector_load %arg15[%get3A_296, %get3A_297] {strides = array<i32>} : memref<80x128xf32, #tpu.memory_space<vmem>>, vector<16xf32>,
          %mul3A_299 = arith.mulf %get3A_298, %gather3A_281 : vector<16xf32>
          %swap3A_300 = arith.index_cast %add3A_278 : i32 to index
          %swap3A_301 = arith.constant 32 : index
          %swap3A_302 = tpu.vector_load %arg15[%swap3A_300, %swap3A_301] {strides = array<i32>} : memref<80x128xf32, #tpu.memory_space<vmem>>, vector<16xf32>,
          tpu.vector_store %arg15[%swap3A_300, %swap3A_301], %mul3A_299 {strides = array<i32>} : memref<80x128xf32, #tpu.memory_space<vmem>>, vector<16xf32>,
          %get3A_303 = arith.index_cast %add3A_278 : i32 to index
          %get3A_304 = arith.constant 48 : index
          %get3A_305 = tpu.vector_load %arg15[%get3A_303, %get3A_304] {strides = array<i32>} : memref<80x128xf32, #tpu.memory_space<vmem>>, vector<16xf32>,
          %mul3A_306 = arith.mulf %get3A_305, %gather3A_281 : vector<16xf32>
          %swap3A_307 = arith.index_cast %add3A_278 : i32 to index
          %swap3A_308 = arith.constant 48 : index
          %swap3A_309 = tpu.vector_load %arg15[%swap3A_307, %swap3A_308] {strides = array<i32>} : memref<80x128xf32, #tpu.memory_space<vmem>>, vector<16xf32>,
          tpu.vector_store %arg15[%swap3A_307, %swap3A_308], %mul3A_306 {strides = array<i32>} : memref<80x128xf32, #tpu.memory_space<vmem>>, vector<16xf32>,
          %get3A_310 = arith.index_cast %add3A_278 : i32 to index
          %get3A_311 = arith.constant 64 : index
          %get3A_312 = tpu.vector_load %arg15[%get3A_310, %get3A_311] {strides = array<i32>} : memref<80x128xf32, #tpu.memory_space<vmem>>, vector<16xf32>,
          %mul3A_313 = arith.mulf %get3A_312, %gather3A_281 : vector<16xf32>
          %swap3A_314 = arith.index_cast %add3A_278 : i32 to index
          %swap3A_315 = arith.constant 64 : index
          %swap3A_316 = tpu.vector_load %arg15[%swap3A_314, %swap3A_315] {strides = array<i32>} : memref<80x128xf32, #tpu.memory_space<vmem>>, vector<16xf32>,
          tpu.vector_store %arg15[%swap3A_314, %swap3A_315], %mul3A_313 {strides = array<i32>} : memref<80x128xf32, #tpu.memory_space<vmem>>, vector<16xf32>,
          %get3A_317 = arith.index_cast %add3A_278 : i32 to index
          %get3A_318 = arith.constant 80 : index
          %get3A_319 = tpu.vector_load %arg15[%get3A_317, %get3A_318] {strides = array<i32>} : memref<80x128xf32, #tpu.memory_space<vmem>>, vector<16xf32>,
          %mul3A_320 = arith.mulf %get3A_319, %gather3A_281 : vector<16xf32>
          %swap3A_321 = arith.index_cast %add3A_278 : i32 to index
          %swap3A_322 = arith.constant 80 : index
          %swap3A_323 = tpu.vector_load %arg15[%swap3A_321, %swap3A_322] {strides = array<i32>} : memref<80x128xf32, #tpu.memory_space<vmem>>, vector<16xf32>,
          tpu.vector_store %arg15[%swap3A_321, %swap3A_322], %mul3A_320 {strides = array<i32>} : memref<80x128xf32, #tpu.memory_space<vmem>>, vector<16xf32>,
          %get3A_324 = arith.index_cast %add3A_278 : i32 to index
          %get3A_325 = arith.constant 96 : index
          %get3A_326 = tpu.vector_load %arg15[%get3A_324, %get3A_325] {strides = array<i32>} : memref<80x128xf32, #tpu.memory_space<vmem>>, vector<16xf32>,
          %mul3A_327 = arith.mulf %get3A_326, %gather3A_281 : vector<16xf32>
          %swap3A_328 = arith.index_cast %add3A_278 : i32 to index
          %swap3A_329 = arith.constant 96 : index
          %swap3A_330 = tpu.vector_load %arg15[%swap3A_328, %swap3A_329] {strides = array<i32>} : memref<80x128xf32, #tpu.memory_space<vmem>>, vector<16xf32>,
          tpu.vector_store %arg15[%swap3A_328, %swap3A_329], %mul3A_327 {strides = array<i32>} : memref<80x128xf32, #tpu.memory_space<vmem>>, vector<16xf32>,
          %get3A_331 = arith.index_cast %add3A_278 : i32 to index
          %get3A_332 = arith.constant 112 : index
          %get3A_333 = tpu.vector_load %arg15[%get3A_331, %get3A_332] {strides = array<i32>} : memref<80x128xf32, #tpu.memory_space<vmem>>, vector<16xf32>,
          %mul3A_334 = arith.mulf %get3A_333, %gather3A_281 : vector<16xf32>
          %swap3A_335 = arith.index_cast %add3A_278 : i32 to index
          %swap3A_336 = arith.constant 112 : index
          %swap3A_337 = tpu.vector_load %arg15[%swap3A_335, %swap3A_336] {strides = array<i32>} : memref<80x128xf32, #tpu.memory_space<vmem>>, vector<16xf32>,
          tpu.vector_store %arg15[%swap3A_335, %swap3A_336], %mul3A_334 {strides = array<i32>} : memref<80x128xf32, #tpu.memory_space<vmem>>, vector<16xf32>,
          %mul3A_338 = arith.constant 4 : i32
          %mul3A_339 = arith.muli %scan3A_211, %mul3A_338 : i32
          %add3A_340 = arith.constant 2 : i32
          %add3A_341 = arith.addi %mul3A_339, %add3A_340 : i32
          %add3A_342 = vector.broadcast %add3A_341 : i32 to vector<16xi32>
          %add3A_343 = arith.addi %broadcast_in_dim3A_37, %add3A_342 : vector<16xi32>
          %gather3A_344 = tpu.vector_load_idx %arg14[%add3A_343] : memref<80xf32, #tpu.memory_space<vmem>>[vector<16xi32>], vector<16xf32>,
          %get3A_345 = arith.index_cast %add3A_341 : i32 to index
          %get3A_346 = arith.constant 0 : index
          %get3A_347 = tpu.vector_load %arg15[%get3A_345, %get3A_346] {strides = array<i32>} : memref<80x128xf32, #tpu.memory_space<vmem>>, vector<16xf32>,
          %mul3A_348 = arith.mulf %get3A_347, %gather3A_344 : vector<16xf32>
          %swap3A_349 = arith.index_cast %add3A_341 : i32 to index
          %swap3A_350 = arith.constant 0 : index
          %swap3A_351 = tpu.vector_load %arg15[%swap3A_349, %swap3A_350] {strides = array<i32>} : memref<80x128xf32, #tpu.memory_space<vmem>>, vector<16xf32>,
          tpu.vector_store %arg15[%swap3A_349, %swap3A_350], %mul3A_348 {strides = array<i32>} : memref<80x128xf32, #tpu.memory_space<vmem>>, vector<16xf32>,
          %get3A_352 = arith.index_cast %add3A_341 : i32 to index
          %get3A_353 = arith.constant 16 : index
          %get3A_354 = tpu.vector_load %arg15[%get3A_352, %get3A_353] {strides = array<i32>} : memref<80x128xf32, #tpu.memory_space<vmem>>, vector<16xf32>,
          %mul3A_355 = arith.mulf %get3A_354, %gather3A_344 : vector<16xf32>
          %swap3A_356 = arith.index_cast %add3A_341 : i32 to index
          %swap3A_357 = arith.constant 16 : index
          %swap3A_358 = tpu.vector_load %arg15[%swap3A_356, %swap3A_357] {strides = array<i32>} : memref<80x128xf32, #tpu.memory_space<vmem>>, vector<16xf32>,
          tpu.vector_store %arg15[%swap3A_356, %swap3A_357], %mul3A_355 {strides = array<i32>} : memref<80x128xf32, #tpu.memory_space<vmem>>, vector<16xf32>,
          %get3A_359 = arith.index_cast %add3A_341 : i32 to index
          %get3A_360 = arith.constant 32 : index
          %get3A_361 = tpu.vector_load %arg15[%get3A_359, %get3A_360] {strides = array<i32>} : memref<80x128xf32, #tpu.memory_space<vmem>>, vector<16xf32>,
          %mul3A_362 = arith.mulf %get3A_361, %gather3A_344 : vector<16xf32>
          %swap3A_363 = arith.index_cast %add3A_341 : i32 to index
          %swap3A_364 = arith.constant 32 : index
          %swap3A_365 = tpu.vector_load %arg15[%swap3A_363, %swap3A_364] {strides = array<i32>} : memref<80x128xf32, #tpu.memory_space<vmem>>, vector<16xf32>,
          tpu.vector_store %arg15[%swap3A_363, %swap3A_364], %mul3A_362 {strides = array<i32>} : memref<80x128xf32, #tpu.memory_space<vmem>>, vector<16xf32>,
          %get3A_366 = arith.index_cast %add3A_341 : i32 to index
          %get3A_367 = arith.constant 48 : index
          %get3A_368 = tpu.vector_load %arg15[%get3A_366, %get3A_367] {strides = array<i32>} : memref<80x128xf32, #tpu.memory_space<vmem>>, vector<16xf32>,
          %mul3A_369 = arith.mulf %get3A_368, %gather3A_344 : vector<16xf32>
          %swap3A_370 = arith.index_cast %add3A_341 : i32 to index
          %swap3A_371 = arith.constant 48 : index
          %swap3A_372 = tpu.vector_load %arg15[%swap3A_370, %swap3A_371] {strides = array<i32>} : memref<80x128xf32, #tpu.memory_space<vmem>>, vector<16xf32>,
          tpu.vector_store %arg15[%swap3A_370, %swap3A_371], %mul3A_369 {strides = array<i32>} : memref<80x128xf32, #tpu.memory_space<vmem>>, vector<16xf32>,
          %get3A_373 = arith.index_cast %add3A_341 : i32 to index
          %get3A_374 = arith.constant 64 : index
          %get3A_375 = tpu.vector_load %arg15[%get3A_373, %get3A_374] {strides = array<i32>} : memref<80x128xf32, #tpu.memory_space<vmem>>, vector<16xf32>,
          %mul3A_376 = arith.mulf %get3A_375, %gather3A_344 : vector<16xf32>
          %swap3A_377 = arith.index_cast %add3A_341 : i32 to index
          %swap3A_378 = arith.constant 64 : index
          %swap3A_379 = tpu.vector_load %arg15[%swap3A_377, %swap3A_378] {strides = array<i32>} : memref<80x128xf32, #tpu.memory_space<vmem>>, vector<16xf32>,
          tpu.vector_store %arg15[%swap3A_377, %swap3A_378], %mul3A_376 {strides = array<i32>} : memref<80x128xf32, #tpu.memory_space<vmem>>, vector<16xf32>,
          %get3A_380 = arith.index_cast %add3A_341 : i32 to index
          %get3A_381 = arith.constant 80 : index
          %get3A_382 = tpu.vector_load %arg15[%get3A_380, %get3A_381] {strides = array<i32>} : memref<80x128xf32, #tpu.memory_space<vmem>>, vector<16xf32>,
          %mul3A_383 = arith.mulf %get3A_382, %gather3A_344 : vector<16xf32>
          %swap3A_384 = arith.index_cast %add3A_341 : i32 to index
          %swap3A_385 = arith.constant 80 : index
          %swap3A_386 = tpu.vector_load %arg15[%swap3A_384, %swap3A_385] {strides = array<i32>} : memref<80x128xf32, #tpu.memory_space<vmem>>, vector<16xf32>,
          tpu.vector_store %arg15[%swap3A_384, %swap3A_385], %mul3A_383 {strides = array<i32>} : memref<80x128xf32, #tpu.memory_space<vmem>>, vector<16xf32>,
          %get3A_387 = arith.index_cast %add3A_341 : i32 to index
          %get3A_388 = arith.constant 96 : index
          %get3A_389 = tpu.vector_load %arg15[%get3A_387, %get3A_388] {strides = array<i32>} : memref<80x128xf32, #tpu.memory_space<vmem>>, vector<16xf32>,
          %mul3A_390 = arith.mulf %get3A_389, %gather3A_344 : vector<16xf32>
          %swap3A_391 = arith.index_cast %add3A_341 : i32 to index
          %swap3A_392 = arith.constant 96 : index
          %swap3A_393 = tpu.vector_load %arg15[%swap3A_391, %swap3A_392] {strides = array<i32>} : memref<80x128xf32, #tpu.memory_space<vmem>>, vector<16xf32>,
          tpu.vector_store %arg15[%swap3A_391, %swap3A_392], %mul3A_390 {strides = array<i32>} : memref<80x128xf32, #tpu.memory_space<vmem>>, vector<16xf32>,
          %get3A_394 = arith.index_cast %add3A_341 : i32 to index
          %get3A_395 = arith.constant 112 : index
          %get3A_396 = tpu.vector_load %arg15[%get3A_394, %get3A_395] {strides = array<i32>} : memref<80x128xf32, #tpu.memory_space<vmem>>, vector<16xf32>,
          %mul3A_397 = arith.mulf %get3A_396, %gather3A_344 : vector<16xf32>
          %swap3A_398 = arith.index_cast %add3A_341 : i32 to index
          %swap3A_399 = arith.constant 112 : index
          %swap3A_400 = tpu.vector_load %arg15[%swap3A_398, %swap3A_399] {strides = array<i32>} : memref<80x128xf32, #tpu.memory_space<vmem>>, vector<16xf32>,
          tpu.vector_store %arg15[%swap3A_398, %swap3A_399], %mul3A_397 {strides = array<i32>} : memref<80x128xf32, #tpu.memory_space<vmem>>, vector<16xf32>,
          %mul3A_401 = arith.constant 4 : i32
          %mul3A_402 = arith.muli %scan3A_211, %mul3A_401 : i32
          %add3A_403 = arith.constant 3 : i32
          %add3A_404 = arith.addi %mul3A_402, %add3A_403 : i32
          %add3A_405 = vector.broadcast %add3A_404 : i32 to vector<16xi32>
          %add3A_406 = arith.addi %broadcast_in_dim3A_37, %add3A_405 : vector<16xi32>
          %gather3A_407 = tpu.vector_load_idx %arg14[%add3A_406] : memref<80xf32, #tpu.memory_space<vmem>>[vector<16xi32>], vector<16xf32>,
          %get3A_408 = arith.index_cast %add3A_404 : i32 to index
          %get3A_409 = arith.constant 0 : index
          %get3A_410 = tpu.vector_load %arg15[%get3A_408, %get3A_409] {strides = array<i32>} : memref<80x128xf32, #tpu.memory_space<vmem>>, vector<16xf32>,
          %mul3A_411 = arith.mulf %get3A_410, %gather3A_407 : vector<16xf32>
          %swap3A_412 = arith.index_cast %add3A_404 : i32 to index
          %swap3A_413 = arith.constant 0 : index
          %swap3A_414 = tpu.vector_load %arg15[%swap3A_412, %swap3A_413] {strides = array<i32>} : memref<80x128xf32, #tpu.memory_space<vmem>>, vector<16xf32>,
          tpu.vector_store %arg15[%swap3A_412, %swap3A_413], %mul3A_411 {strides = array<i32>} : memref<80x128xf32, #tpu.memory_space<vmem>>, vector<16xf32>,
          %get3A_415 = arith.index_cast %add3A_404 : i32 to index
          %get3A_416 = arith.constant 16 : index
          %get3A_417 = tpu.vector_load %arg15[%get3A_415, %get3A_416] {strides = array<i32>} : memref<80x128xf32, #tpu.memory_space<vmem>>, vector<16xf32>,
          %mul3A_418 = arith.mulf %get3A_417, %gather3A_407 : vector<16xf32>
          %swap3A_419 = arith.index_cast %add3A_404 : i32 to index
          %swap3A_420 = arith.constant 16 : index
          %swap3A_421 = tpu.vector_load %arg15[%swap3A_419, %swap3A_420] {strides = array<i32>} : memref<80x128xf32, #tpu.memory_space<vmem>>, vector<16xf32>,
          tpu.vector_store %arg15[%swap3A_419, %swap3A_420], %mul3A_418 {strides = array<i32>} : memref<80x128xf32, #tpu.memory_space<vmem>>, vector<16xf32>,
          %get3A_422 = arith.index_cast %add3A_404 : i32 to index
          %get3A_423 = arith.constant 32 : index
          %get3A_424 = tpu.vector_load %arg15[%get3A_422, %get3A_423] {strides = array<i32>} : memref<80x128xf32, #tpu.memory_space<vmem>>, vector<16xf32>,
          %mul3A_425 = arith.mulf %get3A_424, %gather3A_407 : vector<16xf32>
          %swap3A_426 = arith.index_cast %add3A_404 : i32 to index
          %swap3A_427 = arith.constant 32 : index
          %swap3A_428 = tpu.vector_load %arg15[%swap3A_426, %swap3A_427] {strides = array<i32>} : memref<80x128xf32, #tpu.memory_space<vmem>>, vector<16xf32>,
          tpu.vector_store %arg15[%swap3A_426, %swap3A_427], %mul3A_425 {strides = array<i32>} : memref<80x128xf32, #tpu.memory_space<vmem>>, vector<16xf32>,
          %get3A_429 = arith.index_cast %add3A_404 : i32 to index
          %get3A_430 = arith.constant 48 : index
          %get3A_431 = tpu.vector_load %arg15[%get3A_429, %get3A_430] {strides = array<i32>} : memref<80x128xf32, #tpu.memory_space<vmem>>, vector<16xf32>,
          %mul3A_432 = arith.mulf %get3A_431, %gather3A_407 : vector<16xf32>
          %swap3A_433 = arith.index_cast %add3A_404 : i32 to index
          %swap3A_434 = arith.constant 48 : index
          %swap3A_435 = tpu.vector_load %arg15[%swap3A_433, %swap3A_434] {strides = array<i32>} : memref<80x128xf32, #tpu.memory_space<vmem>>, vector<16xf32>,
          tpu.vector_store %arg15[%swap3A_433, %swap3A_434], %mul3A_432 {strides = array<i32>} : memref<80x128xf32, #tpu.memory_space<vmem>>, vector<16xf32>,
          %get3A_436 = arith.index_cast %add3A_404 : i32 to index
          %get3A_437 = arith.constant 64 : index
          %get3A_438 = tpu.vector_load %arg15[%get3A_436, %get3A_437] {strides = array<i32>} : memref<80x128xf32, #tpu.memory_space<vmem>>, vector<16xf32>,
          %mul3A_439 = arith.mulf %get3A_438, %gather3A_407 : vector<16xf32>
          %swap3A_440 = arith.index_cast %add3A_404 : i32 to index
          %swap3A_441 = arith.constant 64 : index
          %swap3A_442 = tpu.vector_load %arg15[%swap3A_440, %swap3A_441] {strides = array<i32>} : memref<80x128xf32, #tpu.memory_space<vmem>>, vector<16xf32>,
          tpu.vector_store %arg15[%swap3A_440, %swap3A_441], %mul3A_439 {strides = array<i32>} : memref<80x128xf32, #tpu.memory_space<vmem>>, vector<16xf32>,
          %get3A_443 = arith.index_cast %add3A_404 : i32 to index
          %get3A_444 = arith.constant 80 : index
          %get3A_445 = tpu.vector_load %arg15[%get3A_443, %get3A_444] {strides = array<i32>} : memref<80x128xf32, #tpu.memory_space<vmem>>, vector<16xf32>,
          %mul3A_446 = arith.mulf %get3A_445, %gather3A_407 : vector<16xf32>
          %swap3A_447 = arith.index_cast %add3A_404 : i32 to index
          %swap3A_448 = arith.constant 80 : index
          %swap3A_449 = tpu.vector_load %arg15[%swap3A_447, %swap3A_448] {strides = array<i32>} : memref<80x128xf32, #tpu.memory_space<vmem>>, vector<16xf32>,
          tpu.vector_store %arg15[%swap3A_447, %swap3A_448], %mul3A_446 {strides = array<i32>} : memref<80x128xf32, #tpu.memory_space<vmem>>, vector<16xf32>,
          %get3A_450 = arith.index_cast %add3A_404 : i32 to index
          %get3A_451 = arith.constant 96 : index
          %get3A_452 = tpu.vector_load %arg15[%get3A_450, %get3A_451] {strides = array<i32>} : memref<80x128xf32, #tpu.memory_space<vmem>>, vector<16xf32>,
          %mul3A_453 = arith.mulf %get3A_452, %gather3A_407 : vector<16xf32>
          %swap3A_454 = arith.index_cast %add3A_404 : i32 to index
          %swap3A_455 = arith.constant 96 : index
          %swap3A_456 = tpu.vector_load %arg15[%swap3A_454, %swap3A_455] {strides = array<i32>} : memref<80x128xf32, #tpu.memory_space<vmem>>, vector<16xf32>,
          tpu.vector_store %arg15[%swap3A_454, %swap3A_455], %mul3A_453 {strides = array<i32>} : memref<80x128xf32, #tpu.memory_space<vmem>>, vector<16xf32>,
          %get3A_457 = arith.index_cast %add3A_404 : i32 to index
          %get3A_458 = arith.constant 112 : index
          %get3A_459 = tpu.vector_load %arg15[%get3A_457, %get3A_458] {strides = array<i32>} : memref<80x128xf32, #tpu.memory_space<vmem>>, vector<16xf32>,
          %mul3A_460 = arith.mulf %get3A_459, %gather3A_407 : vector<16xf32>
          %swap3A_461 = arith.index_cast %add3A_404 : i32 to index
          %swap3A_462 = arith.constant 112 : index
          %swap3A_463 = tpu.vector_load %arg15[%swap3A_461, %swap3A_462] {strides = array<i32>} : memref<80x128xf32, #tpu.memory_space<vmem>>, vector<16xf32>,
          tpu.vector_store %arg15[%swap3A_461, %swap3A_462], %mul3A_460 {strides = array<i32>} : memref<80x128xf32, #tpu.memory_space<vmem>>, vector<16xf32>,
        }
        %scan3A_207 = arith.constant 20 : i32
        %dma_start3A_208 = arith.constant 0 : i32
        %dma_start3A_209 = arith.constant 0 : i32
        %dma_start3A_210 = tpu.memref_slice %arg22[%dma_start3A_208, %dma_start3A_209] : memref<10000x128xf32, #tpu.memory_space<vmem_shared>> -> memref<10000x128xf32, #tpu.memory_space<vmem_shared>>
        tpu.enqueue_indirect_dma source(%arg15 : memref<80x128xf32, #tpu.memory_space<vmem>>) target(%dma_start3A_210 : memref<10000x128xf32, #tpu.memory_space<vmem_shared>>) offsets(%arg12 : memref<80xi32, #tpu.memory_space<vmem>>) semaphore(%arg26 : memref<!tpu.dma_semaphore, #tpu.memory_space<semaphore_mem>>) {add = true}
      } else {
      }
      %mul3A_183 = arith.constant 2 : i32
      %mul3A_184 = arith.muli %scan3A_169, %mul3A_183 : i32
      %add3A_185 = arith.constant 1 : i32
      %add3A_186 = arith.addi %mul3A_184, %add3A_185 : i32
      %add3A_187 = arith.constant 1 : i32
      %add3A_188 = arith.addi %add3A_186, %add3A_187 : i32
      %lt3A_189 = arith.constant 125 : i32
      %lt3A_190 = arith.cmpi slt, %add3A_188, %lt3A_189 : i32
      %convert_element_type3A_191 = arith.extui %lt3A_190 : i1 to i32
      %cond3A_192 = arith.constant 0 : i32
      %cond3A_193 = arith.cmpi ne, %convert_element_type3A_191, %cond3A_192 : i32
      scf.if %cond3A_193 {
        %ge3A = arith.constant 1 : i32
        %ge3A_199 = arith.cmpi sge, %add3A_186, %ge3A : i32
        %convert_element_type3A_200 = arith.extui %ge3A_199 : i1 to i32
        %cond3A_201 = arith.constant 0 : i32
        %cond3A_202 = arith.cmpi ne, %convert_element_type3A_200, %cond3A_201 : i32
        scf.if %cond3A_202 {
          %dma_wait3A_371 = arith.constant 0 : i32
          %dma_wait3A_372 = arith.constant 0 : i32
          %dma_wait3A_373 = tpu.memref_slice %arg22[%dma_wait3A_371, %dma_wait3A_372] : memref<10000x128xf32, #tpu.memory_space<vmem_shared>> -> memref<10000x128xf32, #tpu.memory_space<vmem_shared>>
          tpu.wait_indirect_dma semaphore(%arg26 : memref<!tpu.dma_semaphore, #tpu.memory_space<semaphore_mem>>) src(%arg15 : memref<80x128xf32, #tpu.memory_space<vmem>>) dst(%dma_wait3A_373 : memref<10000x128xf32, #tpu.memory_space<vmem_shared>>)
        } else {
        }
        %add3A_203 = arith.constant 1 : i32
        %add3A_204 = arith.addi %add3A_186, %add3A_203 : i32
        %jit3A_205 = arith.constant 25 : i32
        %eq3A = arith.constant 0 : i32
        %eq3A_206 = arith.cmpi eq, %jit3A_205, %eq3A : i32
        %jit3A_207 = arith.constant 1 : i32
        %select_n3A_208 = arith.select %eq3A_206, %jit3A_207, %jit3A_205 : i32
        %rem3A_209 = arith.remsi %add3A_204, %select_n3A_208 : i32
        %ne3A_210 = arith.constant 0 : i32
        %ne3A_211 = arith.cmpi ne, %rem3A_209, %ne3A_210 : i32
        %lt3A_212 = arith.constant 0 : i32
        %lt3A_213 = arith.cmpi slt, %rem3A_209, %lt3A_212 : i32
        %lt3A_214 = arith.constant 0 : i32
        %lt3A_215 = arith.cmpi slt, %select_n3A_208, %lt3A_214 : i32
        %ne3A_216 = arith.xori %lt3A_213, %lt3A_215 : i1
        %and3A_217 = arith.andi %ne3A_216, %ne3A_211 : i1
        %add3A_218 = arith.addi %rem3A_209, %select_n3A_208 : i32
        %select_n3A_219 = arith.select %and3A_217, %add3A_218, %rem3A_209 : i32
        %eq3A_220 = arith.constant 0 : i32
        %eq3A_221 = arith.cmpi eq, %select_n3A_219, %eq3A_220 : i32
        %convert_element_type3A_222 = arith.extui %eq3A_221 : i1 to i32
        %cond3A_223 = arith.constant 0 : i32
        %cond3A_224 = arith.cmpi ne, %convert_element_type3A_222, %cond3A_223 : i32
        scf.if %cond3A_224 {
          %jit3A_371 = arith.constant 25 : i32
          %div3A_372 = arith.divsi %add3A_204, %jit3A_371 : i32
          %sign3A_373 = arith.constant 0 : i32
          %sign3A_374 = arith.cmpi sgt, %add3A_204, %sign3A_373 : i32
          %sign3A_375 = arith.extui %sign3A_374 : i1 to i32
          %sign3A_376 = arith.constant 0 : i32
          %sign3A_377 = arith.cmpi slt, %add3A_204, %sign3A_376 : i32
          %sign3A_378 = arith.extui %sign3A_377 : i1 to i32
          %sign3A_379 = arith.subi %sign3A_375, %sign3A_378 : i32
          %sign3A_380 = arith.constant 0 : i32
          %sign3A_381 = arith.cmpi sgt, %jit3A_371, %sign3A_380 : i32
          %sign3A_382 = arith.extui %sign3A_381 : i1 to i32
          %sign3A_383 = arith.constant 0 : i32
          %sign3A_384 = arith.cmpi slt, %jit3A_371, %sign3A_383 : i32
          %sign3A_385 = arith.extui %sign3A_384 : i1 to i32
          %sign3A_386 = arith.subi %sign3A_382, %sign3A_385 : i32
          %ne3A_387 = arith.cmpi ne, %sign3A_379, %sign3A_386 : i32
          %rem3A_388 = arith.remsi %add3A_204, %jit3A_371 : i32
          %ne3A_389 = arith.constant 0 : i32
          %ne3A_390 = arith.cmpi ne, %rem3A_388, %ne3A_389 : i32
          %and3A_391 = arith.andi %ne3A_387, %ne3A_390 : i1
          %sub3A_392 = arith.constant 1 : i32
          %sub3A_393 = arith.subi %div3A_372, %sub3A_392 : i32
          %select_n3A_394 = arith.select %and3A_391, %sub3A_393, %div3A_372 : i32
          %mul3A_395 = arith.constant 2000 : i32
          %mul3A_396 = arith.muli %select_n3A_394, %mul3A_395 : i32
          %add3A_397 = arith.addi %mul3A_38, %mul3A_396 : i32
          %dma_start3A_398 = tpu.memref_slice %arg5[%add3A_397] : memref<160000xi32, #tpu.memory_space<hbm>> -> memref<2000xi32, #tpu.memory_space<hbm>>
          %dma_start3A_399 = tpu.memref_slice %arg5[%add3A_397] : memref<160000xi32, #tpu.memory_space<hbm>> -> memref<2000xi32, #tpu.memory_space<hbm>>
          tpu.enqueue_dma source(%dma_start3A_399 : memref<2000xi32, #tpu.memory_space<hbm>>) target(%arg9 : memref<2000xi32, #tpu.memory_space<vmem>>) target_semaphore(%arg25 : memref<!tpu.dma_semaphore, #tpu.memory_space<semaphore_mem>>)
          %dma_start3A_400 = tpu.memref_slice %arg6[%add3A_397] : memref<160000xi32, #tpu.memory_space<hbm>> -> memref<2000xi32, #tpu.memory_space<hbm>>
          %dma_start3A_401 = tpu.memref_slice %arg6[%add3A_397] : memref<160000xi32, #tpu.memory_space<hbm>> -> memref<2000xi32, #tpu.memory_space<hbm>>
          tpu.enqueue_dma source(%dma_start3A_401 : memref<2000xi32, #tpu.memory_space<hbm>>) target(%arg10 : memref<2000xi32, #tpu.memory_space<vmem>>) target_semaphore(%arg25 : memref<!tpu.dma_semaphore, #tpu.memory_space<semaphore_mem>>)
          %dma_start3A_402 = tpu.memref_slice %arg3[%add3A_397] : memref<160000xf32, #tpu.memory_space<hbm>> -> memref<2000xf32, #tpu.memory_space<hbm>>
          %dma_start3A_403 = tpu.memref_slice %arg3[%add3A_397] : memref<160000xf32, #tpu.memory_space<hbm>> -> memref<2000xf32, #tpu.memory_space<hbm>>
          tpu.enqueue_dma source(%dma_start3A_403 : memref<2000xf32, #tpu.memory_space<hbm>>) target(%arg11 : memref<2000xf32, #tpu.memory_space<vmem>>) target_semaphore(%arg25 : memref<!tpu.dma_semaphore, #tpu.memory_space<semaphore_mem>>)
          %dma_wait3A_404 = tpu.memref_slice %arg5[%add3A_397] : memref<160000xi32, #tpu.memory_space<hbm>> -> memref<2000xi32, #tpu.memory_space<hbm>>
          %dma_wait3A_405 = tpu.memref_slice %arg5[%add3A_397] : memref<160000xi32, #tpu.memory_space<hbm>> -> memref<2000xi32, #tpu.memory_space<hbm>>
          tpu.wait_dma2 semaphore(%arg25 : memref<!tpu.dma_semaphore, #tpu.memory_space<semaphore_mem>>) src(%dma_wait3A_405 : memref<2000xi32, #tpu.memory_space<hbm>>) dst(%arg9 : memref<2000xi32, #tpu.memory_space<vmem>>)
          %dma_wait3A_406 = tpu.memref_slice %arg6[%add3A_397] : memref<160000xi32, #tpu.memory_space<hbm>> -> memref<2000xi32, #tpu.memory_space<hbm>>
          %dma_wait3A_407 = tpu.memref_slice %arg6[%add3A_397] : memref<160000xi32, #tpu.memory_space<hbm>> -> memref<2000xi32, #tpu.memory_space<hbm>>
          tpu.wait_dma2 semaphore(%arg25 : memref<!tpu.dma_semaphore, #tpu.memory_space<semaphore_mem>>) src(%dma_wait3A_407 : memref<2000xi32, #tpu.memory_space<hbm>>) dst(%arg10 : memref<2000xi32, #tpu.memory_space<vmem>>)
          %dma_wait3A_408 = tpu.memref_slice %arg3[%add3A_397] : memref<160000xf32, #tpu.memory_space<hbm>> -> memref<2000xf32, #tpu.memory_space<hbm>>
          %dma_wait3A_409 = tpu.memref_slice %arg3[%add3A_397] : memref<160000xf32, #tpu.memory_space<hbm>> -> memref<2000xf32, #tpu.memory_space<hbm>>
          tpu.wait_dma2 semaphore(%arg25 : memref<!tpu.dma_semaphore, #tpu.memory_space<semaphore_mem>>) src(%dma_wait3A_409 : memref<2000xf32, #tpu.memory_space<hbm>>) dst(%arg11 : memref<2000xf32, #tpu.memory_space<vmem>>)
        } else {
        }
        %jit3A_225 = arith.constant 25 : i32
        %eq3A_226 = arith.constant 0 : i32
        %eq3A_227 = arith.cmpi eq, %jit3A_225, %eq3A_226 : i32
        %jit3A_228 = arith.constant 1 : i32
        %select_n3A_229 = arith.select %eq3A_227, %jit3A_228, %jit3A_225 : i32
        %rem3A_230 = arith.remsi %add3A_204, %select_n3A_229 : i32
        %ne3A_231 = arith.constant 0 : i32
        %ne3A_232 = arith.cmpi ne, %rem3A_230, %ne3A_231 : i32
        %lt3A_233 = arith.constant 0 : i32
        %lt3A_234 = arith.cmpi slt, %rem3A_230, %lt3A_233 : i32
        %lt3A_235 = arith.constant 0 : i32
        %lt3A_236 = arith.cmpi slt, %select_n3A_229, %lt3A_235 : i32
        %ne3A_237 = arith.xori %lt3A_234, %lt3A_236 : i1
        %and3A_238 = arith.andi %ne3A_237, %ne3A_232 : i1
        %add3A_239 = arith.addi %rem3A_230, %select_n3A_229 : i32
        %select_n3A_240 = arith.select %and3A_238, %add3A_239, %rem3A_230 : i32
        %mul3A_241 = arith.constant 80 : i32
        %mul3A_242 = arith.muli %select_n3A_240, %mul3A_241 : i32
        %add3A_243 = arith.constant 0 : i32
        %add3A_244 = arith.addi %mul3A_242, %add3A_243 : i32
        %get3A_245 = arith.index_cast %add3A_244 : i32 to index
        %get3A_246 = tpu.vector_load %arg10[%get3A_245] {strides = array<i32>} : memref<2000xi32, #tpu.memory_space<vmem>>, vector<16xi32>,
        %swap3A_247 = arith.constant 0 : index
        %swap3A_248 = tpu.vector_load %arg12[%swap3A_247] {strides = array<i32>} : memref<80xi32, #tpu.memory_space<vmem>>, vector<16xi32>,
        tpu.vector_store %arg12[%swap3A_247], %get3A_246 {strides = array<i32>} : memref<80xi32, #tpu.memory_space<vmem>>, vector<16xi32>,
        %add3A_249 = arith.constant 0 : i32
        %add3A_250 = arith.addi %mul3A_242, %add3A_249 : i32
        %get3A_251 = arith.index_cast %add3A_250 : i32 to index
        %get3A_252 = tpu.vector_load %arg9[%get3A_251] {strides = array<i32>} : memref<2000xi32, #tpu.memory_space<vmem>>, vector<16xi32>,
        %mul3A_253 = arith.constant 2 : i32
        %mul3A_254 = vector.broadcast %mul3A_253 : i32 to vector<16xi32>
        %mul3A_255 = arith.muli %get3A_252, %mul3A_254 : vector<16xi32>
        %add3A_256 = vector.broadcast %arg0 : i32 to vector<16xi32>
        %add3A_257 = arith.addi %mul3A_255, %add3A_256 : vector<16xi32>
        %swap3A_258 = arith.constant 0 : index
        %swap3A_259 = tpu.vector_load %arg13[%swap3A_258] {strides = array<i32>} : memref<80xi32, #tpu.memory_space<vmem>>, vector<16xi32>,
        tpu.vector_store %arg13[%swap3A_258], %add3A_257 {strides = array<i32>} : memref<80xi32, #tpu.memory_space<vmem>>, vector<16xi32>,
        %gather3A_260 = tpu.vector_load_idx %arg8[%get3A_246] : memref<10240xf32, #tpu.memory_space<vmem>>[vector<16xi32>], vector<16xf32>,
        %add3A_261 = arith.constant 0 : i32
        %add3A_262 = arith.addi %mul3A_242, %add3A_261 : i32
        %get3A_263 = arith.index_cast %add3A_262 : i32 to index
        %get3A_264 = tpu.vector_load %arg11[%get3A_263] {strides = array<i32>} : memref<2000xf32, #tpu.memory_space<vmem>>, vector<16xf32>,
        %div3A_265 = arith.divf %get3A_264, %gather3A_260 : vector<16xf32>
        %swap3A_266 = arith.constant 0 : index
        %swap3A_267 = tpu.vector_load %arg14[%swap3A_266] {strides = array<i32>} : memref<80xf32, #tpu.memory_space<vmem>>, vector<16xf32>,
        tpu.vector_store %arg14[%swap3A_266], %div3A_265 {strides = array<i32>} : memref<80xf32, #tpu.memory_space<vmem>>, vector<16xf32>,
        %add3A_268 = arith.constant 16 : i32
        %add3A_269 = arith.addi %mul3A_242, %add3A_268 : i32
        %get3A_270 = arith.index_cast %add3A_269 : i32 to index
        %get3A_271 = tpu.vector_load %arg10[%get3A_270] {strides = array<i32>} : memref<2000xi32, #tpu.memory_space<vmem>>, vector<16xi32>,
        %swap3A_272 = arith.constant 16 : index
        %swap3A_273 = tpu.vector_load %arg12[%swap3A_272] {strides = array<i32>} : memref<80xi32, #tpu.memory_space<vmem>>, vector<16xi32>,
        tpu.vector_store %arg12[%swap3A_272], %get3A_271 {strides = array<i32>} : memref<80xi32, #tpu.memory_space<vmem>>, vector<16xi32>,
        %add3A_274 = arith.constant 16 : i32
        %add3A_275 = arith.addi %mul3A_242, %add3A_274 : i32
        %get3A_276 = arith.index_cast %add3A_275 : i32 to index
        %get3A_277 = tpu.vector_load %arg9[%get3A_276] {strides = array<i32>} : memref<2000xi32, #tpu.memory_space<vmem>>, vector<16xi32>,
        %mul3A_278 = arith.constant 2 : i32
        %mul3A_279 = vector.broadcast %mul3A_278 : i32 to vector<16xi32>
        %mul3A_280 = arith.muli %get3A_277, %mul3A_279 : vector<16xi32>
        %add3A_281 = vector.broadcast %arg0 : i32 to vector<16xi32>
        %add3A_282 = arith.addi %mul3A_280, %add3A_281 : vector<16xi32>
        %swap3A_283 = arith.constant 16 : index
        %swap3A_284 = tpu.vector_load %arg13[%swap3A_283] {strides = array<i32>} : memref<80xi32, #tpu.memory_space<vmem>>, vector<16xi32>,
        tpu.vector_store %arg13[%swap3A_283], %add3A_282 {strides = array<i32>} : memref<80xi32, #tpu.memory_space<vmem>>, vector<16xi32>,
        %gather3A_285 = tpu.vector_load_idx %arg8[%get3A_271] : memref<10240xf32, #tpu.memory_space<vmem>>[vector<16xi32>], vector<16xf32>,
        %add3A_286 = arith.constant 16 : i32
        %add3A_287 = arith.addi %mul3A_242, %add3A_286 : i32
        %get3A_288 = arith.index_cast %add3A_287 : i32 to index
        %get3A_289 = tpu.vector_load %arg11[%get3A_288] {strides = array<i32>} : memref<2000xf32, #tpu.memory_space<vmem>>, vector<16xf32>,
        %div3A_290 = arith.divf %get3A_289, %gather3A_285 : vector<16xf32>
        %swap3A_291 = arith.constant 16 : index
        %swap3A_292 = tpu.vector_load %arg14[%swap3A_291] {strides = array<i32>} : memref<80xf32, #tpu.memory_space<vmem>>, vector<16xf32>,
        tpu.vector_store %arg14[%swap3A_291], %div3A_290 {strides = array<i32>} : memref<80xf32, #tpu.memory_space<vmem>>, vector<16xf32>,
        %add3A_293 = arith.constant 32 : i32
        %add3A_294 = arith.addi %mul3A_242, %add3A_293 : i32
        %get3A_295 = arith.index_cast %add3A_294 : i32 to index
        %get3A_296 = tpu.vector_load %arg10[%get3A_295] {strides = array<i32>} : memref<2000xi32, #tpu.memory_space<vmem>>, vector<16xi32>,
        %swap3A_297 = arith.constant 32 : index
        %swap3A_298 = tpu.vector_load %arg12[%swap3A_297] {strides = array<i32>} : memref<80xi32, #tpu.memory_space<vmem>>, vector<16xi32>,
        tpu.vector_store %arg12[%swap3A_297], %get3A_296 {strides = array<i32>} : memref<80xi32, #tpu.memory_space<vmem>>, vector<16xi32>,
        %add3A_299 = arith.constant 32 : i32
        %add3A_300 = arith.addi %mul3A_242, %add3A_299 : i32
        %get3A_301 = arith.index_cast %add3A_300 : i32 to index
        %get3A_302 = tpu.vector_load %arg9[%get3A_301] {strides = array<i32>} : memref<2000xi32, #tpu.memory_space<vmem>>, vector<16xi32>,
        %mul3A_303 = arith.constant 2 : i32
        %mul3A_304 = vector.broadcast %mul3A_303 : i32 to vector<16xi32>
        %mul3A_305 = arith.muli %get3A_302, %mul3A_304 : vector<16xi32>
        %add3A_306 = vector.broadcast %arg0 : i32 to vector<16xi32>
        %add3A_307 = arith.addi %mul3A_305, %add3A_306 : vector<16xi32>
        %swap3A_308 = arith.constant 32 : index
        %swap3A_309 = tpu.vector_load %arg13[%swap3A_308] {strides = array<i32>} : memref<80xi32, #tpu.memory_space<vmem>>, vector<16xi32>,
        tpu.vector_store %arg13[%swap3A_308], %add3A_307 {strides = array<i32>} : memref<80xi32, #tpu.memory_space<vmem>>, vector<16xi32>,
        %gather3A_310 = tpu.vector_load_idx %arg8[%get3A_296] : memref<10240xf32, #tpu.memory_space<vmem>>[vector<16xi32>], vector<16xf32>,
        %add3A_311 = arith.constant 32 : i32
        %add3A_312 = arith.addi %mul3A_242, %add3A_311 : i32
        %get3A_313 = arith.index_cast %add3A_312 : i32 to index
        %get3A_314 = tpu.vector_load %arg11[%get3A_313] {strides = array<i32>} : memref<2000xf32, #tpu.memory_space<vmem>>, vector<16xf32>,
        %div3A_315 = arith.divf %get3A_314, %gather3A_310 : vector<16xf32>
        %swap3A_316 = arith.constant 32 : index
        %swap3A_317 = tpu.vector_load %arg14[%swap3A_316] {strides = array<i32>} : memref<80xf32, #tpu.memory_space<vmem>>, vector<16xf32>,
        tpu.vector_store %arg14[%swap3A_316], %div3A_315 {strides = array<i32>} : memref<80xf32, #tpu.memory_space<vmem>>, vector<16xf32>,
        %add3A_318 = arith.constant 48 : i32
        %add3A_319 = arith.addi %mul3A_242, %add3A_318 : i32
        %get3A_320 = arith.index_cast %add3A_319 : i32 to index
        %get3A_321 = tpu.vector_load %arg10[%get3A_320] {strides = array<i32>} : memref<2000xi32, #tpu.memory_space<vmem>>, vector<16xi32>,
        %swap3A_322 = arith.constant 48 : index
        %swap3A_323 = tpu.vector_load %arg12[%swap3A_322] {strides = array<i32>} : memref<80xi32, #tpu.memory_space<vmem>>, vector<16xi32>,
        tpu.vector_store %arg12[%swap3A_322], %get3A_321 {strides = array<i32>} : memref<80xi32, #tpu.memory_space<vmem>>, vector<16xi32>,
        %add3A_324 = arith.constant 48 : i32
        %add3A_325 = arith.addi %mul3A_242, %add3A_324 : i32
        %get3A_326 = arith.index_cast %add3A_325 : i32 to index
        %get3A_327 = tpu.vector_load %arg9[%get3A_326] {strides = array<i32>} : memref<2000xi32, #tpu.memory_space<vmem>>, vector<16xi32>,
        %mul3A_328 = arith.constant 2 : i32
        %mul3A_329 = vector.broadcast %mul3A_328 : i32 to vector<16xi32>
        %mul3A_330 = arith.muli %get3A_327, %mul3A_329 : vector<16xi32>
        %add3A_331 = vector.broadcast %arg0 : i32 to vector<16xi32>
        %add3A_332 = arith.addi %mul3A_330, %add3A_331 : vector<16xi32>
        %swap3A_333 = arith.constant 48 : index
        %swap3A_334 = tpu.vector_load %arg13[%swap3A_333] {strides = array<i32>} : memref<80xi32, #tpu.memory_space<vmem>>, vector<16xi32>,
        tpu.vector_store %arg13[%swap3A_333], %add3A_332 {strides = array<i32>} : memref<80xi32, #tpu.memory_space<vmem>>, vector<16xi32>,
        %gather3A_335 = tpu.vector_load_idx %arg8[%get3A_321] : memref<10240xf32, #tpu.memory_space<vmem>>[vector<16xi32>], vector<16xf32>,
        %add3A_336 = arith.constant 48 : i32
        %add3A_337 = arith.addi %mul3A_242, %add3A_336 : i32
        %get3A_338 = arith.index_cast %add3A_337 : i32 to index
        %get3A_339 = tpu.vector_load %arg11[%get3A_338] {strides = array<i32>} : memref<2000xf32, #tpu.memory_space<vmem>>, vector<16xf32>,
        %div3A_340 = arith.divf %get3A_339, %gather3A_335 : vector<16xf32>
        %swap3A_341 = arith.constant 48 : index
        %swap3A_342 = tpu.vector_load %arg14[%swap3A_341] {strides = array<i32>} : memref<80xf32, #tpu.memory_space<vmem>>, vector<16xf32>,
        tpu.vector_store %arg14[%swap3A_341], %div3A_340 {strides = array<i32>} : memref<80xf32, #tpu.memory_space<vmem>>, vector<16xf32>,
        %add3A_343 = arith.constant 64 : i32
        %add3A_344 = arith.addi %mul3A_242, %add3A_343 : i32
        %get3A_345 = arith.index_cast %add3A_344 : i32 to index
        %get3A_346 = tpu.vector_load %arg10[%get3A_345] {strides = array<i32>} : memref<2000xi32, #tpu.memory_space<vmem>>, vector<16xi32>,
        %swap3A_347 = arith.constant 64 : index
        %swap3A_348 = tpu.vector_load %arg12[%swap3A_347] {strides = array<i32>} : memref<80xi32, #tpu.memory_space<vmem>>, vector<16xi32>,
        tpu.vector_store %arg12[%swap3A_347], %get3A_346 {strides = array<i32>} : memref<80xi32, #tpu.memory_space<vmem>>, vector<16xi32>,
        %add3A_349 = arith.constant 64 : i32
        %add3A_350 = arith.addi %mul3A_242, %add3A_349 : i32
        %get3A_351 = arith.index_cast %add3A_350 : i32 to index
        %get3A_352 = tpu.vector_load %arg9[%get3A_351] {strides = array<i32>} : memref<2000xi32, #tpu.memory_space<vmem>>, vector<16xi32>,
        %mul3A_353 = arith.constant 2 : i32
        %mul3A_354 = vector.broadcast %mul3A_353 : i32 to vector<16xi32>
        %mul3A_355 = arith.muli %get3A_352, %mul3A_354 : vector<16xi32>
        %add3A_356 = vector.broadcast %arg0 : i32 to vector<16xi32>
        %add3A_357 = arith.addi %mul3A_355, %add3A_356 : vector<16xi32>
        %swap3A_358 = arith.constant 64 : index
        %swap3A_359 = tpu.vector_load %arg13[%swap3A_358] {strides = array<i32>} : memref<80xi32, #tpu.memory_space<vmem>>, vector<16xi32>,
        tpu.vector_store %arg13[%swap3A_358], %add3A_357 {strides = array<i32>} : memref<80xi32, #tpu.memory_space<vmem>>, vector<16xi32>,
        %gather3A_360 = tpu.vector_load_idx %arg8[%get3A_346] : memref<10240xf32, #tpu.memory_space<vmem>>[vector<16xi32>], vector<16xf32>,
        %add3A_361 = arith.constant 64 : i32
        %add3A_362 = arith.addi %mul3A_242, %add3A_361 : i32
        %get3A_363 = arith.index_cast %add3A_362 : i32 to index
        %get3A_364 = tpu.vector_load %arg11[%get3A_363] {strides = array<i32>} : memref<2000xf32, #tpu.memory_space<vmem>>, vector<16xf32>,
        %div3A_365 = arith.divf %get3A_364, %gather3A_360 : vector<16xf32>
        %swap3A_366 = arith.constant 64 : index
        %swap3A_367 = tpu.vector_load %arg14[%swap3A_366] {strides = array<i32>} : memref<80xf32, #tpu.memory_space<vmem>>, vector<16xf32>,
        tpu.vector_store %arg14[%swap3A_366], %div3A_365 {strides = array<i32>} : memref<80xf32, #tpu.memory_space<vmem>>, vector<16xf32>,
        %dma_start3A_368 = arith.constant 0 : i32
        %dma_start3A_369 = arith.constant 0 : i32
        %dma_start3A_370 = tpu.memref_slice %arg2[%dma_start3A_368, %dma_start3A_369] : memref<20000x128xf32, #tpu.memory_space<hbm>> -> memref<20000x128xf32, #tpu.memory_space<hbm>>
        tpu.enqueue_indirect_dma source(%dma_start3A_370 : memref<20000x128xf32, #tpu.memory_space<hbm>>) target(%arg15 : memref<80x128xf32, #tpu.memory_space<vmem>>) offsets(%arg13 : memref<80xi32, #tpu.memory_space<vmem>>) semaphore(%arg23 : memref<!tpu.dma_semaphore, #tpu.memory_space<semaphore_mem>>)
      } else {
      }
      %lt3A_194 = arith.constant 125 : i32
      %lt3A_195 = arith.cmpi slt, %add3A_186, %lt3A_194 : i32
      %convert_element_type3A_196 = arith.extui %lt3A_195 : i1 to i32
      %cond3A_197 = arith.constant 0 : i32
      %cond3A_198 = arith.cmpi ne, %convert_element_type3A_196, %cond3A_197 : i32
      scf.if %cond3A_198 {
        %dma_wait3A_199 = arith.constant 0 : i32
        %dma_wait3A_200 = arith.constant 0 : i32
        %dma_wait3A_201 = tpu.memref_slice %arg2[%dma_wait3A_199, %dma_wait3A_200] : memref<20000x128xf32, #tpu.memory_space<hbm>> -> memref<20000x128xf32, #tpu.memory_space<hbm>>
        tpu.wait_indirect_dma semaphore(%arg24 : memref<!tpu.dma_semaphore, #tpu.memory_space<semaphore_mem>>) src(%dma_wait3A_201 : memref<20000x128xf32, #tpu.memory_space<hbm>>) dst(%arg19 : memref<80x128xf32, #tpu.memory_space<vmem>>)
        %scan3A_202 = arith.constant 0 : i32
        %scan3A_203 = arith.constant 0 : i32
        %scan3A_204 = arith.constant 20 : i32
        %scan3A_205 = arith.addi %scan3A_203, %scan3A_204 : i32
        %scan3A_206 = arith.constant 1 : i32
        scf.for %scan3A_211 = %scan3A_203 to %scan3A_205 step %scan3A_206  : i32 {
          %mul3A_212 = arith.constant 4 : i32
          %mul3A_213 = arith.muli %scan3A_211, %mul3A_212 : i32
          %add3A_214 = arith.constant 0 : i32
          %add3A_215 = arith.addi %mul3A_213, %add3A_214 : i32
          %add3A_216 = vector.broadcast %add3A_215 : i32 to vector<16xi32>
          %add3A_217 = arith.addi %broadcast_in_dim3A_37, %add3A_216 : vector<16xi32>
          %gather3A_218 = tpu.vector_load_idx %arg18[%add3A_217] : memref<80xf32, #tpu.memory_space<vmem>>[vector<16xi32>], vector<16xf32>,
          %get3A_219 = arith.index_cast %add3A_215 : i32 to index
          %get3A_220 = arith.constant 0 : index
          %get3A_221 = tpu.vector_load %arg19[%get3A_219, %get3A_220] {strides = array<i32>} : memref<80x128xf32, #tpu.memory_space<vmem>>, vector<16xf32>,
          %mul3A_222 = arith.mulf %get3A_221, %gather3A_218 : vector<16xf32>
          %swap3A_223 = arith.index_cast %add3A_215 : i32 to index
          %swap3A_224 = arith.constant 0 : index
          %swap3A_225 = tpu.vector_load %arg19[%swap3A_223, %swap3A_224] {strides = array<i32>} : memref<80x128xf32, #tpu.memory_space<vmem>>, vector<16xf32>,
          tpu.vector_store %arg19[%swap3A_223, %swap3A_224], %mul3A_222 {strides = array<i32>} : memref<80x128xf32, #tpu.memory_space<vmem>>, vector<16xf32>,
          %get3A_226 = arith.index_cast %add3A_215 : i32 to index
          %get3A_227 = arith.constant 16 : index
          %get3A_228 = tpu.vector_load %arg19[%get3A_226, %get3A_227] {strides = array<i32>} : memref<80x128xf32, #tpu.memory_space<vmem>>, vector<16xf32>,
          %mul3A_229 = arith.mulf %get3A_228, %gather3A_218 : vector<16xf32>
          %swap3A_230 = arith.index_cast %add3A_215 : i32 to index
          %swap3A_231 = arith.constant 16 : index
          %swap3A_232 = tpu.vector_load %arg19[%swap3A_230, %swap3A_231] {strides = array<i32>} : memref<80x128xf32, #tpu.memory_space<vmem>>, vector<16xf32>,
          tpu.vector_store %arg19[%swap3A_230, %swap3A_231], %mul3A_229 {strides = array<i32>} : memref<80x128xf32, #tpu.memory_space<vmem>>, vector<16xf32>,
          %get3A_233 = arith.index_cast %add3A_215 : i32 to index
          %get3A_234 = arith.constant 32 : index
          %get3A_235 = tpu.vector_load %arg19[%get3A_233, %get3A_234] {strides = array<i32>} : memref<80x128xf32, #tpu.memory_space<vmem>>, vector<16xf32>,
          %mul3A_236 = arith.mulf %get3A_235, %gather3A_218 : vector<16xf32>
          %swap3A_237 = arith.index_cast %add3A_215 : i32 to index
          %swap3A_238 = arith.constant 32 : index
          %swap3A_239 = tpu.vector_load %arg19[%swap3A_237, %swap3A_238] {strides = array<i32>} : memref<80x128xf32, #tpu.memory_space<vmem>>, vector<16xf32>,
          tpu.vector_store %arg19[%swap3A_237, %swap3A_238], %mul3A_236 {strides = array<i32>} : memref<80x128xf32, #tpu.memory_space<vmem>>, vector<16xf32>,
          %get3A_240 = arith.index_cast %add3A_215 : i32 to index
          %get3A_241 = arith.constant 48 : index
          %get3A_242 = tpu.vector_load %arg19[%get3A_240, %get3A_241] {strides = array<i32>} : memref<80x128xf32, #tpu.memory_space<vmem>>, vector<16xf32>,
          %mul3A_243 = arith.mulf %get3A_242, %gather3A_218 : vector<16xf32>
          %swap3A_244 = arith.index_cast %add3A_215 : i32 to index
          %swap3A_245 = arith.constant 48 : index
          %swap3A_246 = tpu.vector_load %arg19[%swap3A_244, %swap3A_245] {strides = array<i32>} : memref<80x128xf32, #tpu.memory_space<vmem>>, vector<16xf32>,
          tpu.vector_store %arg19[%swap3A_244, %swap3A_245], %mul3A_243 {strides = array<i32>} : memref<80x128xf32, #tpu.memory_space<vmem>>, vector<16xf32>,
          %get3A_247 = arith.index_cast %add3A_215 : i32 to index
          %get3A_248 = arith.constant 64 : index
          %get3A_249 = tpu.vector_load %arg19[%get3A_247, %get3A_248] {strides = array<i32>} : memref<80x128xf32, #tpu.memory_space<vmem>>, vector<16xf32>,
          %mul3A_250 = arith.mulf %get3A_249, %gather3A_218 : vector<16xf32>
          %swap3A_251 = arith.index_cast %add3A_215 : i32 to index
          %swap3A_252 = arith.constant 64 : index
          %swap3A_253 = tpu.vector_load %arg19[%swap3A_251, %swap3A_252] {strides = array<i32>} : memref<80x128xf32, #tpu.memory_space<vmem>>, vector<16xf32>,
          tpu.vector_store %arg19[%swap3A_251, %swap3A_252], %mul3A_250 {strides = array<i32>} : memref<80x128xf32, #tpu.memory_space<vmem>>, vector<16xf32>,
          %get3A_254 = arith.index_cast %add3A_215 : i32 to index
          %get3A_255 = arith.constant 80 : index
          %get3A_256 = tpu.vector_load %arg19[%get3A_254, %get3A_255] {strides = array<i32>} : memref<80x128xf32, #tpu.memory_space<vmem>>, vector<16xf32>,
          %mul3A_257 = arith.mulf %get3A_256, %gather3A_218 : vector<16xf32>
          %swap3A_258 = arith.index_cast %add3A_215 : i32 to index
          %swap3A_259 = arith.constant 80 : index
          %swap3A_260 = tpu.vector_load %arg19[%swap3A_258, %swap3A_259] {strides = array<i32>} : memref<80x128xf32, #tpu.memory_space<vmem>>, vector<16xf32>,
          tpu.vector_store %arg19[%swap3A_258, %swap3A_259], %mul3A_257 {strides = array<i32>} : memref<80x128xf32, #tpu.memory_space<vmem>>, vector<16xf32>,
          %get3A_261 = arith.index_cast %add3A_215 : i32 to index
          %get3A_262 = arith.constant 96 : index
          %get3A_263 = tpu.vector_load %arg19[%get3A_261, %get3A_262] {strides = array<i32>} : memref<80x128xf32, #tpu.memory_space<vmem>>, vector<16xf32>,
          %mul3A_264 = arith.mulf %get3A_263, %gather3A_218 : vector<16xf32>
          %swap3A_265 = arith.index_cast %add3A_215 : i32 to index
          %swap3A_266 = arith.constant 96 : index
          %swap3A_267 = tpu.vector_load %arg19[%swap3A_265, %swap3A_266] {strides = array<i32>} : memref<80x128xf32, #tpu.memory_space<vmem>>, vector<16xf32>,
          tpu.vector_store %arg19[%swap3A_265, %swap3A_266], %mul3A_264 {strides = array<i32>} : memref<80x128xf32, #tpu.memory_space<vmem>>, vector<16xf32>,
          %get3A_268 = arith.index_cast %add3A_215 : i32 to index
          %get3A_269 = arith.constant 112 : index
          %get3A_270 = tpu.vector_load %arg19[%get3A_268, %get3A_269] {strides = array<i32>} : memref<80x128xf32, #tpu.memory_space<vmem>>, vector<16xf32>,
          %mul3A_271 = arith.mulf %get3A_270, %gather3A_218 : vector<16xf32>
          %swap3A_272 = arith.index_cast %add3A_215 : i32 to index
          %swap3A_273 = arith.constant 112 : index
          %swap3A_274 = tpu.vector_load %arg19[%swap3A_272, %swap3A_273] {strides = array<i32>} : memref<80x128xf32, #tpu.memory_space<vmem>>, vector<16xf32>,
          tpu.vector_store %arg19[%swap3A_272, %swap3A_273], %mul3A_271 {strides = array<i32>} : memref<80x128xf32, #tpu.memory_space<vmem>>, vector<16xf32>,
          %mul3A_275 = arith.constant 4 : i32
          %mul3A_276 = arith.muli %scan3A_211, %mul3A_275 : i32
          %add3A_277 = arith.constant 1 : i32
          %add3A_278 = arith.addi %mul3A_276, %add3A_277 : i32
          %add3A_279 = vector.broadcast %add3A_278 : i32 to vector<16xi32>
          %add3A_280 = arith.addi %broadcast_in_dim3A_37, %add3A_279 : vector<16xi32>
          %gather3A_281 = tpu.vector_load_idx %arg18[%add3A_280] : memref<80xf32, #tpu.memory_space<vmem>>[vector<16xi32>], vector<16xf32>,
          %get3A_282 = arith.index_cast %add3A_278 : i32 to index
          %get3A_283 = arith.constant 0 : index
          %get3A_284 = tpu.vector_load %arg19[%get3A_282, %get3A_283] {strides = array<i32>} : memref<80x128xf32, #tpu.memory_space<vmem>>, vector<16xf32>,
          %mul3A_285 = arith.mulf %get3A_284, %gather3A_281 : vector<16xf32>
          %swap3A_286 = arith.index_cast %add3A_278 : i32 to index
          %swap3A_287 = arith.constant 0 : index
          %swap3A_288 = tpu.vector_load %arg19[%swap3A_286, %swap3A_287] {strides = array<i32>} : memref<80x128xf32, #tpu.memory_space<vmem>>, vector<16xf32>,
          tpu.vector_store %arg19[%swap3A_286, %swap3A_287], %mul3A_285 {strides = array<i32>} : memref<80x128xf32, #tpu.memory_space<vmem>>, vector<16xf32>,
          %get3A_289 = arith.index_cast %add3A_278 : i32 to index
          %get3A_290 = arith.constant 16 : index
          %get3A_291 = tpu.vector_load %arg19[%get3A_289, %get3A_290] {strides = array<i32>} : memref<80x128xf32, #tpu.memory_space<vmem>>, vector<16xf32>,
          %mul3A_292 = arith.mulf %get3A_291, %gather3A_281 : vector<16xf32>
          %swap3A_293 = arith.index_cast %add3A_278 : i32 to index
          %swap3A_294 = arith.constant 16 : index
          %swap3A_295 = tpu.vector_load %arg19[%swap3A_293, %swap3A_294] {strides = array<i32>} : memref<80x128xf32, #tpu.memory_space<vmem>>, vector<16xf32>,
          tpu.vector_store %arg19[%swap3A_293, %swap3A_294], %mul3A_292 {strides = array<i32>} : memref<80x128xf32, #tpu.memory_space<vmem>>, vector<16xf32>,
          %get3A_296 = arith.index_cast %add3A_278 : i32 to index
          %get3A_297 = arith.constant 32 : index
          %get3A_298 = tpu.vector_load %arg19[%get3A_296, %get3A_297] {strides = array<i32>} : memref<80x128xf32, #tpu.memory_space<vmem>>, vector<16xf32>,
          %mul3A_299 = arith.mulf %get3A_298, %gather3A_281 : vector<16xf32>
          %swap3A_300 = arith.index_cast %add3A_278 : i32 to index
          %swap3A_301 = arith.constant 32 : index
          %swap3A_302 = tpu.vector_load %arg19[%swap3A_300, %swap3A_301] {strides = array<i32>} : memref<80x128xf32, #tpu.memory_space<vmem>>, vector<16xf32>,
          tpu.vector_store %arg19[%swap3A_300, %swap3A_301], %mul3A_299 {strides = array<i32>} : memref<80x128xf32, #tpu.memory_space<vmem>>, vector<16xf32>,
          %get3A_303 = arith.index_cast %add3A_278 : i32 to index
          %get3A_304 = arith.constant 48 : index
          %get3A_305 = tpu.vector_load %arg19[%get3A_303, %get3A_304] {strides = array<i32>} : memref<80x128xf32, #tpu.memory_space<vmem>>, vector<16xf32>,
          %mul3A_306 = arith.mulf %get3A_305, %gather3A_281 : vector<16xf32>
          %swap3A_307 = arith.index_cast %add3A_278 : i32 to index
          %swap3A_308 = arith.constant 48 : index
          %swap3A_309 = tpu.vector_load %arg19[%swap3A_307, %swap3A_308] {strides = array<i32>} : memref<80x128xf32, #tpu.memory_space<vmem>>, vector<16xf32>,
          tpu.vector_store %arg19[%swap3A_307, %swap3A_308], %mul3A_306 {strides = array<i32>} : memref<80x128xf32, #tpu.memory_space<vmem>>, vector<16xf32>,
          %get3A_310 = arith.index_cast %add3A_278 : i32 to index
          %get3A_311 = arith.constant 64 : index
          %get3A_312 = tpu.vector_load %arg19[%get3A_310, %get3A_311] {strides = array<i32>} : memref<80x128xf32, #tpu.memory_space<vmem>>, vector<16xf32>,
          %mul3A_313 = arith.mulf %get3A_312, %gather3A_281 : vector<16xf32>
          %swap3A_314 = arith.index_cast %add3A_278 : i32 to index
          %swap3A_315 = arith.constant 64 : index
          %swap3A_316 = tpu.vector_load %arg19[%swap3A_314, %swap3A_315] {strides = array<i32>} : memref<80x128xf32, #tpu.memory_space<vmem>>, vector<16xf32>,
          tpu.vector_store %arg19[%swap3A_314, %swap3A_315], %mul3A_313 {strides = array<i32>} : memref<80x128xf32, #tpu.memory_space<vmem>>, vector<16xf32>,
          %get3A_317 = arith.index_cast %add3A_278 : i32 to index
          %get3A_318 = arith.constant 80 : index
          %get3A_319 = tpu.vector_load %arg19[%get3A_317, %get3A_318] {strides = array<i32>} : memref<80x128xf32, #tpu.memory_space<vmem>>, vector<16xf32>,
          %mul3A_320 = arith.mulf %get3A_319, %gather3A_281 : vector<16xf32>
          %swap3A_321 = arith.index_cast %add3A_278 : i32 to index
          %swap3A_322 = arith.constant 80 : index
          %swap3A_323 = tpu.vector_load %arg19[%swap3A_321, %swap3A_322] {strides = array<i32>} : memref<80x128xf32, #tpu.memory_space<vmem>>, vector<16xf32>,
          tpu.vector_store %arg19[%swap3A_321, %swap3A_322], %mul3A_320 {strides = array<i32>} : memref<80x128xf32, #tpu.memory_space<vmem>>, vector<16xf32>,
          %get3A_324 = arith.index_cast %add3A_278 : i32 to index
          %get3A_325 = arith.constant 96 : index
          %get3A_326 = tpu.vector_load %arg19[%get3A_324, %get3A_325] {strides = array<i32>} : memref<80x128xf32, #tpu.memory_space<vmem>>, vector<16xf32>,
          %mul3A_327 = arith.mulf %get3A_326, %gather3A_281 : vector<16xf32>
          %swap3A_328 = arith.index_cast %add3A_278 : i32 to index
          %swap3A_329 = arith.constant 96 : index
          %swap3A_330 = tpu.vector_load %arg19[%swap3A_328, %swap3A_329] {strides = array<i32>} : memref<80x128xf32, #tpu.memory_space<vmem>>, vector<16xf32>,
          tpu.vector_store %arg19[%swap3A_328, %swap3A_329], %mul3A_327 {strides = array<i32>} : memref<80x128xf32, #tpu.memory_space<vmem>>, vector<16xf32>,
          %get3A_331 = arith.index_cast %add3A_278 : i32 to index
          %get3A_332 = arith.constant 112 : index
          %get3A_333 = tpu.vector_load %arg19[%get3A_331, %get3A_332] {strides = array<i32>} : memref<80x128xf32, #tpu.memory_space<vmem>>, vector<16xf32>,
          %mul3A_334 = arith.mulf %get3A_333, %gather3A_281 : vector<16xf32>
          %swap3A_335 = arith.index_cast %add3A_278 : i32 to index
          %swap3A_336 = arith.constant 112 : index
          %swap3A_337 = tpu.vector_load %arg19[%swap3A_335, %swap3A_336] {strides = array<i32>} : memref<80x128xf32, #tpu.memory_space<vmem>>, vector<16xf32>,
          tpu.vector_store %arg19[%swap3A_335, %swap3A_336], %mul3A_334 {strides = array<i32>} : memref<80x128xf32, #tpu.memory_space<vmem>>, vector<16xf32>,
          %mul3A_338 = arith.constant 4 : i32
          %mul3A_339 = arith.muli %scan3A_211, %mul3A_338 : i32
          %add3A_340 = arith.constant 2 : i32
          %add3A_341 = arith.addi %mul3A_339, %add3A_340 : i32
          %add3A_342 = vector.broadcast %add3A_341 : i32 to vector<16xi32>
          %add3A_343 = arith.addi %broadcast_in_dim3A_37, %add3A_342 : vector<16xi32>
          %gather3A_344 = tpu.vector_load_idx %arg18[%add3A_343] : memref<80xf32, #tpu.memory_space<vmem>>[vector<16xi32>], vector<16xf32>,
          %get3A_345 = arith.index_cast %add3A_341 : i32 to index
          %get3A_346 = arith.constant 0 : index
          %get3A_347 = tpu.vector_load %arg19[%get3A_345, %get3A_346] {strides = array<i32>} : memref<80x128xf32, #tpu.memory_space<vmem>>, vector<16xf32>,
          %mul3A_348 = arith.mulf %get3A_347, %gather3A_344 : vector<16xf32>
          %swap3A_349 = arith.index_cast %add3A_341 : i32 to index
          %swap3A_350 = arith.constant 0 : index
          %swap3A_351 = tpu.vector_load %arg19[%swap3A_349, %swap3A_350] {strides = array<i32>} : memref<80x128xf32, #tpu.memory_space<vmem>>, vector<16xf32>,
          tpu.vector_store %arg19[%swap3A_349, %swap3A_350], %mul3A_348 {strides = array<i32>} : memref<80x128xf32, #tpu.memory_space<vmem>>, vector<16xf32>,
          %get3A_352 = arith.index_cast %add3A_341 : i32 to index
          %get3A_353 = arith.constant 16 : index
          %get3A_354 = tpu.vector_load %arg19[%get3A_352, %get3A_353] {strides = array<i32>} : memref<80x128xf32, #tpu.memory_space<vmem>>, vector<16xf32>,
          %mul3A_355 = arith.mulf %get3A_354, %gather3A_344 : vector<16xf32>
          %swap3A_356 = arith.index_cast %add3A_341 : i32 to index
          %swap3A_357 = arith.constant 16 : index
          %swap3A_358 = tpu.vector_load %arg19[%swap3A_356, %swap3A_357] {strides = array<i32>} : memref<80x128xf32, #tpu.memory_space<vmem>>, vector<16xf32>,
          tpu.vector_store %arg19[%swap3A_356, %swap3A_357], %mul3A_355 {strides = array<i32>} : memref<80x128xf32, #tpu.memory_space<vmem>>, vector<16xf32>,
          %get3A_359 = arith.index_cast %add3A_341 : i32 to index
          %get3A_360 = arith.constant 32 : index
          %get3A_361 = tpu.vector_load %arg19[%get3A_359, %get3A_360] {strides = array<i32>} : memref<80x128xf32, #tpu.memory_space<vmem>>, vector<16xf32>,
          %mul3A_362 = arith.mulf %get3A_361, %gather3A_344 : vector<16xf32>
          %swap3A_363 = arith.index_cast %add3A_341 : i32 to index
          %swap3A_364 = arith.constant 32 : index
          %swap3A_365 = tpu.vector_load %arg19[%swap3A_363, %swap3A_364] {strides = array<i32>} : memref<80x128xf32, #tpu.memory_space<vmem>>, vector<16xf32>,
          tpu.vector_store %arg19[%swap3A_363, %swap3A_364], %mul3A_362 {strides = array<i32>} : memref<80x128xf32, #tpu.memory_space<vmem>>, vector<16xf32>,
          %get3A_366 = arith.index_cast %add3A_341 : i32 to index
          %get3A_367 = arith.constant 48 : index
          %get3A_368 = tpu.vector_load %arg19[%get3A_366, %get3A_367] {strides = array<i32>} : memref<80x128xf32, #tpu.memory_space<vmem>>, vector<16xf32>,
          %mul3A_369 = arith.mulf %get3A_368, %gather3A_344 : vector<16xf32>
          %swap3A_370 = arith.index_cast %add3A_341 : i32 to index
          %swap3A_371 = arith.constant 48 : index
          %swap3A_372 = tpu.vector_load %arg19[%swap3A_370, %swap3A_371] {strides = array<i32>} : memref<80x128xf32, #tpu.memory_space<vmem>>, vector<16xf32>,
          tpu.vector_store %arg19[%swap3A_370, %swap3A_371], %mul3A_369 {strides = array<i32>} : memref<80x128xf32, #tpu.memory_space<vmem>>, vector<16xf32>,
          %get3A_373 = arith.index_cast %add3A_341 : i32 to index
          %get3A_374 = arith.constant 64 : index
          %get3A_375 = tpu.vector_load %arg19[%get3A_373, %get3A_374] {strides = array<i32>} : memref<80x128xf32, #tpu.memory_space<vmem>>, vector<16xf32>,
          %mul3A_376 = arith.mulf %get3A_375, %gather3A_344 : vector<16xf32>
          %swap3A_377 = arith.index_cast %add3A_341 : i32 to index
          %swap3A_378 = arith.constant 64 : index
          %swap3A_379 = tpu.vector_load %arg19[%swap3A_377, %swap3A_378] {strides = array<i32>} : memref<80x128xf32, #tpu.memory_space<vmem>>, vector<16xf32>,
          tpu.vector_store %arg19[%swap3A_377, %swap3A_378], %mul3A_376 {strides = array<i32>} : memref<80x128xf32, #tpu.memory_space<vmem>>, vector<16xf32>,
          %get3A_380 = arith.index_cast %add3A_341 : i32 to index
          %get3A_381 = arith.constant 80 : index
          %get3A_382 = tpu.vector_load %arg19[%get3A_380, %get3A_381] {strides = array<i32>} : memref<80x128xf32, #tpu.memory_space<vmem>>, vector<16xf32>,
          %mul3A_383 = arith.mulf %get3A_382, %gather3A_344 : vector<16xf32>
          %swap3A_384 = arith.index_cast %add3A_341 : i32 to index
          %swap3A_385 = arith.constant 80 : index
          %swap3A_386 = tpu.vector_load %arg19[%swap3A_384, %swap3A_385] {strides = array<i32>} : memref<80x128xf32, #tpu.memory_space<vmem>>, vector<16xf32>,
          tpu.vector_store %arg19[%swap3A_384, %swap3A_385], %mul3A_383 {strides = array<i32>} : memref<80x128xf32, #tpu.memory_space<vmem>>, vector<16xf32>,
          %get3A_387 = arith.index_cast %add3A_341 : i32 to index
          %get3A_388 = arith.constant 96 : index
          %get3A_389 = tpu.vector_load %arg19[%get3A_387, %get3A_388] {strides = array<i32>} : memref<80x128xf32, #tpu.memory_space<vmem>>, vector<16xf32>,
          %mul3A_390 = arith.mulf %get3A_389, %gather3A_344 : vector<16xf32>
          %swap3A_391 = arith.index_cast %add3A_341 : i32 to index
          %swap3A_392 = arith.constant 96 : index
          %swap3A_393 = tpu.vector_load %arg19[%swap3A_391, %swap3A_392] {strides = array<i32>} : memref<80x128xf32, #tpu.memory_space<vmem>>, vector<16xf32>,
          tpu.vector_store %arg19[%swap3A_391, %swap3A_392], %mul3A_390 {strides = array<i32>} : memref<80x128xf32, #tpu.memory_space<vmem>>, vector<16xf32>,
          %get3A_394 = arith.index_cast %add3A_341 : i32 to index
          %get3A_395 = arith.constant 112 : index
          %get3A_396 = tpu.vector_load %arg19[%get3A_394, %get3A_395] {strides = array<i32>} : memref<80x128xf32, #tpu.memory_space<vmem>>, vector<16xf32>,
          %mul3A_397 = arith.mulf %get3A_396, %gather3A_344 : vector<16xf32>
          %swap3A_398 = arith.index_cast %add3A_341 : i32 to index
          %swap3A_399 = arith.constant 112 : index
          %swap3A_400 = tpu.vector_load %arg19[%swap3A_398, %swap3A_399] {strides = array<i32>} : memref<80x128xf32, #tpu.memory_space<vmem>>, vector<16xf32>,
          tpu.vector_store %arg19[%swap3A_398, %swap3A_399], %mul3A_397 {strides = array<i32>} : memref<80x128xf32, #tpu.memory_space<vmem>>, vector<16xf32>,
          %mul3A_401 = arith.constant 4 : i32
          %mul3A_402 = arith.muli %scan3A_211, %mul3A_401 : i32
          %add3A_403 = arith.constant 3 : i32
          %add3A_404 = arith.addi %mul3A_402, %add3A_403 : i32
          %add3A_405 = vector.broadcast %add3A_404 : i32 to vector<16xi32>
          %add3A_406 = arith.addi %broadcast_in_dim3A_37, %add3A_405 : vector<16xi32>
          %gather3A_407 = tpu.vector_load_idx %arg18[%add3A_406] : memref<80xf32, #tpu.memory_space<vmem>>[vector<16xi32>], vector<16xf32>,
          %get3A_408 = arith.index_cast %add3A_404 : i32 to index
          %get3A_409 = arith.constant 0 : index
          %get3A_410 = tpu.vector_load %arg19[%get3A_408, %get3A_409] {strides = array<i32>} : memref<80x128xf32, #tpu.memory_space<vmem>>, vector<16xf32>,
          %mul3A_411 = arith.mulf %get3A_410, %gather3A_407 : vector<16xf32>
          %swap3A_412 = arith.index_cast %add3A_404 : i32 to index
          %swap3A_413 = arith.constant 0 : index
          %swap3A_414 = tpu.vector_load %arg19[%swap3A_412, %swap3A_413] {strides = array<i32>} : memref<80x128xf32, #tpu.memory_space<vmem>>, vector<16xf32>,
          tpu.vector_store %arg19[%swap3A_412, %swap3A_413], %mul3A_411 {strides = array<i32>} : memref<80x128xf32, #tpu.memory_space<vmem>>, vector<16xf32>,
          %get3A_415 = arith.index_cast %add3A_404 : i32 to index
          %get3A_416 = arith.constant 16 : index
          %get3A_417 = tpu.vector_load %arg19[%get3A_415, %get3A_416] {strides = array<i32>} : memref<80x128xf32, #tpu.memory_space<vmem>>, vector<16xf32>,
          %mul3A_418 = arith.mulf %get3A_417, %gather3A_407 : vector<16xf32>
          %swap3A_419 = arith.index_cast %add3A_404 : i32 to index
          %swap3A_420 = arith.constant 16 : index
          %swap3A_421 = tpu.vector_load %arg19[%swap3A_419, %swap3A_420] {strides = array<i32>} : memref<80x128xf32, #tpu.memory_space<vmem>>, vector<16xf32>,
          tpu.vector_store %arg19[%swap3A_419, %swap3A_420], %mul3A_418 {strides = array<i32>} : memref<80x128xf32, #tpu.memory_space<vmem>>, vector<16xf32>,
          %get3A_422 = arith.index_cast %add3A_404 : i32 to index
          %get3A_423 = arith.constant 32 : index
          %get3A_424 = tpu.vector_load %arg19[%get3A_422, %get3A_423] {strides = array<i32>} : memref<80x128xf32, #tpu.memory_space<vmem>>, vector<16xf32>,
          %mul3A_425 = arith.mulf %get3A_424, %gather3A_407 : vector<16xf32>
          %swap3A_426 = arith.index_cast %add3A_404 : i32 to index
          %swap3A_427 = arith.constant 32 : index
          %swap3A_428 = tpu.vector_load %arg19[%swap3A_426, %swap3A_427] {strides = array<i32>} : memref<80x128xf32, #tpu.memory_space<vmem>>, vector<16xf32>,
          tpu.vector_store %arg19[%swap3A_426, %swap3A_427], %mul3A_425 {strides = array<i32>} : memref<80x128xf32, #tpu.memory_space<vmem>>, vector<16xf32>,
          %get3A_429 = arith.index_cast %add3A_404 : i32 to index
          %get3A_430 = arith.constant 48 : index
          %get3A_431 = tpu.vector_load %arg19[%get3A_429, %get3A_430] {strides = array<i32>} : memref<80x128xf32, #tpu.memory_space<vmem>>, vector<16xf32>,
          %mul3A_432 = arith.mulf %get3A_431, %gather3A_407 : vector<16xf32>
          %swap3A_433 = arith.index_cast %add3A_404 : i32 to index
          %swap3A_434 = arith.constant 48 : index
          %swap3A_435 = tpu.vector_load %arg19[%swap3A_433, %swap3A_434] {strides = array<i32>} : memref<80x128xf32, #tpu.memory_space<vmem>>, vector<16xf32>,
          tpu.vector_store %arg19[%swap3A_433, %swap3A_434], %mul3A_432 {strides = array<i32>} : memref<80x128xf32, #tpu.memory_space<vmem>>, vector<16xf32>,
          %get3A_436 = arith.index_cast %add3A_404 : i32 to index
          %get3A_437 = arith.constant 64 : index
          %get3A_438 = tpu.vector_load %arg19[%get3A_436, %get3A_437] {strides = array<i32>} : memref<80x128xf32, #tpu.memory_space<vmem>>, vector<16xf32>,
          %mul3A_439 = arith.mulf %get3A_438, %gather3A_407 : vector<16xf32>
          %swap3A_440 = arith.index_cast %add3A_404 : i32 to index
          %swap3A_441 = arith.constant 64 : index
          %swap3A_442 = tpu.vector_load %arg19[%swap3A_440, %swap3A_441] {strides = array<i32>} : memref<80x128xf32, #tpu.memory_space<vmem>>, vector<16xf32>,
          tpu.vector_store %arg19[%swap3A_440, %swap3A_441], %mul3A_439 {strides = array<i32>} : memref<80x128xf32, #tpu.memory_space<vmem>>, vector<16xf32>,
          %get3A_443 = arith.index_cast %add3A_404 : i32 to index
          %get3A_444 = arith.constant 80 : index
          %get3A_445 = tpu.vector_load %arg19[%get3A_443, %get3A_444] {strides = array<i32>} : memref<80x128xf32, #tpu.memory_space<vmem>>, vector<16xf32>,
          %mul3A_446 = arith.mulf %get3A_445, %gather3A_407 : vector<16xf32>
          %swap3A_447 = arith.index_cast %add3A_404 : i32 to index
          %swap3A_448 = arith.constant 80 : index
          %swap3A_449 = tpu.vector_load %arg19[%swap3A_447, %swap3A_448] {strides = array<i32>} : memref<80x128xf32, #tpu.memory_space<vmem>>, vector<16xf32>,
          tpu.vector_store %arg19[%swap3A_447, %swap3A_448], %mul3A_446 {strides = array<i32>} : memref<80x128xf32, #tpu.memory_space<vmem>>, vector<16xf32>,
          %get3A_450 = arith.index_cast %add3A_404 : i32 to index
          %get3A_451 = arith.constant 96 : index
          %get3A_452 = tpu.vector_load %arg19[%get3A_450, %get3A_451] {strides = array<i32>} : memref<80x128xf32, #tpu.memory_space<vmem>>, vector<16xf32>,
          %mul3A_453 = arith.mulf %get3A_452, %gather3A_407 : vector<16xf32>
          %swap3A_454 = arith.index_cast %add3A_404 : i32 to index
          %swap3A_455 = arith.constant 96 : index
          %swap3A_456 = tpu.vector_load %arg19[%swap3A_454, %swap3A_455] {strides = array<i32>} : memref<80x128xf32, #tpu.memory_space<vmem>>, vector<16xf32>,
          tpu.vector_store %arg19[%swap3A_454, %swap3A_455], %mul3A_453 {strides = array<i32>} : memref<80x128xf32, #tpu.memory_space<vmem>>, vector<16xf32>,
          %get3A_457 = arith.index_cast %add3A_404 : i32 to index
          %get3A_458 = arith.constant 112 : index
          %get3A_459 = tpu.vector_load %arg19[%get3A_457, %get3A_458] {strides = array<i32>} : memref<80x128xf32, #tpu.memory_space<vmem>>, vector<16xf32>,
          %mul3A_460 = arith.mulf %get3A_459, %gather3A_407 : vector<16xf32>
          %swap3A_461 = arith.index_cast %add3A_404 : i32 to index
          %swap3A_462 = arith.constant 112 : index
          %swap3A_463 = tpu.vector_load %arg19[%swap3A_461, %swap3A_462] {strides = array<i32>} : memref<80x128xf32, #tpu.memory_space<vmem>>, vector<16xf32>,
          tpu.vector_store %arg19[%swap3A_461, %swap3A_462], %mul3A_460 {strides = array<i32>} : memref<80x128xf32, #tpu.memory_space<vmem>>, vector<16xf32>,
        }
        %scan3A_207 = arith.constant 20 : i32
        %dma_start3A_208 = arith.constant 0 : i32
        %dma_start3A_209 = arith.constant 0 : i32
        %dma_start3A_210 = tpu.memref_slice %arg22[%dma_start3A_208, %dma_start3A_209] : memref<10000x128xf32, #tpu.memory_space<vmem_shared>> -> memref<10000x128xf32, #tpu.memory_space<vmem_shared>>
        tpu.enqueue_indirect_dma source(%arg19 : memref<80x128xf32, #tpu.memory_space<vmem>>) target(%dma_start3A_210 : memref<10000x128xf32, #tpu.memory_space<vmem_shared>>) offsets(%arg16 : memref<80xi32, #tpu.memory_space<vmem>>) semaphore(%arg27 : memref<!tpu.dma_semaphore, #tpu.memory_space<semaphore_mem>>) {add = true}
      } else {
      }
    }
    %scan3A_151 = arith.constant 63 : i32
    %dma_wait3A_152 = arith.constant 0 : i32
    %dma_wait3A_153 = arith.constant 0 : i32
    %dma_wait3A_154 = tpu.memref_slice %arg22[%dma_wait3A_152, %dma_wait3A_153] : memref<10000x128xf32, #tpu.memory_space<vmem_shared>> -> memref<10000x128xf32, #tpu.memory_space<vmem_shared>>
    tpu.wait_indirect_dma semaphore(%arg26 : memref<!tpu.dma_semaphore, #tpu.memory_space<semaphore_mem>>) src(%arg15 : memref<80x128xf32, #tpu.memory_space<vmem>>) dst(%dma_wait3A_154 : memref<10000x128xf32, #tpu.memory_space<vmem_shared>>)
    %dma_wait3A_155 = arith.constant 0 : i32
    %dma_wait3A_156 = arith.constant 0 : i32
    %dma_wait3A_157 = tpu.memref_slice %arg22[%dma_wait3A_155, %dma_wait3A_156] : memref<10000x128xf32, #tpu.memory_space<vmem_shared>> -> memref<10000x128xf32, #tpu.memory_space<vmem_shared>>
    tpu.wait_indirect_dma semaphore(%arg27 : memref<!tpu.dma_semaphore, #tpu.memory_space<semaphore_mem>>) src(%arg19 : memref<80x128xf32, #tpu.memory_space<vmem>>) dst(%dma_wait3A_157 : memref<10000x128xf32, #tpu.memory_space<vmem_shared>>)
    %barrier3A_158 = arith.constant 0 : index
    tpu.barrier barrier_id(%barrier3A_158)
    %while3A_159 = arith.constant 0 : i32
    %while3A_160 = arith.constant 0 : i32
    %while3A_161 = arith.subi %select_n3A, %while3A_160 : i32
    %while3A_162 = arith.addi %while3A_160, %while3A_161 : i32
    %while3A_163 = arith.constant 1 : i32
    %while3A_164 = arith.divsi %while3A_161, %while3A_163 : i32
    %while3A_165 = arith.muli %while3A_164, %while3A_163 : i32
    %while3A_166 = arith.addi %while3A_160, %while3A_165 : i32
    %while3A_167 = arith.constant 1 : i32
    scf.for %while3A_169 = %while3A_160 to %while3A_166 step %while3A_167  : i32 {
      %mul3A_170 = arith.constant 16 : i32
      %mul3A_171 = arith.muli %while3A_169, %mul3A_170 : i32
      %add3A_172 = arith.addi %arg1, %mul3A_171 : i32
      %mul3A_173 = arith.constant 16 : i32
      %mul3A_174 = arith.muli %add3A_172, %mul3A_173 : i32
      "tpu.region"() ({
        %run_scoped3A = tpu.sem_alloc : memref<!tpu.dma_semaphore, #tpu.memory_space<semaphore_mem>>
        %dma_start3A_192 = arith.constant 0 : i32
        %dma_start3A_193 = tpu.memref_slice %arg22[%mul3A_174, %dma_start3A_192] : memref<10000x128xf32, #tpu.memory_space<vmem_shared>> -> memref<16x128xf32, #tpu.memory_space<vmem_shared>>
        %dma_start3A_194 = arith.constant 0 : i32
        %dma_start3A_195 = tpu.memref_slice %arg22[%mul3A_174, %dma_start3A_194] : memref<10000x128xf32, #tpu.memory_space<vmem_shared>> -> memref<16x128xf32, #tpu.memory_space<vmem_shared>>
        tpu.enqueue_dma source(%dma_start3A_195 : memref<16x128xf32, #tpu.memory_space<vmem_shared>>) target(%arg20 : memref<16x128xf32, #tpu.memory_space<vmem>>) target_semaphore(%run_scoped3A : memref<!tpu.dma_semaphore, #tpu.memory_space<semaphore_mem>>)
        %dma_wait3A_196 = arith.constant 0 : i32
        %dma_wait3A_197 = tpu.memref_slice %arg22[%mul3A_174, %dma_wait3A_196] : memref<10000x128xf32, #tpu.memory_space<vmem_shared>> -> memref<16x128xf32, #tpu.memory_space<vmem_shared>>
        %dma_wait3A_198 = arith.constant 0 : i32
        %dma_wait3A_199 = tpu.memref_slice %arg22[%mul3A_174, %dma_wait3A_198] : memref<10000x128xf32, #tpu.memory_space<vmem_shared>> -> memref<16x128xf32, #tpu.memory_space<vmem_shared>>
        tpu.wait_dma2 semaphore(%run_scoped3A : memref<!tpu.dma_semaphore, #tpu.memory_space<semaphore_mem>>) src(%dma_wait3A_199 : memref<16x128xf32, #tpu.memory_space<vmem_shared>>) dst(%arg20 : memref<16x128xf32, #tpu.memory_space<vmem>>)
        tpu.yield
      }) : () -> ()
      %iota3A = tpu.iota {dimensions = array<i32: 0>} : vector<16xi32>
      %add3A_175 = arith.constant 0 : i32
      %add3A_176 = arith.addi %mul3A_174, %add3A_175 : i32
      %add3A_177 = vector.broadcast %add3A_176 : i32 to vector<16xi32>
      %add3A_178 = arith.addi %iota3A, %add3A_177 : vector<16xi32>
      %mul3A_179 = arith.constant 2 : i32
      %mul3A_180 = vector.broadcast %mul3A_179 : i32 to vector<16xi32>
      %mul3A_181 = arith.muli %add3A_178, %mul3A_180 : vector<16xi32>
      %add3A_182 = vector.broadcast %arg0 : i32 to vector<16xi32>
      %add3A_183 = arith.addi %mul3A_181, %add3A_182 : vector<16xi32>
      %swap3A_184 = arith.constant 0 : index
      %swap3A_185 = tpu.vector_load %arg21[%swap3A_184] {strides = array<i32>} : memref<16xi32, #tpu.memory_space<vmem>>, vector<16xi32>,
      tpu.vector_store %arg21[%swap3A_184], %add3A_183 {strides = array<i32>} : memref<16xi32, #tpu.memory_space<vmem>>, vector<16xi32>,
      %dma_start3A_186 = arith.constant 0 : i32
      %dma_start3A_187 = arith.constant 0 : i32
      %dma_start3A_188 = tpu.memref_slice %arg7[%dma_start3A_186, %dma_start3A_187] : memref<20000x128xf32, #tpu.memory_space<hbm>> -> memref<20000x128xf32, #tpu.memory_space<hbm>>
      tpu.enqueue_indirect_dma source(%arg20 : memref<16x128xf32, #tpu.memory_space<vmem>>) target(%dma_start3A_188 : memref<20000x128xf32, #tpu.memory_space<hbm>>) offsets(%arg21 : memref<16xi32, #tpu.memory_space<vmem>>) semaphore(%arg23 : memref<!tpu.dma_semaphore, #tpu.memory_space<semaphore_mem>>)
      %dma_wait3A_189 = arith.constant 0 : i32
      %dma_wait3A_190 = arith.constant 0 : i32
      %dma_wait3A_191 = tpu.memref_slice %arg7[%dma_wait3A_189, %dma_wait3A_190] : memref<20000x128xf32, #tpu.memory_space<hbm>> -> memref<20000x128xf32, #tpu.memory_space<hbm>>
      tpu.wait_indirect_dma semaphore(%arg23 : memref<!tpu.dma_semaphore, #tpu.memory_space<semaphore_mem>>) src(%arg20 : memref<16x128xf32, #tpu.memory_space<vmem>>) dst(%dma_wait3A_191 : memref<20000x128xf32, #tpu.memory_space<hbm>>)
    }
    %while3A_168 = arith.constant 1 : i32
    scf.for %while3A_169 = %while3A_166 to %while3A_162 step %while3A_168  : i32 {
      %mul3A_170 = arith.constant 16 : i32
      %mul3A_171 = arith.muli %while3A_169, %mul3A_170 : i32
      %add3A_172 = arith.addi %arg1, %mul3A_171 : i32
      %mul3A_173 = arith.constant 16 : i32
      %mul3A_174 = arith.muli %add3A_172, %mul3A_173 : i32
      "tpu.region"() ({
        %run_scoped3A = tpu.sem_alloc : memref<!tpu.dma_semaphore, #tpu.memory_space<semaphore_mem>>
        %dma_start3A_192 = arith.constant 0 : i32
        %dma_start3A_193 = tpu.memref_slice %arg22[%mul3A_174, %dma_start3A_192] : memref<10000x128xf32, #tpu.memory_space<vmem_shared>> -> memref<16x128xf32, #tpu.memory_space<vmem_shared>>
        %dma_start3A_194 = arith.constant 0 : i32
        %dma_start3A_195 = tpu.memref_slice %arg22[%mul3A_174, %dma_start3A_194] : memref<10000x128xf32, #tpu.memory_space<vmem_shared>> -> memref<16x128xf32, #tpu.memory_space<vmem_shared>>
        tpu.enqueue_dma source(%dma_start3A_195 : memref<16x128xf32, #tpu.memory_space<vmem_shared>>) target(%arg20 : memref<16x128xf32, #tpu.memory_space<vmem>>) target_semaphore(%run_scoped3A : memref<!tpu.dma_semaphore, #tpu.memory_space<semaphore_mem>>)
        %dma_wait3A_196 = arith.constant 0 : i32
        %dma_wait3A_197 = tpu.memref_slice %arg22[%mul3A_174, %dma_wait3A_196] : memref<10000x128xf32, #tpu.memory_space<vmem_shared>> -> memref<16x128xf32, #tpu.memory_space<vmem_shared>>
        %dma_wait3A_198 = arith.constant 0 : i32
        %dma_wait3A_199 = tpu.memref_slice %arg22[%mul3A_174, %dma_wait3A_198] : memref<10000x128xf32, #tpu.memory_space<vmem_shared>> -> memref<16x128xf32, #tpu.memory_space<vmem_shared>>
        tpu.wait_dma2 semaphore(%run_scoped3A : memref<!tpu.dma_semaphore, #tpu.memory_space<semaphore_mem>>) src(%dma_wait3A_199 : memref<16x128xf32, #tpu.memory_space<vmem_shared>>) dst(%arg20 : memref<16x128xf32, #tpu.memory_space<vmem>>)
        tpu.yield
      }) : () -> ()
      %iota3A = tpu.iota {dimensions = array<i32: 0>} : vector<16xi32>
      %add3A_175 = arith.constant 0 : i32
      %add3A_176 = arith.addi %mul3A_174, %add3A_175 : i32
      %add3A_177 = vector.broadcast %add3A_176 : i32 to vector<16xi32>
      %add3A_178 = arith.addi %iota3A, %add3A_177 : vector<16xi32>
      %mul3A_179 = arith.constant 2 : i32
      %mul3A_180 = vector.broadcast %mul3A_179 : i32 to vector<16xi32>
      %mul3A_181 = arith.muli %add3A_178, %mul3A_180 : vector<16xi32>
      %add3A_182 = vector.broadcast %arg0 : i32 to vector<16xi32>
      %add3A_183 = arith.addi %mul3A_181, %add3A_182 : vector<16xi32>
      %swap3A_184 = arith.constant 0 : index
      %swap3A_185 = tpu.vector_load %arg21[%swap3A_184] {strides = array<i32>} : memref<16xi32, #tpu.memory_space<vmem>>, vector<16xi32>,
      tpu.vector_store %arg21[%swap3A_184], %add3A_183 {strides = array<i32>} : memref<16xi32, #tpu.memory_space<vmem>>, vector<16xi32>,
      %dma_start3A_186 = arith.constant 0 : i32
      %dma_start3A_187 = arith.constant 0 : i32
      %dma_start3A_188 = tpu.memref_slice %arg7[%dma_start3A_186, %dma_start3A_187] : memref<20000x128xf32, #tpu.memory_space<hbm>> -> memref<20000x128xf32, #tpu.memory_space<hbm>>
      tpu.enqueue_indirect_dma source(%arg20 : memref<16x128xf32, #tpu.memory_space<vmem>>) target(%dma_start3A_188 : memref<20000x128xf32, #tpu.memory_space<hbm>>) offsets(%arg21 : memref<16xi32, #tpu.memory_space<vmem>>) semaphore(%arg23 : memref<!tpu.dma_semaphore, #tpu.memory_space<semaphore_mem>>)
      %dma_wait3A_189 = arith.constant 0 : i32
      %dma_wait3A_190 = arith.constant 0 : i32
      %dma_wait3A_191 = tpu.memref_slice %arg7[%dma_wait3A_189, %dma_wait3A_190] : memref<20000x128xf32, #tpu.memory_space<hbm>> -> memref<20000x128xf32, #tpu.memory_space<hbm>>
      tpu.wait_indirect_dma semaphore(%arg23 : memref<!tpu.dma_semaphore, #tpu.memory_space<semaphore_mem>>) src(%arg20 : memref<16x128xf32, #tpu.memory_space<vmem>>) dst(%dma_wait3A_191 : memref<20000x128xf32, #tpu.memory_space<hbm>>)
    }
    return
  }
}

#map = affine_map<(d0, d1) -> (0)>
module attributes {stable_mosaic.version = 14 : i64} {
  func.func @_sc_scores(%arg0: i32, %arg1: i32, %arg2: memref<10000xf32, #tpu.memory_space<hbm>>, %arg3: memref<10000xf32, #tpu.memory_space<hbm>>, %arg4: memref<160000xi32, #tpu.memory_space<hbm>>, %arg5: memref<160000xi32, #tpu.memory_space<hbm>>, %arg6: memref<160000xf32, #tpu.memory_space<hbm>>, %arg7: memref<10240xf32, #tpu.memory_space<hbm>>, %arg8: memref<10000xf32, #tpu.memory_space<vmem>>, %arg9: memref<10000xf32, #tpu.memory_space<vmem>>, %arg10: memref<10000xi32, #tpu.memory_space<vmem>>, %arg11: memref<10000xi32, #tpu.memory_space<vmem>>, %arg12: memref<10000xf32, #tpu.memory_space<vmem>>, %arg13: memref<10240xf32, #tpu.memory_space<vmem>>, %arg14: memref<16x640xf32, #tpu.memory_space<vmem>>, %arg15: memref<640xf32, #tpu.memory_space<vmem>>, %arg16: memref<16x10240xf32, #tpu.memory_space<vmem_shared>>) attributes {dimension_semantics = [#tpu.dimension_semantics<core_parallel>, #tpu.dimension_semantics<subcore_parallel>], iteration_bounds = array<i64: 2, 16>, scalar_prefetch = 0 : i64, scratch_operands = 9 : i64, tpu.core_type = #tpu.core_type<sc_vector_subcore>, window_params = [{transform_indices = #map}, {transform_indices = #map}, {transform_indices = #map}, {transform_indices = #map}, {transform_indices = #map}, {transform_indices = #map}]} {
    %mul3A = arith.constant 10000 : i32
    %mul3A_0 = arith.muli %arg1, %mul3A : i32
    "tpu.region"() ({
      %run_scoped3A = tpu.sem_alloc : memref<!tpu.dma_semaphore, #tpu.memory_space<semaphore_mem>>
      tpu.enqueue_dma source(%arg2 : memref<10000xf32, #tpu.memory_space<hbm>>) target(%arg8 : memref<10000xf32, #tpu.memory_space<vmem>>) target_semaphore(%run_scoped3A : memref<!tpu.dma_semaphore, #tpu.memory_space<semaphore_mem>>)
      tpu.wait_dma2 semaphore(%run_scoped3A : memref<!tpu.dma_semaphore, #tpu.memory_space<semaphore_mem>>) src(%arg2 : memref<10000xf32, #tpu.memory_space<hbm>>) dst(%arg8 : memref<10000xf32, #tpu.memory_space<vmem>>)
      tpu.yield
    }) : () -> ()
    "tpu.region"() ({
      %run_scoped3A = tpu.sem_alloc : memref<!tpu.dma_semaphore, #tpu.memory_space<semaphore_mem>>
      tpu.enqueue_dma source(%arg3 : memref<10000xf32, #tpu.memory_space<hbm>>) target(%arg9 : memref<10000xf32, #tpu.memory_space<vmem>>) target_semaphore(%run_scoped3A : memref<!tpu.dma_semaphore, #tpu.memory_space<semaphore_mem>>)
      tpu.wait_dma2 semaphore(%run_scoped3A : memref<!tpu.dma_semaphore, #tpu.memory_space<semaphore_mem>>) src(%arg3 : memref<10000xf32, #tpu.memory_space<hbm>>) dst(%arg9 : memref<10000xf32, #tpu.memory_space<vmem>>)
      tpu.yield
    }) : () -> ()
    %broadcast_in_dim3A = arith.constant 0.000000e+00 : f32
    %broadcast_in_dim3A_1 = vector.broadcast %broadcast_in_dim3A : f32 to vector<16xf32>
    %scan3A = arith.constant 0 : i32
    %scan3A_2 = arith.constant 0 : i32
    %scan3A_3 = arith.constant 640 : i32
    %scan3A_4 = arith.addi %scan3A_2, %scan3A_3 : i32
    %scan3A_5 = arith.constant 1 : i32
    scf.for %scan3A_33 = %scan3A_2 to %scan3A_4 step %scan3A_5  : i32 {
      %mul3A_34 = arith.constant 16 : i32
      %mul3A_35 = arith.muli %scan3A_33, %mul3A_34 : i32
      %swap3A = arith.index_cast %mul3A_35 : i32 to index
      %swap3A_36 = tpu.vector_load %arg13[%swap3A] {strides = array<i32>} : memref<10240xf32, #tpu.memory_space<vmem>>, vector<16xf32>,
      tpu.vector_store %arg13[%swap3A], %broadcast_in_dim3A_1 {strides = array<i32>} : memref<10240xf32, #tpu.memory_space<vmem>>, vector<16xf32>,
    }
    %scan3A_6 = arith.constant 640 : i32
    "tpu.region"() ({
      %run_scoped3A = tpu.sem_alloc : memref<!tpu.dma_semaphore, #tpu.memory_space<semaphore_mem>>
      %dma_start3A = tpu.memref_slice %arg4[%mul3A_0] : memref<160000xi32, #tpu.memory_space<hbm>> -> memref<10000xi32, #tpu.memory_space<hbm>>
      %dma_start3A_33 = tpu.memref_slice %arg4[%mul3A_0] : memref<160000xi32, #tpu.memory_space<hbm>> -> memref<10000xi32, #tpu.memory_space<hbm>>
      tpu.enqueue_dma source(%dma_start3A_33 : memref<10000xi32, #tpu.memory_space<hbm>>) target(%arg10 : memref<10000xi32, #tpu.memory_space<vmem>>) target_semaphore(%run_scoped3A : memref<!tpu.dma_semaphore, #tpu.memory_space<semaphore_mem>>)
      %dma_wait3A = tpu.memref_slice %arg4[%mul3A_0] : memref<160000xi32, #tpu.memory_space<hbm>> -> memref<10000xi32, #tpu.memory_space<hbm>>
      %dma_wait3A_34 = tpu.memref_slice %arg4[%mul3A_0] : memref<160000xi32, #tpu.memory_space<hbm>> -> memref<10000xi32, #tpu.memory_space<hbm>>
      tpu.wait_dma2 semaphore(%run_scoped3A : memref<!tpu.dma_semaphore, #tpu.memory_space<semaphore_mem>>) src(%dma_wait3A_34 : memref<10000xi32, #tpu.memory_space<hbm>>) dst(%arg10 : memref<10000xi32, #tpu.memory_space<vmem>>)
      tpu.yield
    }) : () -> ()
    "tpu.region"() ({
      %run_scoped3A = tpu.sem_alloc : memref<!tpu.dma_semaphore, #tpu.memory_space<semaphore_mem>>
      %dma_start3A = tpu.memref_slice %arg5[%mul3A_0] : memref<160000xi32, #tpu.memory_space<hbm>> -> memref<10000xi32, #tpu.memory_space<hbm>>
      %dma_start3A_33 = tpu.memref_slice %arg5[%mul3A_0] : memref<160000xi32, #tpu.memory_space<hbm>> -> memref<10000xi32, #tpu.memory_space<hbm>>
      tpu.enqueue_dma source(%dma_start3A_33 : memref<10000xi32, #tpu.memory_space<hbm>>) target(%arg11 : memref<10000xi32, #tpu.memory_space<vmem>>) target_semaphore(%run_scoped3A : memref<!tpu.dma_semaphore, #tpu.memory_space<semaphore_mem>>)
      %dma_wait3A = tpu.memref_slice %arg5[%mul3A_0] : memref<160000xi32, #tpu.memory_space<hbm>> -> memref<10000xi32, #tpu.memory_space<hbm>>
      %dma_wait3A_34 = tpu.memref_slice %arg5[%mul3A_0] : memref<160000xi32, #tpu.memory_space<hbm>> -> memref<10000xi32, #tpu.memory_space<hbm>>
      tpu.wait_dma2 semaphore(%run_scoped3A : memref<!tpu.dma_semaphore, #tpu.memory_space<semaphore_mem>>) src(%dma_wait3A_34 : memref<10000xi32, #tpu.memory_space<hbm>>) dst(%arg11 : memref<10000xi32, #tpu.memory_space<vmem>>)
      tpu.yield
    }) : () -> ()
    %scan3A_7 = arith.constant 0 : i32
    %scan3A_8 = arith.constant 0 : i32
    %scan3A_9 = arith.constant 125 : i32
    %scan3A_10 = arith.addi %scan3A_8, %scan3A_9 : i32
    %scan3A_11 = arith.constant 1 : i32
    scf.for %scan3A_33 = %scan3A_8 to %scan3A_10 step %scan3A_11  : i32 {
      %mul3A_34 = arith.constant 5 : i32
      %mul3A_35 = arith.muli %scan3A_33, %mul3A_34 : i32
      %add3A = arith.constant 0 : i32
      %add3A_36 = arith.addi %mul3A_35, %add3A : i32
      %mul3A_37 = arith.constant 16 : i32
      %mul3A_38 = arith.muli %add3A_36, %mul3A_37 : i32
      %get3A = arith.index_cast %mul3A_38 : i32 to index
      %get3A_39 = tpu.vector_load %arg11[%get3A] {strides = array<i32>} : memref<10000xi32, #tpu.memory_space<vmem>>, vector<16xi32>,
      %get3A_40 = arith.index_cast %mul3A_38 : i32 to index
      %get3A_41 = tpu.vector_load %arg10[%get3A_40] {strides = array<i32>} : memref<10000xi32, #tpu.memory_space<vmem>>, vector<16xi32>,
      %gather3A = tpu.vector_load_idx %arg8[%get3A_41] : memref<10000xf32, #tpu.memory_space<vmem>>[vector<16xi32>], vector<16xf32>,
      %gather3A_42 = tpu.vector_load_idx %arg9[%get3A_39] : memref<10000xf32, #tpu.memory_space<vmem>>[vector<16xi32>], vector<16xf32>,
      %add3A_43 = arith.addf %gather3A, %gather3A_42 : vector<16xf32>
      %gt3A = arith.constant 0.000000e+00 : f32
      %gt3A_44 = vector.broadcast %gt3A : f32 to vector<16xf32>
      %gt3A_45 = arith.cmpf ogt, %add3A_43, %gt3A_44 : vector<16xf32>
      %mul3A_46 = arith.constant 2.000000e-01 : f32
      %mul3A_47 = vector.broadcast %mul3A_46 : f32 to vector<16xf32>
      %mul3A_48 = arith.mulf %mul3A_47, %add3A_43 : vector<16xf32>
      %select_n3A = arith.select %gt3A_45, %add3A_43, %mul3A_48 : vector<16xi1>, vector<16xf32>
      %exp3A = math.exp %select_n3A : vector<16xf32>
      %swap3A = arith.index_cast %mul3A_38 : i32 to index
      %swap3A_49 = tpu.vector_load %arg12[%swap3A] {strides = array<i32>} : memref<10000xf32, #tpu.memory_space<vmem>>, vector<16xf32>,
      tpu.vector_store %arg12[%swap3A], %exp3A {strides = array<i32>} : memref<10000xf32, #tpu.memory_space<vmem>>, vector<16xf32>,
      tpu.vector_store_idx %arg13[%get3A_39], %exp3A {add = true} : memref<10240xf32, #tpu.memory_space<vmem>>[vector<16xi32>], vector<16xf32>,
      %mul3A_50 = arith.constant 5 : i32
      %mul3A_51 = arith.muli %scan3A_33, %mul3A_50 : i32
      %add3A_52 = arith.constant 1 : i32
      %add3A_53 = arith.addi %mul3A_51, %add3A_52 : i32
      %mul3A_54 = arith.constant 16 : i32
      %mul3A_55 = arith.muli %add3A_53, %mul3A_54 : i32
      %get3A_56 = arith.index_cast %mul3A_55 : i32 to index
      %get3A_57 = tpu.vector_load %arg11[%get3A_56] {strides = array<i32>} : memref<10000xi32, #tpu.memory_space<vmem>>, vector<16xi32>,
      %get3A_58 = arith.index_cast %mul3A_55 : i32 to index
      %get3A_59 = tpu.vector_load %arg10[%get3A_58] {strides = array<i32>} : memref<10000xi32, #tpu.memory_space<vmem>>, vector<16xi32>,
      %gather3A_60 = tpu.vector_load_idx %arg8[%get3A_59] : memref<10000xf32, #tpu.memory_space<vmem>>[vector<16xi32>], vector<16xf32>,
      %gather3A_61 = tpu.vector_load_idx %arg9[%get3A_57] : memref<10000xf32, #tpu.memory_space<vmem>>[vector<16xi32>], vector<16xf32>,
      %add3A_62 = arith.addf %gather3A_60, %gather3A_61 : vector<16xf32>
      %gt3A_63 = arith.constant 0.000000e+00 : f32
      %gt3A_64 = vector.broadcast %gt3A_63 : f32 to vector<16xf32>
      %gt3A_65 = arith.cmpf ogt, %add3A_62, %gt3A_64 : vector<16xf32>
      %mul3A_66 = arith.constant 2.000000e-01 : f32
      %mul3A_67 = vector.broadcast %mul3A_66 : f32 to vector<16xf32>
      %mul3A_68 = arith.mulf %mul3A_67, %add3A_62 : vector<16xf32>
      %select_n3A_69 = arith.select %gt3A_65, %add3A_62, %mul3A_68 : vector<16xi1>, vector<16xf32>
      %exp3A_70 = math.exp %select_n3A_69 : vector<16xf32>
      %swap3A_71 = arith.index_cast %mul3A_55 : i32 to index
      %swap3A_72 = tpu.vector_load %arg12[%swap3A_71] {strides = array<i32>} : memref<10000xf32, #tpu.memory_space<vmem>>, vector<16xf32>,
      tpu.vector_store %arg12[%swap3A_71], %exp3A_70 {strides = array<i32>} : memref<10000xf32, #tpu.memory_space<vmem>>, vector<16xf32>,
      tpu.vector_store_idx %arg13[%get3A_57], %exp3A_70 {add = true} : memref<10240xf32, #tpu.memory_space<vmem>>[vector<16xi32>], vector<16xf32>,
      %mul3A_73 = arith.constant 5 : i32
      %mul3A_74 = arith.muli %scan3A_33, %mul3A_73 : i32
      %add3A_75 = arith.constant 2 : i32
      %add3A_76 = arith.addi %mul3A_74, %add3A_75 : i32
      %mul3A_77 = arith.constant 16 : i32
      %mul3A_78 = arith.muli %add3A_76, %mul3A_77 : i32
      %get3A_79 = arith.index_cast %mul3A_78 : i32 to index
      %get3A_80 = tpu.vector_load %arg11[%get3A_79] {strides = array<i32>} : memref<10000xi32, #tpu.memory_space<vmem>>, vector<16xi32>,
      %get3A_81 = arith.index_cast %mul3A_78 : i32 to index
      %get3A_82 = tpu.vector_load %arg10[%get3A_81] {strides = array<i32>} : memref<10000xi32, #tpu.memory_space<vmem>>, vector<16xi32>,
      %gather3A_83 = tpu.vector_load_idx %arg8[%get3A_82] : memref<10000xf32, #tpu.memory_space<vmem>>[vector<16xi32>], vector<16xf32>,
      %gather3A_84 = tpu.vector_load_idx %arg9[%get3A_80] : memref<10000xf32, #tpu.memory_space<vmem>>[vector<16xi32>], vector<16xf32>,
      %add3A_85 = arith.addf %gather3A_83, %gather3A_84 : vector<16xf32>
      %gt3A_86 = arith.constant 0.000000e+00 : f32
      %gt3A_87 = vector.broadcast %gt3A_86 : f32 to vector<16xf32>
      %gt3A_88 = arith.cmpf ogt, %add3A_85, %gt3A_87 : vector<16xf32>
      %mul3A_89 = arith.constant 2.000000e-01 : f32
      %mul3A_90 = vector.broadcast %mul3A_89 : f32 to vector<16xf32>
      %mul3A_91 = arith.mulf %mul3A_90, %add3A_85 : vector<16xf32>
      %select_n3A_92 = arith.select %gt3A_88, %add3A_85, %mul3A_91 : vector<16xi1>, vector<16xf32>
      %exp3A_93 = math.exp %select_n3A_92 : vector<16xf32>
      %swap3A_94 = arith.index_cast %mul3A_78 : i32 to index
      %swap3A_95 = tpu.vector_load %arg12[%swap3A_94] {strides = array<i32>} : memref<10000xf32, #tpu.memory_space<vmem>>, vector<16xf32>,
      tpu.vector_store %arg12[%swap3A_94], %exp3A_93 {strides = array<i32>} : memref<10000xf32, #tpu.memory_space<vmem>>, vector<16xf32>,
      tpu.vector_store_idx %arg13[%get3A_80], %exp3A_93 {add = true} : memref<10240xf32, #tpu.memory_space<vmem>>[vector<16xi32>], vector<16xf32>,
      %mul3A_96 = arith.constant 5 : i32
      %mul3A_97 = arith.muli %scan3A_33, %mul3A_96 : i32
      %add3A_98 = arith.constant 3 : i32
      %add3A_99 = arith.addi %mul3A_97, %add3A_98 : i32
      %mul3A_100 = arith.constant 16 : i32
      %mul3A_101 = arith.muli %add3A_99, %mul3A_100 : i32
      %get3A_102 = arith.index_cast %mul3A_101 : i32 to index
      %get3A_103 = tpu.vector_load %arg11[%get3A_102] {strides = array<i32>} : memref<10000xi32, #tpu.memory_space<vmem>>, vector<16xi32>,
      %get3A_104 = arith.index_cast %mul3A_101 : i32 to index
      %get3A_105 = tpu.vector_load %arg10[%get3A_104] {strides = array<i32>} : memref<10000xi32, #tpu.memory_space<vmem>>, vector<16xi32>,
      %gather3A_106 = tpu.vector_load_idx %arg8[%get3A_105] : memref<10000xf32, #tpu.memory_space<vmem>>[vector<16xi32>], vector<16xf32>,
      %gather3A_107 = tpu.vector_load_idx %arg9[%get3A_103] : memref<10000xf32, #tpu.memory_space<vmem>>[vector<16xi32>], vector<16xf32>,
      %add3A_108 = arith.addf %gather3A_106, %gather3A_107 : vector<16xf32>
      %gt3A_109 = arith.constant 0.000000e+00 : f32
      %gt3A_110 = vector.broadcast %gt3A_109 : f32 to vector<16xf32>
      %gt3A_111 = arith.cmpf ogt, %add3A_108, %gt3A_110 : vector<16xf32>
      %mul3A_112 = arith.constant 2.000000e-01 : f32
      %mul3A_113 = vector.broadcast %mul3A_112 : f32 to vector<16xf32>
      %mul3A_114 = arith.mulf %mul3A_113, %add3A_108 : vector<16xf32>
      %select_n3A_115 = arith.select %gt3A_111, %add3A_108, %mul3A_114 : vector<16xi1>, vector<16xf32>
      %exp3A_116 = math.exp %select_n3A_115 : vector<16xf32>
      %swap3A_117 = arith.index_cast %mul3A_101 : i32 to index
      %swap3A_118 = tpu.vector_load %arg12[%swap3A_117] {strides = array<i32>} : memref<10000xf32, #tpu.memory_space<vmem>>, vector<16xf32>,
      tpu.vector_store %arg12[%swap3A_117], %exp3A_116 {strides = array<i32>} : memref<10000xf32, #tpu.memory_space<vmem>>, vector<16xf32>,
      tpu.vector_store_idx %arg13[%get3A_103], %exp3A_116 {add = true} : memref<10240xf32, #tpu.memory_space<vmem>>[vector<16xi32>], vector<16xf32>,
      %mul3A_119 = arith.constant 5 : i32
      %mul3A_120 = arith.muli %scan3A_33, %mul3A_119 : i32
      %add3A_121 = arith.constant 4 : i32
      %add3A_122 = arith.addi %mul3A_120, %add3A_121 : i32
      %mul3A_123 = arith.constant 16 : i32
      %mul3A_124 = arith.muli %add3A_122, %mul3A_123 : i32
      %get3A_125 = arith.index_cast %mul3A_124 : i32 to index
      %get3A_126 = tpu.vector_load %arg11[%get3A_125] {strides = array<i32>} : memref<10000xi32, #tpu.memory_space<vmem>>, vector<16xi32>,
      %get3A_127 = arith.index_cast %mul3A_124 : i32 to index
      %get3A_128 = tpu.vector_load %arg10[%get3A_127] {strides = array<i32>} : memref<10000xi32, #tpu.memory_space<vmem>>, vector<16xi32>,
      %gather3A_129 = tpu.vector_load_idx %arg8[%get3A_128] : memref<10000xf32, #tpu.memory_space<vmem>>[vector<16xi32>], vector<16xf32>,
      %gather3A_130 = tpu.vector_load_idx %arg9[%get3A_126] : memref<10000xf32, #tpu.memory_space<vmem>>[vector<16xi32>], vector<16xf32>,
      %add3A_131 = arith.addf %gather3A_129, %gather3A_130 : vector<16xf32>
      %gt3A_132 = arith.constant 0.000000e+00 : f32
      %gt3A_133 = vector.broadcast %gt3A_132 : f32 to vector<16xf32>
      %gt3A_134 = arith.cmpf ogt, %add3A_131, %gt3A_133 : vector<16xf32>
      %mul3A_135 = arith.constant 2.000000e-01 : f32
      %mul3A_136 = vector.broadcast %mul3A_135 : f32 to vector<16xf32>
      %mul3A_137 = arith.mulf %mul3A_136, %add3A_131 : vector<16xf32>
      %select_n3A_138 = arith.select %gt3A_134, %add3A_131, %mul3A_137 : vector<16xi1>, vector<16xf32>
      %exp3A_139 = math.exp %select_n3A_138 : vector<16xf32>
      %swap3A_140 = arith.index_cast %mul3A_124 : i32 to index
      %swap3A_141 = tpu.vector_load %arg12[%swap3A_140] {strides = array<i32>} : memref<10000xf32, #tpu.memory_space<vmem>>, vector<16xf32>,
      tpu.vector_store %arg12[%swap3A_140], %exp3A_139 {strides = array<i32>} : memref<10000xf32, #tpu.memory_space<vmem>>, vector<16xf32>,
      tpu.vector_store_idx %arg13[%get3A_126], %exp3A_139 {add = true} : memref<10240xf32, #tpu.memory_space<vmem>>[vector<16xi32>], vector<16xf32>,
    }
    %scan3A_12 = arith.constant 125 : i32
    %eq3A = arith.constant 0 : i32
    %eq3A_13 = arith.cmpi eq, %arg0, %eq3A : i32
    %convert_element_type3A = arith.extui %eq3A_13 : i1 to i32
    %cond3A = arith.constant 0 : i32
    %cond3A_14 = arith.cmpi ne, %convert_element_type3A, %cond3A : i32
    scf.if %cond3A_14 {
      "tpu.region"() ({
        %run_scoped3A = tpu.sem_alloc : memref<!tpu.dma_semaphore, #tpu.memory_space<semaphore_mem>>
        %dma_start3A = arith.constant 0 : i32
        %dma_start3A_33 = tpu.memref_slice %arg12[%dma_start3A] : memref<10000xf32, #tpu.memory_space<vmem>> -> memref<5120xf32, #tpu.memory_space<vmem>>
        %dma_start3A_34 = tpu.memref_slice %arg6[%mul3A_0] : memref<160000xf32, #tpu.memory_space<hbm>> -> memref<5120xf32, #tpu.memory_space<hbm>>
        %dma_start3A_35 = tpu.memref_slice %arg6[%mul3A_0] : memref<160000xf32, #tpu.memory_space<hbm>> -> memref<5120xf32, #tpu.memory_space<hbm>>
        %dma_start3A_36 = arith.constant 0 : i32
        %dma_start3A_37 = tpu.memref_slice %arg12[%dma_start3A_36] : memref<10000xf32, #tpu.memory_space<vmem>> -> memref<5120xf32, #tpu.memory_space<vmem>>
        tpu.enqueue_dma source(%dma_start3A_37 : memref<5120xf32, #tpu.memory_space<vmem>>) target(%dma_start3A_35 : memref<5120xf32, #tpu.memory_space<hbm>>) target_semaphore(%run_scoped3A : memref<!tpu.dma_semaphore, #tpu.memory_space<semaphore_mem>>)
        %dma_wait3A = arith.constant 0 : i32
        %dma_wait3A_38 = tpu.memref_slice %arg12[%dma_wait3A] : memref<10000xf32, #tpu.memory_space<vmem>> -> memref<5120xf32, #tpu.memory_space<vmem>>
        %dma_wait3A_39 = tpu.memref_slice %arg6[%mul3A_0] : memref<160000xf32, #tpu.memory_space<hbm>> -> memref<5120xf32, #tpu.memory_space<hbm>>
        %dma_wait3A_40 = tpu.memref_slice %arg6[%mul3A_0] : memref<160000xf32, #tpu.memory_space<hbm>> -> memref<5120xf32, #tpu.memory_space<hbm>>
        %dma_wait3A_41 = arith.constant 0 : i32
        %dma_wait3A_42 = tpu.memref_slice %arg12[%dma_wait3A_41] : memref<10000xf32, #tpu.memory_space<vmem>> -> memref<5120xf32, #tpu.memory_space<vmem>>
        tpu.wait_dma2 semaphore(%run_scoped3A : memref<!tpu.dma_semaphore, #tpu.memory_space<semaphore_mem>>) src(%dma_wait3A_42 : memref<5120xf32, #tpu.memory_space<vmem>>) dst(%dma_wait3A_40 : memref<5120xf32, #tpu.memory_space<hbm>>)
        tpu.yield
      }) : () -> ()
    } else {
    }
    %eq3A_15 = arith.constant 1 : i32
    %eq3A_16 = arith.cmpi eq, %arg0, %eq3A_15 : i32
    %convert_element_type3A_17 = arith.extui %eq3A_16 : i1 to i32
    %cond3A_18 = arith.constant 0 : i32
    %cond3A_19 = arith.cmpi ne, %convert_element_type3A_17, %cond3A_18 : i32
    scf.if %cond3A_19 {
      %add3A = arith.constant 5120 : i32
      %add3A_33 = arith.addi %mul3A_0, %add3A : i32
      "tpu.region"() ({
        %run_scoped3A = tpu.sem_alloc : memref<!tpu.dma_semaphore, #tpu.memory_space<semaphore_mem>>
        %dma_start3A = arith.constant 5120 : i32
        %dma_start3A_34 = tpu.memref_slice %arg12[%dma_start3A] : memref<10000xf32, #tpu.memory_space<vmem>> -> memref<4880xf32, #tpu.memory_space<vmem>>
        %dma_start3A_35 = tpu.memref_slice %arg6[%add3A_33] : memref<160000xf32, #tpu.memory_space<hbm>> -> memref<4880xf32, #tpu.memory_space<hbm>>
        %dma_start3A_36 = tpu.memref_slice %arg6[%add3A_33] : memref<160000xf32, #tpu.memory_space<hbm>> -> memref<4880xf32, #tpu.memory_space<hbm>>
        %dma_start3A_37 = arith.constant 5120 : i32
        %dma_start3A_38 = tpu.memref_slice %arg12[%dma_start3A_37] : memref<10000xf32, #tpu.memory_space<vmem>> -> memref<4880xf32, #tpu.memory_space<vmem>>
        tpu.enqueue_dma source(%dma_start3A_38 : memref<4880xf32, #tpu.memory_space<vmem>>) target(%dma_start3A_36 : memref<4880xf32, #tpu.memory_space<hbm>>) target_semaphore(%run_scoped3A : memref<!tpu.dma_semaphore, #tpu.memory_space<semaphore_mem>>)
        %dma_wait3A = arith.constant 5120 : i32
        %dma_wait3A_39 = tpu.memref_slice %arg12[%dma_wait3A] : memref<10000xf32, #tpu.memory_space<vmem>> -> memref<4880xf32, #tpu.memory_space<vmem>>
        %dma_wait3A_40 = tpu.memref_slice %arg6[%add3A_33] : memref<160000xf32, #tpu.memory_space<hbm>> -> memref<4880xf32, #tpu.memory_space<hbm>>
        %dma_wait3A_41 = tpu.memref_slice %arg6[%add3A_33] : memref<160000xf32, #tpu.memory_space<hbm>> -> memref<4880xf32, #tpu.memory_space<hbm>>
        %dma_wait3A_42 = arith.constant 5120 : i32
        %dma_wait3A_43 = tpu.memref_slice %arg12[%dma_wait3A_42] : memref<10000xf32, #tpu.memory_space<vmem>> -> memref<4880xf32, #tpu.memory_space<vmem>>
        tpu.wait_dma2 semaphore(%run_scoped3A : memref<!tpu.dma_semaphore, #tpu.memory_space<semaphore_mem>>) src(%dma_wait3A_43 : memref<4880xf32, #tpu.memory_space<vmem>>) dst(%dma_wait3A_41 : memref<4880xf32, #tpu.memory_space<hbm>>)
        tpu.yield
      }) : () -> ()
    } else {
    }
    "tpu.region"() ({
      %run_scoped3A = tpu.sem_alloc : memref<!tpu.dma_semaphore, #tpu.memory_space<semaphore_mem>>
      %dma_start3A = arith.constant 0 : i32
      %dma_start3A_33 = tpu.memref_slice %arg16[%arg1, %dma_start3A] : memref<16x10240xf32, #tpu.memory_space<vmem_shared>> -> memref<1x10240xf32, #tpu.memory_space<vmem_shared>>
      %dma_start3A_34 = tpu.memref_squeeze %dma_start3A_33 : memref<1x10240xf32, #tpu.memory_space<vmem_shared>> -> memref<10240xf32, #tpu.memory_space<vmem_shared>>
      %dma_start3A_35 = arith.constant 0 : i32
      %dma_start3A_36 = tpu.memref_slice %arg16[%arg1, %dma_start3A_35] : memref<16x10240xf32, #tpu.memory_space<vmem_shared>> -> memref<1x10240xf32, #tpu.memory_space<vmem_shared>>
      %dma_start3A_37 = tpu.memref_squeeze %dma_start3A_36 : memref<1x10240xf32, #tpu.memory_space<vmem_shared>> -> memref<10240xf32, #tpu.memory_space<vmem_shared>>
      tpu.enqueue_dma source(%arg13 : memref<10240xf32, #tpu.memory_space<vmem>>) target(%dma_start3A_37 : memref<10240xf32, #tpu.memory_space<vmem_shared>>) target_semaphore(%run_scoped3A : memref<!tpu.dma_semaphore, #tpu.memory_space<semaphore_mem>>)
      %dma_wait3A = arith.constant 0 : i32
      %dma_wait3A_38 = tpu.memref_slice %arg16[%arg1, %dma_wait3A] : memref<16x10240xf32, #tpu.memory_space<vmem_shared>> -> memref<1x10240xf32, #tpu.memory_space<vmem_shared>>
      %dma_wait3A_39 = tpu.memref_squeeze %dma_wait3A_38 : memref<1x10240xf32, #tpu.memory_space<vmem_shared>> -> memref<10240xf32, #tpu.memory_space<vmem_shared>>
      %dma_wait3A_40 = arith.constant 0 : i32
      %dma_wait3A_41 = tpu.memref_slice %arg16[%arg1, %dma_wait3A_40] : memref<16x10240xf32, #tpu.memory_space<vmem_shared>> -> memref<1x10240xf32, #tpu.memory_space<vmem_shared>>
      %dma_wait3A_42 = tpu.memref_squeeze %dma_wait3A_41 : memref<1x10240xf32, #tpu.memory_space<vmem_shared>> -> memref<10240xf32, #tpu.memory_space<vmem_shared>>
      tpu.wait_dma2 semaphore(%run_scoped3A : memref<!tpu.dma_semaphore, #tpu.memory_space<semaphore_mem>>) src(%arg13 : memref<10240xf32, #tpu.memory_space<vmem>>) dst(%dma_wait3A_42 : memref<10240xf32, #tpu.memory_space<vmem_shared>>)
      tpu.yield
    }) : () -> ()
    %barrier3A = arith.constant 0 : index
    tpu.barrier barrier_id(%barrier3A)
    %mul3A_20 = arith.constant 640 : i32
    %mul3A_21 = arith.muli %arg1, %mul3A_20 : i32
    "tpu.region"() ({
      %run_scoped3A = tpu.sem_alloc : memref<!tpu.dma_semaphore, #tpu.memory_space<semaphore_mem>>
      %dma_start3A = arith.constant 0 : i32
      %dma_start3A_33 = tpu.memref_slice %arg16[%dma_start3A, %mul3A_21] : memref<16x10240xf32, #tpu.memory_space<vmem_shared>> -> memref<16x640xf32, #tpu.memory_space<vmem_shared>>
      %dma_start3A_34 = arith.constant 0 : i32
      %dma_start3A_35 = tpu.memref_slice %arg16[%dma_start3A_34, %mul3A_21] : memref<16x10240xf32, #tpu.memory_space<vmem_shared>> -> memref<16x640xf32, #tpu.memory_space<vmem_shared>>
      tpu.enqueue_dma source(%dma_start3A_35 : memref<16x640xf32, #tpu.memory_space<vmem_shared>>) target(%arg14 : memref<16x640xf32, #tpu.memory_space<vmem>>) target_semaphore(%run_scoped3A : memref<!tpu.dma_semaphore, #tpu.memory_space<semaphore_mem>>)
      %dma_wait3A = arith.constant 0 : i32
      %dma_wait3A_36 = tpu.memref_slice %arg16[%dma_wait3A, %mul3A_21] : memref<16x10240xf32, #tpu.memory_space<vmem_shared>> -> memref<16x640xf32, #tpu.memory_space<vmem_shared>>
      %dma_wait3A_37 = arith.constant 0 : i32
      %dma_wait3A_38 = tpu.memref_slice %arg16[%dma_wait3A_37, %mul3A_21] : memref<16x10240xf32, #tpu.memory_space<vmem_shared>> -> memref<16x640xf32, #tpu.memory_space<vmem_shared>>
      tpu.wait_dma2 semaphore(%run_scoped3A : memref<!tpu.dma_semaphore, #tpu.memory_space<semaphore_mem>>) src(%dma_wait3A_38 : memref<16x640xf32, #tpu.memory_space<vmem_shared>>) dst(%arg14 : memref<16x640xf32, #tpu.memory_space<vmem>>)
      tpu.yield
    }) : () -> ()
    %scan3A_22 = arith.constant 0 : i32
    %scan3A_23 = arith.constant 0 : i32
    %scan3A_24 = arith.constant 40 : i32
    %scan3A_25 = arith.addi %scan3A_23, %scan3A_24 : i32
    %scan3A_26 = arith.constant 1 : i32
    scf.for %scan3A_33 = %scan3A_23 to %scan3A_25 step %scan3A_26  : i32 {
      %mul3A_34 = arith.constant 16 : i32
      %mul3A_35 = arith.muli %scan3A_33, %mul3A_34 : i32
      %get3A = arith.constant 0 : i32
      %get3A_36 = arith.index_cast %get3A : i32 to index
      %get3A_37 = arith.index_cast %mul3A_35 : i32 to index
      %get3A_38 = tpu.vector_load %arg14[%get3A_36, %get3A_37] {strides = array<i32>} : memref<16x640xf32, #tpu.memory_space<vmem>>, vector<16xf32>,
      %get3A_39 = arith.constant 1 : i32
      %get3A_40 = arith.index_cast %get3A_39 : i32 to index
      %get3A_41 = arith.index_cast %mul3A_35 : i32 to index
      %get3A_42 = tpu.vector_load %arg14[%get3A_40, %get3A_41] {strides = array<i32>} : memref<16x640xf32, #tpu.memory_space<vmem>>, vector<16xf32>,
      %add3A = arith.addf %get3A_38, %get3A_42 : vector<16xf32>
      %get3A_43 = arith.constant 2 : i32
      %get3A_44 = arith.index_cast %get3A_43 : i32 to index
      %get3A_45 = arith.index_cast %mul3A_35 : i32 to index
      %get3A_46 = tpu.vector_load %arg14[%get3A_44, %get3A_45] {strides = array<i32>} : memref<16x640xf32, #tpu.memory_space<vmem>>, vector<16xf32>,
      %add3A_47 = arith.addf %add3A, %get3A_46 : vector<16xf32>
      %get3A_48 = arith.constant 3 : i32
      %get3A_49 = arith.index_cast %get3A_48 : i32 to index
      %get3A_50 = arith.index_cast %mul3A_35 : i32 to index
      %get3A_51 = tpu.vector_load %arg14[%get3A_49, %get3A_50] {strides = array<i32>} : memref<16x640xf32, #tpu.memory_space<vmem>>, vector<16xf32>,
      %add3A_52 = arith.addf %add3A_47, %get3A_51 : vector<16xf32>
      %get3A_53 = arith.constant 4 : i32
      %get3A_54 = arith.index_cast %get3A_53 : i32 to index
      %get3A_55 = arith.index_cast %mul3A_35 : i32 to index
      %get3A_56 = tpu.vector_load %arg14[%get3A_54, %get3A_55] {strides = array<i32>} : memref<16x640xf32, #tpu.memory_space<vmem>>, vector<16xf32>,
      %add3A_57 = arith.addf %add3A_52, %get3A_56 : vector<16xf32>
      %get3A_58 = arith.constant 5 : i32
      %get3A_59 = arith.index_cast %get3A_58 : i32 to index
      %get3A_60 = arith.index_cast %mul3A_35 : i32 to index
      %get3A_61 = tpu.vector_load %arg14[%get3A_59, %get3A_60] {strides = array<i32>} : memref<16x640xf32, #tpu.memory_space<vmem>>, vector<16xf32>,
      %add3A_62 = arith.addf %add3A_57, %get3A_61 : vector<16xf32>
      %get3A_63 = arith.constant 6 : i32
      %get3A_64 = arith.index_cast %get3A_63 : i32 to index
      %get3A_65 = arith.index_cast %mul3A_35 : i32 to index
      %get3A_66 = tpu.vector_load %arg14[%get3A_64, %get3A_65] {strides = array<i32>} : memref<16x640xf32, #tpu.memory_space<vmem>>, vector<16xf32>,
      %add3A_67 = arith.addf %add3A_62, %get3A_66 : vector<16xf32>
      %get3A_68 = arith.constant 7 : i32
      %get3A_69 = arith.index_cast %get3A_68 : i32 to index
      %get3A_70 = arith.index_cast %mul3A_35 : i32 to index
      %get3A_71 = tpu.vector_load %arg14[%get3A_69, %get3A_70] {strides = array<i32>} : memref<16x640xf32, #tpu.memory_space<vmem>>, vector<16xf32>,
      %add3A_72 = arith.addf %add3A_67, %get3A_71 : vector<16xf32>
      %get3A_73 = arith.constant 8 : i32
      %get3A_74 = arith.index_cast %get3A_73 : i32 to index
      %get3A_75 = arith.index_cast %mul3A_35 : i32 to index
      %get3A_76 = tpu.vector_load %arg14[%get3A_74, %get3A_75] {strides = array<i32>} : memref<16x640xf32, #tpu.memory_space<vmem>>, vector<16xf32>,
      %add3A_77 = arith.addf %add3A_72, %get3A_76 : vector<16xf32>
      %get3A_78 = arith.constant 9 : i32
      %get3A_79 = arith.index_cast %get3A_78 : i32 to index
      %get3A_80 = arith.index_cast %mul3A_35 : i32 to index
      %get3A_81 = tpu.vector_load %arg14[%get3A_79, %get3A_80] {strides = array<i32>} : memref<16x640xf32, #tpu.memory_space<vmem>>, vector<16xf32>,
      %add3A_82 = arith.addf %add3A_77, %get3A_81 : vector<16xf32>
      %get3A_83 = arith.constant 10 : i32
      %get3A_84 = arith.index_cast %get3A_83 : i32 to index
      %get3A_85 = arith.index_cast %mul3A_35 : i32 to index
      %get3A_86 = tpu.vector_load %arg14[%get3A_84, %get3A_85] {strides = array<i32>} : memref<16x640xf32, #tpu.memory_space<vmem>>, vector<16xf32>,
      %add3A_87 = arith.addf %add3A_82, %get3A_86 : vector<16xf32>
      %get3A_88 = arith.constant 11 : i32
      %get3A_89 = arith.index_cast %get3A_88 : i32 to index
      %get3A_90 = arith.index_cast %mul3A_35 : i32 to index
      %get3A_91 = tpu.vector_load %arg14[%get3A_89, %get3A_90] {strides = array<i32>} : memref<16x640xf32, #tpu.memory_space<vmem>>, vector<16xf32>,
      %add3A_92 = arith.addf %add3A_87, %get3A_91 : vector<16xf32>
      %get3A_93 = arith.constant 12 : i32
      %get3A_94 = arith.index_cast %get3A_93 : i32 to index
      %get3A_95 = arith.index_cast %mul3A_35 : i32 to index
      %get3A_96 = tpu.vector_load %arg14[%get3A_94, %get3A_95] {strides = array<i32>} : memref<16x640xf32, #tpu.memory_space<vmem>>, vector<16xf32>,
      %add3A_97 = arith.addf %add3A_92, %get3A_96 : vector<16xf32>
      %get3A_98 = arith.constant 13 : i32
      %get3A_99 = arith.index_cast %get3A_98 : i32 to index
      %get3A_100 = arith.index_cast %mul3A_35 : i32 to index
      %get3A_101 = tpu.vector_load %arg14[%get3A_99, %get3A_100] {strides = array<i32>} : memref<16x640xf32, #tpu.memory_space<vmem>>, vector<16xf32>,
      %add3A_102 = arith.addf %add3A_97, %get3A_101 : vector<16xf32>
      %get3A_103 = arith.constant 14 : i32
      %get3A_104 = arith.index_cast %get3A_103 : i32 to index
      %get3A_105 = arith.index_cast %mul3A_35 : i32 to index
      %get3A_106 = tpu.vector_load %arg14[%get3A_104, %get3A_105] {strides = array<i32>} : memref<16x640xf32, #tpu.memory_space<vmem>>, vector<16xf32>,
      %add3A_107 = arith.addf %add3A_102, %get3A_106 : vector<16xf32>
      %get3A_108 = arith.constant 15 : i32
      %get3A_109 = arith.index_cast %get3A_108 : i32 to index
      %get3A_110 = arith.index_cast %mul3A_35 : i32 to index
      %get3A_111 = tpu.vector_load %arg14[%get3A_109, %get3A_110] {strides = array<i32>} : memref<16x640xf32, #tpu.memory_space<vmem>>, vector<16xf32>,
      %add3A_112 = arith.addf %add3A_107, %get3A_111 : vector<16xf32>
      %swap3A = arith.index_cast %mul3A_35 : i32 to index
      %swap3A_113 = tpu.vector_load %arg15[%swap3A] {strides = array<i32>} : memref<640xf32, #tpu.memory_space<vmem>>, vector<16xf32>,
      tpu.vector_store %arg15[%swap3A], %add3A_112 {strides = array<i32>} : memref<640xf32, #tpu.memory_space<vmem>>, vector<16xf32>,
    }
    %scan3A_27 = arith.constant 40 : i32
    %eq3A_28 = arith.constant 0 : i32
    %eq3A_29 = arith.cmpi eq, %arg0, %eq3A_28 : i32
    %convert_element_type3A_30 = arith.extui %eq3A_29 : i1 to i32
    %cond3A_31 = arith.constant 0 : i32
    %cond3A_32 = arith.cmpi ne, %convert_element_type3A_30, %cond3A_31 : i32
    scf.if %cond3A_32 {
      %mul3A_33 = arith.constant 640 : i32
      %mul3A_34 = arith.muli %arg1, %mul3A_33 : i32
      "tpu.region"() ({
        %run_scoped3A = tpu.sem_alloc : memref<!tpu.dma_semaphore, #tpu.memory_space<semaphore_mem>>
        %dma_start3A = tpu.memref_slice %arg7[%mul3A_34] : memref<10240xf32, #tpu.memory_space<hbm>> -> memref<640xf32, #tpu.memory_space<hbm>>
        %dma_start3A_35 = tpu.memref_slice %arg7[%mul3A_34] : memref<10240xf32, #tpu.memory_space<hbm>> -> memref<640xf32, #tpu.memory_space<hbm>>
        tpu.enqueue_dma source(%arg15 : memref<640xf32, #tpu.memory_space<vmem>>) target(%dma_start3A_35 : memref<640xf32, #tpu.memory_space<hbm>>) target_semaphore(%run_scoped3A : memref<!tpu.dma_semaphore, #tpu.memory_space<semaphore_mem>>)
        %dma_wait3A = tpu.memref_slice %arg7[%mul3A_34] : memref<10240xf32, #tpu.memory_space<hbm>> -> memref<640xf32, #tpu.memory_space<hbm>>
        %dma_wait3A_36 = tpu.memref_slice %arg7[%mul3A_34] : memref<10240xf32, #tpu.memory_space<hbm>> -> memref<640xf32, #tpu.memory_space<hbm>>
        tpu.wait_dma2 semaphore(%run_scoped3A : memref<!tpu.dma_semaphore, #tpu.memory_space<semaphore_mem>>) src(%arg15 : memref<640xf32, #tpu.memory_space<vmem>>) dst(%dma_wait3A_36 : memref<640xf32, #tpu.memory_space<hbm>>)
        tpu.yield
      }) : () -> ()
    } else {
    }
    return
  }
}

module attributes {stable_mosaic.version = 14 : i64} {
  func.func @_mm_body(%arg0: i32, %arg1: memref<1000x256xf32, #tpu.memory_space<vmem>>, %arg2: memref<256x256xf32, #tpu.memory_space<vmem>>, %arg3: memref<256x128xf32, #tpu.memory_space<vmem>>, %arg4: memref<1000x256xf32, #tpu.memory_space<vmem>>, %arg5: memref<1000x128xf32, #tpu.memory_space<vmem>>) attributes {dimension_semantics = [#tpu.dimension_semantics<arbitrary>], iteration_bounds = array<i64: 10>, scalar_prefetch = 0 : i64, scratch_operands = 0 : i64, tpu.core_type = #tpu.core_type<tc>, window_params = [{transform_indices = @transform_0, window_bounds = array<i64: 1000, 256>}, {pipeline_mode = #tpu.pipeline_mode<synchronous>, transform_indices = @transform_1, window_bounds = array<i64: 256, 256>}, {pipeline_mode = #tpu.pipeline_mode<synchronous>, transform_indices = @transform_2, window_bounds = array<i64: 256, 128>}, {transform_indices = @transform_3, window_bounds = array<i64: 1000, 256>}, {transform_indices = @transform_4, window_bounds = array<i64: 1000, 128>}]} {
    %get3A = arith.constant 0 : index
    %get3A_0 = arith.constant 0 : index
    %get3A_1 = vector.load %arg1[%get3A, %get3A_0] : memref<1000x256xf32, #tpu.memory_space<vmem>>, vector<1000x256xf32>
    %get3A_2 = arith.constant 0 : index
    %get3A_3 = arith.constant 0 : index
    %get3A_4 = vector.load %arg2[%get3A_2, %get3A_3] : memref<256x256xf32, #tpu.memory_space<vmem>>, vector<256x256xf32>
    %dot_general3A = arith.constant dense<0.000000e+00> : vector<1000x256xf32>
    %dot_general3A_5 = tpu.matmul %get3A_1, %get3A_4, %dot_general3A {dimension_numbers = #tpu.dot_dimension_numbers<[1], [0], [0], [1], [0, 0, 1, 1], [], []>, transpose_lhs_hint = false} : vector<1000x256xf32>, vector<256x256xf32>, vector<1000x256xf32> -> vector<1000x256xf32>
    %swap3A = arith.constant 0 : index
    %swap3A_6 = arith.constant 0 : index
    %swap3A_7 = vector.load %arg4[%swap3A, %swap3A_6] : memref<1000x256xf32, #tpu.memory_space<vmem>>, vector<1000x256xf32>
    tpu.vector_store %arg4[%swap3A, %swap3A_6], %dot_general3A_5 {strides = array<i32>} : memref<1000x256xf32, #tpu.memory_space<vmem>>, vector<1000x256xf32>,
    %get3A_8 = arith.constant 0 : index
    %get3A_9 = arith.constant 0 : index
    %get3A_10 = vector.load %arg3[%get3A_8, %get3A_9] : memref<256x128xf32, #tpu.memory_space<vmem>>, vector<256x128xf32>
    %dot_general3A_11 = arith.constant dense<0.000000e+00> : vector<1000x128xf32>
    %dot_general3A_12 = tpu.matmul %dot_general3A_5, %get3A_10, %dot_general3A_11 {dimension_numbers = #tpu.dot_dimension_numbers<[1], [0], [0], [1], [0, 0, 1, 1], [], []>, transpose_lhs_hint = false} : vector<1000x256xf32>, vector<256x128xf32>, vector<1000x128xf32> -> vector<1000x128xf32>
    %swap3A_13 = arith.constant 0 : index
    %swap3A_14 = arith.constant 0 : index
    %swap3A_15 = vector.load %arg5[%swap3A_13, %swap3A_14] : memref<1000x128xf32, #tpu.memory_space<vmem>>, vector<1000x128xf32>
    tpu.vector_store %arg5[%swap3A_13, %swap3A_14], %dot_general3A_12 {strides = array<i32>} : memref<1000x128xf32, #tpu.memory_space<vmem>>, vector<1000x128xf32>,
    return
  }
  func.func @transform_0(%arg0: i32) -> (i32, i32) {
    %c0_i32 = arith.constant 0 : i32
    %c0_i32_0 = arith.constant 0 : i32
    return %arg0, %c0_i32 : i32, i32
  }
  func.func @transform_1(%arg0: i32) -> (i32, i32) {
    %c0_i32 = arith.constant 0 : i32
    %c0_i32_0 = arith.constant 0 : i32
    %c0_i32_1 = arith.constant 0 : i32
    return %c0_i32, %c0_i32_0 : i32, i32
  }
  func.func @transform_2(%arg0: i32) -> (i32, i32) {
    %c0_i32 = arith.constant 0 : i32
    %c0_i32_0 = arith.constant 0 : i32
    %c0_i32_1 = arith.constant 0 : i32
    return %c0_i32, %c0_i32_0 : i32, i32
  }
  func.func @transform_3(%arg0: i32) -> (i32, i32) {
    %c0_i32 = arith.constant 0 : i32
    %c0_i32_0 = arith.constant 0 : i32
    return %arg0, %c0_i32 : i32, i32
  }
  func.func @transform_4(%arg0: i32) -> (i32, i32) {
    %c0_i32 = arith.constant 0 : i32
    %c0_i32_0 = arith.constant 0 : i32
    return %arg0, %c0_i32 : i32, i32
  }
}

</mosaic_0001>

<sc_bundles>
// kernel: kernel.5.cloned.1.call-start
scs
__scs_entry_jumppad:
0x0: {  	(pc) =	sbr.rel $0x88, $3  }
0x1: {  	(tag) =	ssettag $0x0;
	lr =	simm.s32 $0x1  }
0x2: {  	[smem:$0x3F9B] =	sst lr;
	_ =	strace $0xD0000000  }
0x3: {  	_ = 	snop  }
0x4: {  	_ = 	snop  }
0x5: {  	_ = 	snop  }
0x6: {  	_ = 	snop  }
0x7: {  	_ = 	snop  }
__scs_overlays_trampoline_lowered:
0x8: {  	[smem:$0x3FAA] =	sst s0  }
0x9: {  	[smem:$0x3FAB] =	sst s1  }
0xa: {  	[smem:$0x3FAC] =	sst s2  }
0xb: {  	[smem:$0x3FAD] =	sst s3  }
0xc: {  	[smem:$0x3FAE] =	sst s4  }
0xd: {  	[smem:$0x3FAF] =	sst s5  }
0xe: {  	[smem:$0x3FB0] =	sst s6  }
0xf: {  	[smem:$0x3FB1] =	sst s7  }
0x10: {  	[smem:$0x3FB2] =	sst s8  }
0x11: {  	[smem:$0x3FB3] =	sst s9;
	s0 =	simm.s32 @!p0 $0x0  }
0x12: {  	s1 =	sld [smem:$0x3F99];
	s0 =	simm.s32 @p0 $0x1  }
0x13: {  	[smem:$0x3FB4] =	sst s0;
	s0 =	simm.s32 @!p1 $0x0  }
0x14: {  	s2 =	sld [smem:$0x3F98];
	s0 =	simm.s32 @p1 $0x1  }
0x15: {  	[smem:$0x3FB5] =	sst s0;
	s0 =	simm.s32 @!p2 $0x0  }
0x16: {  	s3 =	sld [smem:$0x3FDB];
	s0 =	simm.s32 @p2 $0x1  }
0x17: {  	s4 =	simm.s32 $0x1BF5;
	[smem:$0x3FB7] =	sst s0  }
0x18: {  	s0 =	sld [smem:$0x3F9A];
	_ =	swait.ge [sflag:s4], $0x0  }
0x19: {  	s7 =	sld [smem:$0x3F9B]  }
0x1a: {  	s8 =	sadd.s32 $0xFFFFE003, lr  }
0x1b: {  	s9 =	sadd.s32 $0xFFFFFEF7, lr;
	s5 =	simm.s32 $0xFFFFFFFF;
	p2 =	slt.u32 s8, $0xFFFFF086  }
0x1c: {  	p1 =	slt.u32 s9, $0xF7A;
	s5 =	simm.s32 @!p2 $0x0  }
0x1d: {  	s5 =	simm.s32 @p1 $0x1;
	p0 =	seq.s32 s7, s2  }
0x1e: {  	s7 =	smul.u32 @!p0 $0xF7A, s2;
	p2 =	seq.s32 @!p0 s5, $0x0  }
0x1f: {  	s9 =	smul.u32 $0xF7A, s1;
	s8 =	simm.s32 @!p0 $0x1BF5;
	p2 =	por !p2, p0  }
0x20: {  	[sflag:s8] =	ssyncset.s32 @!p0 $0xFFFFF086;
	s6 =	sadd.s32 @!p0 s3, s7;
	s7 =	simm.s32 @!p0 $0x108  }
0x21: {  	s3 =	sadd.s32 s3, s9;
	s6 =	sadd.s32 @!p0 $0x88, s6;
	s7 =	simm.s32 @p2 $0x1082  }
0x22: {  	[simem:s7], [sflag:s8] =	dma.local @!p0 [hbm:s6], $0xF7A  }
0x23: {  	s9 =	sor.u32 $0xD0000000, s2;
	s6 =	simm.s32 $0x108;
	_ =	swait.ge @!p0 [sflag:s8], $0x0  }
0x24: {  	s3 =	sadd.s32 $0x88, s3;
	s6 =	simm.s32 @!p1 $0x1082;
	[sflag:s4] =	ssyncset.s32 $0xFFFFF086  }
0x25: {  	[simem:s6], [sflag:s4] =	dma.local [hbm:s3], $0xF7A  }
0x26: {  	[smem:$0x3F9B] =	sst s1;
	(tag) =	ssettag s2;
	_ =	strace s9  }
0x27: {  	s1 =	sld [smem:$0x3FAB]  }
0x28: {  	s2 =	sld [smem:$0x3FAC]  }
0x29: {  	s4 =	sld [smem:$0x3FAE]  }
0x2a: {  	p0 =	seq.s32 s5, $0x0;
	s5 =	sld [smem:$0x3FAF]  }
0x2b: {  	s6 =	sld [smem:$0x3FB0]  }
0x2c: {  	s7 =	sld [smem:$0x3FB1]  }
0x2d: {  	s3 =	simm.s32 $0x108;
	s8 =	sld [smem:$0x3FB2]  }
0x2e: {  	s3 =	simm.s32 @!p0 $0x1082;
	s9 =	sld [smem:$0x3FB3]  }
0x2f: {  	lr =	sadd.s32 s0, s3;
	s0 =	sld [smem:$0x3FAA]  }
0x30: {  	s3 =	sld [smem:$0x3FAD]  }
0x31: {  	[smem:$0x3FB6] =	sst s10  }
0x32: {  	s10 =	sld [smem:$0x3FB4];
	_ =	sdelay $0x3  }
0x33: {  	p0 =	seq.s32 s10, $0x1;
	s10 =	sld [smem:$0x3FB6];
	_ =	sdelay $0x3  }
0x34: {  	[smem:$0x3FB6] =	sst s10  }
0x35: {  	s10 =	sld [smem:$0x3FB5];
	_ =	sdelay $0x3  }
0x36: {  	p1 =	seq.s32 s10, $0x1;
	s10 =	sld [smem:$0x3FB6];
	_ =	sdelay $0x3  }
0x37: {  	[smem:$0x3FB6] =	sst s10  }
0x38: {  	s10 =	sld [smem:$0x3FB7]  }
0x39: {  	_ = 	snop;
	(pc) =	sbr.ind lr, $3  }
0x3a: {  	_ = 	snop  }
0x3b: {  	_ = 	snop  }
0x3c: {  	p2 =	seq.s32 s10, $0x1;
	s10 =	sld [smem:$0x3FB6]  }
0x3d: {  	_ =	shalt  }
0x3e: {  	_ =	shalt  }
0x3f: {  	_ =	shalt  }
0x40: {  	_ =	shalt  }
0x41: {  	_ =	shalt  }
0x42: {  	_ =	shalt  }
0x43: {  	_ =	shalt  }
0x44: {  	_ =	shalt  }
0x45: {  	_ =	shalt  }
0x46: {  	_ =	shalt  }
0x47: {  	_ =	shalt  }
0x48: {  	_ =	shalt  }
0x49: {  	_ =	shalt  }
0x4a: {  	_ =	shalt  }
0x4b: {  	_ =	shalt  }
0x4c: {  	_ =	shalt  }
0x4d: {  	_ =	shalt  }
0x4e: {  	_ =	shalt  }
0x4f: {  	_ =	shalt  }
0x50: {  	_ =	shalt  }
0x51: {  	_ =	shalt  }
0x52: {  	_ =	shalt  }
0x53: {  	_ =	shalt  }
0x54: {  	_ =	shalt  }
0x55: {  	_ =	shalt  }
0x56: {  	_ =	shalt  }
0x57: {  	_ =	shalt  }
0x58: {  	_ =	shalt  }
0x59: {  	_ =	shalt  }
0x5a: {  	_ =	shalt  }
0x5b: {  	_ =	shalt  }
0x5c: {  	_ =	shalt  }
0x5d: {  	_ =	shalt  }
0x5e: {  	_ =	shalt  }
0x5f: {  	_ =	shalt  }
0x60: {  	_ =	shalt  }
0x61: {  	_ =	shalt  }
0x62: {  	_ =	shalt  }
0x63: {  	_ =	shalt  }
0x64: {  	_ =	shalt  }
0x65: {  	_ =	shalt  }
0x66: {  	_ =	shalt  }
0x67: {  	_ =	shalt  }
0x68: {  	_ =	shalt  }
0x69: {  	_ =	shalt  }
0x6a: {  	_ =	shalt  }
0x6b: {  	_ =	shalt  }
0x6c: {  	_ =	shalt  }
0x6d: {  	_ =	shalt  }
0x6e: {  	_ =	shalt  }
0x6f: {  	_ =	shalt  }
0x70: {  	_ =	shalt  }
0x71: {  	_ =	shalt  }
0x72: {  	_ =	shalt  }
0x73: {  	_ =	shalt  }
0x74: {  	_ =	shalt  }
0x75: {  	_ =	shalt  }
0x76: {  	_ =	shalt  }
0x77: {  	_ =	shalt  }
0x78: {  	_ =	shalt  }
0x79: {  	_ =	shalt  }
0x7a: {  	_ =	shalt  }
0x7b: {  	_ =	shalt  }
0x7c: {  	_ =	shalt  }
0x7d: {  	_ =	shalt  }
0x7e: {  	_ =	shalt  }
0x7f: {  	_ =	shalt  }
0x80: {  	_ =	shalt  }
0x81: {  	_ =	shalt  }
0x82: {  	_ =	shalt  }
0x83: {  	_ =	shalt  }
0x84: {  	_ =	shalt  }
0x85: {  	_ =	shalt  }
0x86: {  	_ =	shalt  }
0x87: {  	_ =	shalt  }
.Lfunc_end0:
.L_simem_size_0:
called_computation_lowered:
.L_overlay_start_0:
0x88: {  	s2 =	sld [smem:$0x3FD9]  }
0x89: {  	s3 =	sld [smem:$0x3FFE];
	_ =	sdelay $0x1  }
0x8a: {  	s1 =	srdreg.scid  }
0x8b: {  	s0 =	sand.u32 $0x1, s1  }
0x8c: {  	s16 =	sshll.u32 s0, $0xA;
	s2 =	sadd.s32 s3, s2  }
0x8d: {  	s2 =	sadd.s32 s2, s16  }
0x8e: {  	[smem:$0x3FC2] =	sst s2  }
0x8f: {  	_ = 	snop  }
0x90: {  	(tm) =	ssettm $0x1  }
0x91: {  	s17 =	sld [smem:$0x3FFB];
	_ =	sdelay $0x3  }
0x92: {  	_ =	strace s17  }
0x93: {  	s2 =	sld [smem:$0x3FFC];
	_ =	sdelay $0x3  }
0x94: {  	_ =	strace s2  }
0x95: {  	s2 =	sld [smem:$0x3FFD];
	_ =	sdelay $0x3  }
0x96: {  	_ =	strace s2  }
0x97: {  	_ =	strace $0x8FFFFFFF  }
0x98: {  	s18 =	sld [smem:$0x3FDB];
	_ =	sdelay $0x1  }
0x99: {  	s19 =	simm.s32 $_scs_section_size  }
0x9a: {  	s4 =	simm.s32 $_size__tile_overlayer_lowered;
	s5 =	simm.s32 $_tile_overlayer_lowered  }
0x9b: {  	s22 =	simm.s32 $0x1BFF;
	s21 =	sshll.u32 s5, $0x1;
	s2 =	sadd.s32 s19, s18  }
0x9c: {  	s6 =	simm.s32 $0x0;
	s20 =	sshll.u32 s4, $0x1;
	s4 =	sadd.s32 s21, s2  }
0x9d: {  	[timem:s6], [sflag:s22] =	dma.local [hbm:s4], s20  }
0x9e: {  	_ =	swait.ge [sflag:s22], s20  }
0x9f: {  	s3 =	ssub.s32 $0x0, s20;
	[sflag:s22] =	ssyncset.done $0x0  }
0xa0: {  	[sflag:s22] =	ssyncadd.s32 s3;
	_ =	sdelay $0x1  }
0xa1: {  	s23 =	simm.s32 $0x1B8B  }
0xa2: {  	_ =	swait.ge [sflag:s23], $0x1  }
0xa3: {  	[sflag:s23] =	ssyncset.done $0x0  }
0xa4: {  	s25 =	simm.s32 $0x1B8E;
	s24 =	sld [smem:$0x3FFE];
	[sflag:s23] =	ssyncadd.s32 $0xFFFFFFFF  }
0xa5: {  	s26 =	simm.s32 $execute0_lowered;
	[smem:$0x3FD2] =	sst s25  }
0xa6: {  	s4 =	sshll.u32 s26, $0x1;
	_ =	strace $0x80000046;
	[dreg:$0x1] =	wrdreg $0xFFFFFFFF  }
0xa7: {  	s28 =	simm.s32 $_size_execute0_lowered;
	s2 =	sadd.s32 s2, s4;
	[dreg:$0x0] =	wrdreg $0x0  }
0xa8: {  	s4 =	sshll.u32 s28, $0x1;
	[dreg:$0x2] =	wrdreg s2  }
0xa9: {  	[dreg:$0x3] =	wrdreg s4  }
0xaa: {  	[dreg:$0x4] =	wrdreg $0xC0  }
0xab: {  	_ =	task [dreg:s6], $0x5FFFF  }
0xac: {  	[dreg:$0x1] =	wrdreg $0xFFFFFFFF  }
0xad: {  	[dreg:$0x0] =	wrdreg $0x60  }
0xae: {  	[dreg:$0x2] =	wrdreg s24  }
0xaf: {  	[dreg:$0x3] =	wrdreg $0x118000  }
0xb0: {  	[dreg:$0x4] =	wrdreg $0x9  }
0xb1: {  	_ =	task.clear_ibuf [dreg:s6], $0x5FFFF;
	_ =	strace $0x90000046  }
0xb2: {  	s29 =	simm.s32 $0x9;
	_ =	strace $0x80000048  }
0xb3: {  	_ =	swait.ge [sflag:s29], $0x1  }
0xb4: {  	[sflag:s29] =	ssyncadd.s32 $0xFFFFFFFF  }
0xb5: {  	_ =	strace $0x90000048  }
0xb6: {  	_ =	sfence  }
0xb7: {  	s30 =	sld [smem:$0x0];
	_ =	sdelay $0x2  }
0xb8: {  	s31 =	sshll.u32 s1, $0xD;
	s1 =	sshrl.u32 s1, $0x2  }
0xb9: {  	s3 =	sand.u32 $0x4000, s31;
	s1 =	sadd.s32 s1, s30  }
0xba: {  	s0 =	sor.u32 s3, s0;
	s1 =	sshll.u32 s1, $0x11  }
0xbb: {  	s0 =	sor.u32 s1, s0  }
0xbc: {  	s0 =	sadd.s32 $0x8F2B, s0  }
0xbd: {  	[sflag:s0] =	ssyncadd.remote.s32 $0x1  }
0xbe: {  	_ =	sfence.sel $0xFFFF  }
0xbf: {  	[dreg:$0x0] =	wrdreg $0xFFFFFFFF;
	(pc) =	sbr.abs _section_cstart, $3  }
0xc0: {  	[dreg:$0x1] =	wrdreg $0xFFFFFFFF  }
0xc1: {  	_ =	task.clear_ibuf [dreg:s6], $0x2FFFF;
	_ =	strace $0x9FFFFFFF  }
0xc2: {  	(tm) =	ssettm $0x7FFFFFFF  }
0xc3: {  	_ =	shalt  }
tec
execute0_lowered:
.L_overlay_start_1:
0x0: {  	(tag) =	ssettag $0x1  }
0x1: {  	s2 =	rddreg [dreg:$0x0]  }
0x2: {  	s10 =	rddreg [dreg:$0x1]  }
0x3: {  	s0 =	rddreg [dreg:$0x2];
	s3 =	simm.s32 $0x0  }
0x4: {  	s1 =	stileid.u32;
	s6 =	srdreg.scid;
	s15 =	simm.s32 $0x4F00  }
0x5: {  	s16 =	simm.s32 $0x7680;
	s17 =	simm.s32 $0xC580;
	s19 =	simm.s32 $0x400  }
0x6: {  	s20 =	simm.s32 $0x1400;
	s21 =	simm.s32 $0x14000;
	s22 =	simm.s32 $0xED80  }
0x7: {  	s23 =	simm.s32 $0x0;
	[smem:$0x7FF] =	sst s3;
	s5 =	smul.u32 $0x2710, s1  }
0x8: {  	s4 =	sadd.s32 $0x600, s2;
	s7 =	smul.u32 $0x50, s1;
	s18 =	sand.u32 $0x1, s6  }
0x9: {  	s29 =	sshrl.u32 s1, $0x3;
	s13 =	sshll.u32 s1, $0x7;
	s14 =	smul.u32 $0x5000, s1  }
0xa: {  	_ =	strace $0x80000047;
	s28 =	ssub.s32 $0x2, s18;
	s9 =	smul.u32 $0x50000, s29  }
0xb: {  	s13 =	sand.u32 $0x380, s13;
	p0 =	sne.s32 s18, $0x0;
	s18 =	simm.s32 $0x80  }
0xc: {  	s5 =	sshrl.u32 s5, $0x3;
	s11 =	sadd.s32 s7, s2;
	s30 =	sshrl.u32 s28, $0x1  }
0xd: {  	s31 =	sshrl.u32 s14, $0x2;
	s14 =	simm.s32 $0x2780;
	s8 =	sadd.s32 s5, s2  }
0xe: {  	s12 =	ssub.s32 s28, s30;
	s9 =	sshrl.u32 s9, $0x2;
	s11 =	sadd.s32 $0xFC00, s11  }
0xf: {  	s5 =	sadd.s32 $0x5C00, s8;
	s6 =	sadd.s32 $0xC00, s8;
	s7 =	sadd.s32 $0xAE80, s8  }
0x10: {  	s9 =	sadd.s32 s9, s10;
	s8 =	sadd.s32 $0xAC00, s8;
	s10 =	sadd.s32 s31, s10  }
0x11: {  	v0 =	vimm.f32 $0.0e+00;
	s12 =	smax.u32 s12, $0x1;
	s9 =	sadd.s32 s13, s9;
	s13 =	simm.s32 $0x1  }
.LBB2_1:
0x12: {  	[tilespmem:s3], [sflag:$0x1] =	stream.linear.gather [hbm4b:s4+s3], $0x2780, $0x38;
	[tilespmem:$0x14000] =	vst v63  }
0x13: {  	_ =	swait.ge [sflag:s13], $0x2780  }
0x14: {  	[sflag:s13] =	ssyncset.done $0x0  }
0x15: {  	[sflag:s13] =	ssyncadd.s32 $0xFFFFD880  }
0x16: {  	[tilespmem:s14], [sflag:$0x1] =	stream.linear.gather [hbm4b:s2+s3], $0x2780, $0x38;
	[tilespmem:$0x14000] =	vst v63  }
0x17: {  	_ =	swait.ge [sflag:s13], $0x2780  }
0x18: {  	[sflag:s13] =	ssyncset.done $0x0  }
0x19: {  	s24 =	simm.s32 $0x40;
	s25 =	simm.s32 $0x0;
	[sflag:s13] =	ssyncadd.s32 $0xFFFFD880  }
.LBB2_2:
0x1a: {  	p1 =	sne.s32 s24, $0x9FC0;
	[tilespmem:s25+$0xC580] =	vst v0;
	s25 =	smov.u32 s24;
	s24 =	sadd.s32 $0x40, s24  }
.Ltmp0:
0x1b: {  	(pc) =	sbr.rel @p1 .LBB2_2-.Ltmp0, $2  }
0x1c: {  	_ =	sdelay $0x2  }
0x1d: {  	s25 =	sshra.s32 s25, $0x2  }
0x1e: {  	[tilespmem:s25+$0xC580] =	vst v0;
	s24 =	simm.s32 $0x0  }
0x1f: {  	[tilespmem:s15], [sflag:$0x1] =	stream.linear.gather [hbm4b:s5+s24], $0x2710, $0x38;
	[tilespmem:$0x14000] =	vst v63  }
0x20: {  	_ =	swait.ge [sflag:s13], $0x2710  }
0x21: {  	[sflag:s13] =	ssyncset.done $0x0  }
0x22: {  	[sflag:s13] =	ssyncadd.s32 $0xFFFFD8F0  }
0x23: {  	[tilespmem:s16], [sflag:$0x1] =	stream.linear.gather [hbm4b:s6+s24], $0x2710, $0x38;
	[tilespmem:$0x14000] =	vst v63  }
0x24: {  	_ =	swait.ge [sflag:s13], $0x2710  }
0x25: {  	[sflag:s13] =	ssyncset.done $0x0  }
0x26: {  	[sflag:s13] =	ssyncadd.s32 $0xFFFFD8F0  }
.LBB2_4:
0x27: {  	s25 =	sshra.s32 s24, $0x2  }
0x28: {  	v1 =	vld [tilespmem:s25+$0x4F00]  }
0x29: {  	v2 =	vld [tilespmem:s25+$0x7680];
	_ =	sdelay $0x6  }
0x2a: {  	v1 =	vld.idx.msk [tilespmem:v1+s3+$0x0], $0xffff  }
0x2b: {  	v3 =	vld.idx.msk [tilespmem:v2+s14+$0x0], $0xffff;
	_ =	sdelay $0x4  }
0x2c: {  	v1 =	vadd.f32 v3, v1;
	_ =	sdelay $0x1  }
0x2d: {  	v3 =	vmul.f32 $2.000000030e-01, v1  }
0x2e: {  	vm0 =	vgt.f32 v1, $0.0e+00  }
0x2f: {  	v1 =	vsel vm0, v1, v3  }
0x30: {  	v1 =	vmul.f32 $1.442695020e+00, v1;
	_ =	sdelay $0x1  }
0x31: {  	(erf) = vpow2.f32 v1;
	_ =	sdelay $0x8  }
0x32: {  	v1 =	vpop (erf)  }
0x33: {  	[tilespmem:s25+$0x9E00] =	vst v1  }
0x34: {  	[tilespmem:v2+s17+$0x0] =	vst.idx.add.f32.msk $0xffff, v1  }
0x35: {  	v1 =	vld [tilespmem:s25+$0x4F10]  }
0x36: {  	v2 =	vld [tilespmem:s25+$0x7690];
	_ =	sdelay $0x6  }
0x37: {  	v1 =	vld.idx.msk [tilespmem:v1+s3+$0x0], $0xffff  }
0x38: {  	v3 =	vld.idx.msk [tilespmem:v2+s14+$0x0], $0xffff;
	_ =	sdelay $0x4  }
0x39: {  	v1 =	vadd.f32 v3, v1;
	_ =	sdelay $0x1  }
0x3a: {  	v3 =	vmul.f32 $2.000000030e-01, v1  }
0x3b: {  	vm12 =	vgt.f32 v1, $0.0e+00  }
0x3c: {  	v1 =	vsel vm12, v1, v3  }
0x3d: {  	v1 =	vmul.f32 $1.442695020e+00, v1;
	_ =	sdelay $0x1  }
0x3e: {  	(erf) = vpow2.f32 v1;
	_ =	sdelay $0x8  }
0x3f: {  	v1 =	vpop (erf)  }
0x40: {  	[tilespmem:s25+$0x9E10] =	vst v1  }
0x41: {  	[tilespmem:v2+s17+$0x0] =	vst.idx.add.f32.msk $0xffff, v1  }
0x42: {  	v1 =	vld [tilespmem:s25+$0x4F20]  }
0x43: {  	v2 =	vld [tilespmem:s25+$0x76A0];
	_ =	sdelay $0x6  }
0x44: {  	v1 =	vld.idx.msk [tilespmem:v1+s3+$0x0], $0xffff  }
0x45: {  	v3 =	vld.idx.msk [tilespmem:v2+s14+$0x0], $0xffff;
	_ =	sdelay $0x4  }
0x46: {  	v1 =	vadd.f32 v3, v1;
	_ =	sdelay $0x1  }
0x47: {  	v3 =	vmul.f32 $2.000000030e-01, v1  }
0x48: {  	vm13 =	vgt.f32 v1, $0.0e+00  }
0x49: {  	v1 =	vsel vm13, v1, v3  }
0x4a: {  	v1 =	vmul.f32 $1.442695020e+00, v1;
	_ =	sdelay $0x1  }
0x4b: {  	(erf) = vpow2.f32 v1;
	_ =	sdelay $0x8  }
0x4c: {  	v1 =	vpop (erf)  }
0x4d: {  	[tilespmem:s25+$0x9E20] =	vst v1  }
0x4e: {  	[tilespmem:v2+s17+$0x0] =	vst.idx.add.f32.msk $0xffff, v1  }
0x4f: {  	v1 =	vld [tilespmem:s25+$0x4F30]  }
0x50: {  	v2 =	vld [tilespmem:s25+$0x76B0];
	_ =	sdelay $0x6  }
0x51: {  	v1 =	vld.idx.msk [tilespmem:v1+s3+$0x0], $0xffff  }
0x52: {  	v3 =	vld.idx.msk [tilespmem:v2+s14+$0x0], $0xffff;
	_ =	sdelay $0x4  }
0x53: {  	v1 =	vadd.f32 v3, v1;
	_ =	sdelay $0x1  }
0x54: {  	v3 =	vmul.f32 $2.000000030e-01, v1  }
0x55: {  	vm14 =	vgt.f32 v1, $0.0e+00  }
0x56: {  	v1 =	vsel vm14, v1, v3  }
0x57: {  	v1 =	vmul.f32 $1.442695020e+00, v1;
	_ =	sdelay $0x1  }
0x58: {  	(erf) = vpow2.f32 v1;
	_ =	sdelay $0x8  }
0x59: {  	v1 =	vpop (erf)  }
0x5a: {  	[tilespmem:s25+$0x9E30] =	vst v1  }
0x5b: {  	[tilespmem:v2+s17+$0x0] =	vst.idx.add.f32.msk $0xffff, v1  }
0x5c: {  	v1 =	vld [tilespmem:s25+$0x4F40]  }
0x5d: {  	v2 =	vld [tilespmem:s25+$0x76C0];
	_ =	sdelay $0x6  }
0x5e: {  	v1 =	vld.idx.msk [tilespmem:v1+s3+$0x0], $0xffff  }
0x5f: {  	v3 =	vld.idx.msk [tilespmem:v2+s14+$0x0], $0xffff;
	_ =	sdelay $0x4  }
0x60: {  	v1 =	vadd.f32 v3, v1;
	_ =	sdelay $0x1  }
0x61: {  	v3 =	vmul.f32 $2.000000030e-01, v1  }
0x62: {  	vm15 =	vgt.f32 v1, $0.0e+00  }
0x63: {  	v1 =	vsel vm15, v1, v3  }
0x64: {  	v1 =	vmul.f32 $1.442695020e+00, v1;
	_ =	sdelay $0x1  }
0x65: {  	(erf) = vpow2.f32 v1;
	_ =	sdelay $0x5  }
0x66: {  	p1 =	sne.s32 s24, $0x9B00  }
.Ltmp1:
0x67: {  	_ = 	snop;
	(pc) =	sbr.rel @p1 .LBB2_4-.Ltmp1, $4  }
0x68: {  	_ = 	snop  }
0x69: {  	v1 =	vpop (erf)  }
0x6a: {  	[tilespmem:s25+$0x9E40] =	vst v1  }
0x6b: {  	s24 =	sadd.s32 $0x140, s24;
	[tilespmem:v2+s17+$0x0] =	vst.idx.add.f32.msk $0xffff, v1  }
0x6c: {  	s24 =	simm.s32 @p0 $0x0;
	s25 =	simm.s32 @p0 $0xB200  }
0x6d: {  	[hbm4b:s7+s24] =	stream.linear.scatter @p0 [tilespmem:s25], [sflag:$0x1], $0x1310, $0x38;
	[tilespmem:$0x14000] =	vst v63  }
0x6e: {  	s24 =	simm.s32 @p0 $0x1  }
0x6f: {  	_ =	swait.ge @p0 [sflag:s24], $0x1310  }
0x70: {  	[sflag:s24] =	ssyncset.done @p0 $0x0  }
0x71: {  	s25 =	simm.s32 @!p0 $0x9E00;
	[sflag:s24] =	ssyncadd.s32 @p0 $0xFFFFECF0;
	s24 =	simm.s32 @!p0 $0x0  }
0x72: {  	[hbm4b:s8+s24] =	stream.linear.scatter @!p0 [tilespmem:s25], [sflag:$0x1], $0x1400, $0x38;
	[tilespmem:$0x14000] =	vst v63  }
0x73: {  	s24 =	simm.s32 @!p0 $0x1  }
0x74: {  	_ =	swait.ge @!p0 [sflag:s24], $0x1400  }
0x75: {  	[sflag:s24] =	ssyncset.done @!p0 $0x0  }
0x76: {  	[sflag:s24] =	ssyncadd.s32 @!p0 $0xFFFFEC00  }
0x77: {  	[spmem:s9] =	stream.strided.scatter [tilespmem:s17], [sflag:$0x1], $0x2800, s19, s18, $0x38;
	[tilespmem:$0x14000] =	vst v63  }
0x78: {  	_ =	swait.ge [sflag:s13], $0x2800  }
0x79: {  	[sflag:s13] =	ssyncset.done $0x0  }
0x7a: {  	[sflag:s13] =	ssyncadd.s32 $0xFFFFD800  }
0x7b: {  	[bflag:$0x0] =	sbarrier.arrive $0xFFFF  }
0x7c: {  	[tilespmem:s22], [sflag:$0x1] =	stream.strided.gather [spmem:s10], $0x2800, s21, s20, $0x38;
	[tilespmem:$0x14000] =	vst v63  }
0x7d: {  	s29 =	simm.s32 $0x0;
	_ =	swait.ge [sflag:s13], $0x2800  }
0x7e: {  	s30 =	sand.u32 $0x70, s29;
	s24 =	sand.u32 $0x1C00, s29;
	[sflag:s13] =	ssyncset.done $0x0  }
0x7f: {  	s24 =	sor.u32 s30, s24;
	[sflag:s13] =	ssyncadd.s32 $0xFFFFD800  }
0x80: {  	v1 =	vld [tilespmem:s24+$0xEE00]  }
0x81: {  	v2 =	vld [tilespmem:s24+$0xED80];
	_ =	sdelay $0x1  }
0x82: {  	v3 =	vld [tilespmem:s24+$0xEE80];
	_ =	sdelay $0x1  }
0x83: {  	v4 =	vld [tilespmem:s24+$0xEF00]  }
0x84: {  	v1 =	vadd.f32 v1, v2  }
0x85: {  	v2 =	vld [tilespmem:s24+$0xEF80]  }
0x86: {  	v1 =	vadd.f32 v3, v1  }
0x87: {  	v3 =	vld [tilespmem:s24+$0xF000]  }
0x88: {  	v1 =	vadd.f32 v4, v1  }
0x89: {  	v60 =	vld [tilespmem:s24+$0xF080]  }
0x8a: {  	v1 =	vadd.f32 v2, v1  }
0x8b: {  	v2 =	vld [tilespmem:s24+$0xF100]  }
0x8c: {  	v1 =	vadd.f32 v3, v1  }
0x8d: {  	v3 =	vld [tilespmem:s24+$0x10180]  }
0x8e: {  	v1 =	vadd.f32 v60, v1  }
0x8f: {  	v61 =	vld [tilespmem:s24+$0x10200]  }
0x90: {  	v1 =	vadd.f32 v2, v1  }
0x91: {  	v2 =	vld [tilespmem:s24+$0x10280]  }
0x92: {  	v1 =	vadd.f32 v3, v1  }
0x93: {  	v3 =	vld [tilespmem:s24+$0x10300]  }
0x94: {  	v1 =	vadd.f32 v61, v1  }
0x95: {  	v62 =	vld [tilespmem:s24+$0x10380]  }
0x96: {  	v1 =	vadd.f32 v2, v1  }
0x97: {  	v2 =	vld [tilespmem:s24+$0x10400]  }
0x98: {  	v1 =	vadd.f32 v3, v1  }
0x99: {  	v3 =	vld [tilespmem:s24+$0x10480]  }
0x9a: {  	v1 =	vadd.f32 v62, v1  }
0x9b: {  	v63 =	vld [tilespmem:s24+$0x10500]  }
0x9c: {  	v1 =	vadd.f32 v2, v1;
	_ =	sdelay $0x1  }
0x9d: {  	v1 =	vadd.f32 v3, v1;
	_ =	sdelay $0x1  }
0x9e: {  	s31 =	simm.s32 $0x10;
	s26 =	simm.s32 $0x80;
	v1 =	vadd.f32 v63, v1  }
0x9f: {  	s28 =	sand.u32 $0x1C00, s26;
	s25 =	sand.u32 $0x70, s31;
	s24 =	simm.s32 $0x11580  }
0xa0: {  	s25 =	sor.u32 s25, s28;
	s28 =	simm.s32 $0x20;
	[tilespmem:s24+$0x0] =	vst v1  }
.LBB2_6:
0xa1: {  	p1 =	sne.s32 s28, $0x270;
	v1 =	vld [tilespmem:s25+$0xEE00]  }
0xa2: {  	v2 =	vld [tilespmem:s25+$0xED80];
	_ =	sdelay $0x1  }
0xa3: {  	v3 =	vld [tilespmem:s25+$0xEE80];
	_ =	sdelay $0x1  }
0xa4: {  	v4 =	vld [tilespmem:s25+$0xEF00]  }
0xa5: {  	v1 =	vadd.f32 v1, v2  }
0xa6: {  	v2 =	vld [tilespmem:s25+$0xEF80]  }
0xa7: {  	v1 =	vadd.f32 v3, v1  }
0xa8: {  	v3 =	vld [tilespmem:s25+$0xF000]  }
0xa9: {  	v1 =	vadd.f32 v4, v1  }
0xaa: {  	v4 =	vld [tilespmem:s25+$0xF080]  }
0xab: {  	v1 =	vadd.f32 v2, v1  }
0xac: {  	v2 =	vld [tilespmem:s25+$0xF100]  }
0xad: {  	v1 =	vadd.f32 v3, v1  }
0xae: {  	v3 =	vld [tilespmem:s25+$0x10180]  }
0xaf: {  	v1 =	vadd.f32 v4, v1  }
0xb0: {  	v4 =	vld [tilespmem:s25+$0x10200]  }
0xb1: {  	v1 =	vadd.f32 v2, v1  }
0xb2: {  	v2 =	vld [tilespmem:s25+$0x10280]  }
0xb3: {  	v1 =	vadd.f32 v3, v1  }
0xb4: {  	v3 =	vld [tilespmem:s25+$0x10300]  }
0xb5: {  	v1 =	vadd.f32 v4, v1  }
0xb6: {  	v4 =	vld [tilespmem:s25+$0x10380]  }
0xb7: {  	v1 =	vadd.f32 v2, v1  }
0xb8: {  	v2 =	vld [tilespmem:s25+$0x10400]  }
0xb9: {  	v1 =	vadd.f32 v3, v1  }
0xba: {  	v3 =	vld [tilespmem:s25+$0x10480]  }
0xbb: {  	v1 =	vadd.f32 v4, v1  }
0xbc: {  	v4 =	vld [tilespmem:s25+$0x10500]  }
0xbd: {  	v1 =	vadd.f32 v2, v1;
	_ =	sdelay $0x1  }
.Ltmp2:
0xbe: {  	v1 =	vadd.f32 v3, v1;
	(pc) =	sbr.rel @p1 .LBB2_6-.Ltmp2, $4  }
0xbf: {  	_ = 	snop  }
0xc0: {  	s26 =	sadd.s32 $0x80, s26;
	v1 =	vadd.f32 v4, v1  }
0xc1: {  	s24 =	sadd.s32 $0x10, s24;
	s29 =	sand.u32 $0x1C00, s26;
	s25 =	sand.u32 $0x70, s28  }
0xc2: {  	s28 =	sadd.s32 $0x10, s28;
	s25 =	sor.u32 s25, s29;
	[tilespmem:s24+$0x0] =	vst v1  }
0xc3: {  	v1 =	vld [tilespmem:s25+$0xEE00]  }
0xc4: {  	v2 =	vld [tilespmem:s25+$0xED80];
	_ =	sdelay $0x1  }
0xc5: {  	v3 =	vld [tilespmem:s25+$0xEE80];
	_ =	sdelay $0x1  }
0xc6: {  	v4 =	vld [tilespmem:s25+$0xEF00]  }
0xc7: {  	v1 =	vadd.f32 v1, v2  }
0xc8: {  	v2 =	vld [tilespmem:s25+$0xEF80]  }
0xc9: {  	v1 =	vadd.f32 v3, v1  }
0xca: {  	v3 =	vld [tilespmem:s25+$0xF000]  }
0xcb: {  	v1 =	vadd.f32 v4, v1  }
0xcc: {  	v60 =	vld [tilespmem:s25+$0xF080]  }
0xcd: {  	v1 =	vadd.f32 v2, v1  }
0xce: {  	v2 =	vld [tilespmem:s25+$0xF100]  }
0xcf: {  	v1 =	vadd.f32 v3, v1  }
0xd0: {  	v3 =	vld [tilespmem:s25+$0x10180]  }
0xd1: {  	v1 =	vadd.f32 v60, v1  }
0xd2: {  	v61 =	vld [tilespmem:s25+$0x10200]  }
0xd3: {  	v1 =	vadd.f32 v2, v1  }
0xd4: {  	v2 =	vld [tilespmem:s25+$0x10280]  }
0xd5: {  	v1 =	vadd.f32 v3, v1  }
0xd6: {  	v3 =	vld [tilespmem:s25+$0x10300]  }
0xd7: {  	v1 =	vadd.f32 v61, v1  }
0xd8: {  	v62 =	vld [tilespmem:s25+$0x10380]  }
0xd9: {  	v1 =	vadd.f32 v2, v1  }
0xda: {  	v2 =	vld [tilespmem:s25+$0x10400]  }
0xdb: {  	v1 =	vadd.f32 v3, v1  }
0xdc: {  	v3 =	vld [tilespmem:s25+$0x10480]  }
0xdd: {  	v1 =	vadd.f32 v62, v1  }
0xde: {  	v63 =	vld [tilespmem:s25+$0x10500]  }
0xdf: {  	v1 =	vadd.f32 v2, v1;
	_ =	sdelay $0x1  }
0xe0: {  	v1 =	vadd.f32 v3, v1;
	_ =	sdelay $0x1  }
0xe1: {  	v1 =	vadd.f32 v63, v1  }
0xe2: {  	s24 =	sadd.s32 $0x10, s24;
	s23 =	sadd.s32 $0x1, s23  }
0xe3: {  	p1 =	sne.s32 s23, s12;
	s25 =	simm.s32 @!p0 $0x11580;
	[tilespmem:s24+$0x0] =	vst v1;
	s24 =	simm.s32 @!p0 $0x0  }
0xe4: {  	[hbm4b:s11+s24] =	stream.linear.scatter @!p0 [tilespmem:s25], [sflag:$0x1], $0x280, $0x38;
	[tilespmem:$0x14000] =	vst v63  }
.Ltmp3:
0xe5: {  	_ = 	snop;
	(pc) =	sbr.rel @p1 .LBB2_1-.Ltmp3, $4  }
0xe6: {  	s24 =	simm.s32 @!p0 $0x1  }
0xe7: {  	_ =	swait.ge @!p0 [sflag:s24], $0x280  }
0xe8: {  	[sflag:s24] =	ssyncset.done @!p0 $0x0  }
0xe9: {  	[sflag:s24] =	ssyncadd.s32 @!p0 $0xFFFFFD80  }
0xea: {  	_ =	sfence.sel $0x180000  }
0xeb: {  	[bflag:$0x0] =	sbarrier.arrive $0xFFFF  }
0xec: {  	p0 =	sne.s32 s1, $0x0;
	_ =	strace $0x90000047  }
0xed: {  	s0 =	sadd.s32 @!p0 $0x100000, s0;
	[bflag:$0x2] =	sbarrier.arrive $0xFFFF  }
0xee: {  	[sflag:s0] =	ssyncadd.tile.s32 @!p0 $0x1;
	_ =	shalt  }
.Lfunc_end2:
_tile_overlayer_lowered:
.L_overlay_start_2:
0xef: {  	(tag) =	ssettag $0x2  }
0xf0: {  	s0 =	rddreg [dreg:$0x0];
	s2 =	stileid.u32  }
0xf1: {  	s1 =	rddreg [dreg:$0x1];
	p0 =	sne.s32 s2, $0x0  }
0xf2: {  	s3 =	rddreg [dreg:$0x2];
	[bflag:$0x3] =	sbarrier.arrive $0xFFFF;
	s2 =	simm.s32 @!p0 $0x1C01  }
0xf3: {  	[timem:s3], [sflag:s2] =	dma.local @!p0 [hbm:s0], s1  }
0xf4: {  	s0 =	simm.s32 @!p0 $0x1  }
0xf5: {  	_ =	swait.ge @!p0 [sflag:s0], s1  }
0xf6: {  	s1 =	ssub.s32 @!p0 $0x0, s1;
	[sflag:s0] =	ssyncset.done @!p0 $0x0  }
0xf7: {  	[sflag:s0] =	ssyncadd.s32 @!p0 s1  }
0xf8: {  	[bflag:$0x3] =	sbarrier.arrive $0xFFFF  }
0xf9: {  	_ =	shalt  }

// kernel: kernel.8.cloned.1.call-start
scs
__scs_entry_jumppad:
0x0: {  	(pc) =	sbr.rel $0x88, $3  }
0x1: {  	(tag) =	ssettag $0x0;
	lr =	simm.s32 $0x1  }
0x2: {  	[smem:$0x3F9B] =	sst lr;
	_ =	strace $0xD0000000  }
0x3: {  	_ = 	snop  }
0x4: {  	_ = 	snop  }
0x5: {  	_ = 	snop  }
0x6: {  	_ = 	snop  }
0x7: {  	_ = 	snop  }
__scs_overlays_trampoline_lowered:
0x8: {  	[smem:$0x3FAA] =	sst s0  }
0x9: {  	[smem:$0x3FAB] =	sst s1  }
0xa: {  	[smem:$0x3FAC] =	sst s2  }
0xb: {  	[smem:$0x3FAD] =	sst s3  }
0xc: {  	[smem:$0x3FAE] =	sst s4  }
0xd: {  	[smem:$0x3FAF] =	sst s5  }
0xe: {  	[smem:$0x3FB0] =	sst s6  }
0xf: {  	[smem:$0x3FB1] =	sst s7  }
0x10: {  	[smem:$0x3FB2] =	sst s8  }
0x11: {  	[smem:$0x3FB3] =	sst s9;
	s0 =	simm.s32 @!p0 $0x0  }
0x12: {  	s1 =	sld [smem:$0x3F99];
	s0 =	simm.s32 @p0 $0x1  }
0x13: {  	[smem:$0x3FB4] =	sst s0;
	s0 =	simm.s32 @!p1 $0x0  }
0x14: {  	s2 =	sld [smem:$0x3F98];
	s0 =	simm.s32 @p1 $0x1  }
0x15: {  	[smem:$0x3FB5] =	sst s0;
	s0 =	simm.s32 @!p2 $0x0  }
0x16: {  	s3 =	sld [smem:$0x3FDB];
	s0 =	simm.s32 @p2 $0x1  }
0x17: {  	s4 =	simm.s32 $0x1BF5;
	[smem:$0x3FB7] =	sst s0  }
0x18: {  	s0 =	sld [smem:$0x3F9A];
	_ =	swait.ge [sflag:s4], $0x0  }
0x19: {  	s7 =	sld [smem:$0x3F9B]  }
0x1a: {  	s8 =	sadd.s32 $0xFFFFE003, lr  }
0x1b: {  	s9 =	sadd.s32 $0xFFFFFEF7, lr;
	s5 =	simm.s32 $0xFFFFFFFF;
	p2 =	slt.u32 s8, $0xFFFFF086  }
0x1c: {  	p1 =	slt.u32 s9, $0xF7A;
	s5 =	simm.s32 @!p2 $0x0  }
0x1d: {  	s5 =	simm.s32 @p1 $0x1;
	p0 =	seq.s32 s7, s2  }
0x1e: {  	s7 =	smul.u32 @!p0 $0xF7A, s2;
	p2 =	seq.s32 @!p0 s5, $0x0  }
0x1f: {  	s9 =	smul.u32 $0xF7A, s1;
	s8 =	simm.s32 @!p0 $0x1BF5;
	p2 =	por !p2, p0  }
0x20: {  	[sflag:s8] =	ssyncset.s32 @!p0 $0xFFFFF086;
	s6 =	sadd.s32 @!p0 s3, s7;
	s7 =	simm.s32 @!p0 $0x108  }
0x21: {  	s3 =	sadd.s32 s3, s9;
	s6 =	sadd.s32 @!p0 $0x88, s6;
	s7 =	simm.s32 @p2 $0x1082  }
0x22: {  	[simem:s7], [sflag:s8] =	dma.local @!p0 [hbm:s6], $0xF7A  }
0x23: {  	s9 =	sor.u32 $0xD0000000, s2;
	s6 =	simm.s32 $0x108;
	_ =	swait.ge @!p0 [sflag:s8], $0x0  }
0x24: {  	s3 =	sadd.s32 $0x88, s3;
	s6 =	simm.s32 @!p1 $0x1082;
	[sflag:s4] =	ssyncset.s32 $0xFFFFF086  }
0x25: {  	[simem:s6], [sflag:s4] =	dma.local [hbm:s3], $0xF7A  }
0x26: {  	[smem:$0x3F9B] =	sst s1;
	(tag) =	ssettag s2;
	_ =	strace s9  }
0x27: {  	s1 =	sld [smem:$0x3FAB]  }
0x28: {  	s2 =	sld [smem:$0x3FAC]  }
0x29: {  	s4 =	sld [smem:$0x3FAE]  }
0x2a: {  	p0 =	seq.s32 s5, $0x0;
	s5 =	sld [smem:$0x3FAF]  }
0x2b: {  	s6 =	sld [smem:$0x3FB0]  }
0x2c: {  	s7 =	sld [smem:$0x3FB1]  }
0x2d: {  	s3 =	simm.s32 $0x108;
	s8 =	sld [smem:$0x3FB2]  }
0x2e: {  	s3 =	simm.s32 @!p0 $0x1082;
	s9 =	sld [smem:$0x3FB3]  }
0x2f: {  	lr =	sadd.s32 s0, s3;
	s0 =	sld [smem:$0x3FAA]  }
0x30: {  	s3 =	sld [smem:$0x3FAD]  }
0x31: {  	[smem:$0x3FB6] =	sst s10  }
0x32: {  	s10 =	sld [smem:$0x3FB4];
	_ =	sdelay $0x3  }
0x33: {  	p0 =	seq.s32 s10, $0x1;
	s10 =	sld [smem:$0x3FB6];
	_ =	sdelay $0x3  }
0x34: {  	[smem:$0x3FB6] =	sst s10  }
0x35: {  	s10 =	sld [smem:$0x3FB5];
	_ =	sdelay $0x3  }
0x36: {  	p1 =	seq.s32 s10, $0x1;
	s10 =	sld [smem:$0x3FB6];
	_ =	sdelay $0x3  }
0x37: {  	[smem:$0x3FB6] =	sst s10  }
0x38: {  	s10 =	sld [smem:$0x3FB7]  }
0x39: {  	_ = 	snop;
	(pc) =	sbr.ind lr, $3  }
0x3a: {  	_ = 	snop  }
0x3b: {  	_ = 	snop  }
0x3c: {  	p2 =	seq.s32 s10, $0x1;
	s10 =	sld [smem:$0x3FB6]  }
0x3d: {  	_ =	shalt  }
0x3e: {  	_ =	shalt  }
0x3f: {  	_ =	shalt  }
0x40: {  	_ =	shalt  }
0x41: {  	_ =	shalt  }
0x42: {  	_ =	shalt  }
0x43: {  	_ =	shalt  }
0x44: {  	_ =	shalt  }
0x45: {  	_ =	shalt  }
0x46: {  	_ =	shalt  }
0x47: {  	_ =	shalt  }
0x48: {  	_ =	shalt  }
0x49: {  	_ =	shalt  }
0x4a: {  	_ =	shalt  }
0x4b: {  	_ =	shalt  }
0x4c: {  	_ =	shalt  }
0x4d: {  	_ =	shalt  }
0x4e: {  	_ =	shalt  }
0x4f: {  	_ =	shalt  }
0x50: {  	_ =	shalt  }
0x51: {  	_ =	shalt  }
0x52: {  	_ =	shalt  }
0x53: {  	_ =	shalt  }
0x54: {  	_ =	shalt  }
0x55: {  	_ =	shalt  }
0x56: {  	_ =	shalt  }
0x57: {  	_ =	shalt  }
0x58: {  	_ =	shalt  }
0x59: {  	_ =	shalt  }
0x5a: {  	_ =	shalt  }
0x5b: {  	_ =	shalt  }
0x5c: {  	_ =	shalt  }
0x5d: {  	_ =	shalt  }
0x5e: {  	_ =	shalt  }
0x5f: {  	_ =	shalt  }
0x60: {  	_ =	shalt  }
0x61: {  	_ =	shalt  }
0x62: {  	_ =	shalt  }
0x63: {  	_ =	shalt  }
0x64: {  	_ =	shalt  }
0x65: {  	_ =	shalt  }
0x66: {  	_ =	shalt  }
0x67: {  	_ =	shalt  }
0x68: {  	_ =	shalt  }
0x69: {  	_ =	shalt  }
0x6a: {  	_ =	shalt  }
0x6b: {  	_ =	shalt  }
0x6c: {  	_ =	shalt  }
0x6d: {  	_ =	shalt  }
0x6e: {  	_ =	shalt  }
0x6f: {  	_ =	shalt  }
0x70: {  	_ =	shalt  }
0x71: {  	_ =	shalt  }
0x72: {  	_ =	shalt  }
0x73: {  	_ =	shalt  }
0x74: {  	_ =	shalt  }
0x75: {  	_ =	shalt  }
0x76: {  	_ =	shalt  }
0x77: {  	_ =	shalt  }
0x78: {  	_ =	shalt  }
0x79: {  	_ =	shalt  }
0x7a: {  	_ =	shalt  }
0x7b: {  	_ =	shalt  }
0x7c: {  	_ =	shalt  }
0x7d: {  	_ =	shalt  }
0x7e: {  	_ =	shalt  }
0x7f: {  	_ =	shalt  }
0x80: {  	_ =	shalt  }
0x81: {  	_ =	shalt  }
0x82: {  	_ =	shalt  }
0x83: {  	_ =	shalt  }
0x84: {  	_ =	shalt  }
0x85: {  	_ =	shalt  }
0x86: {  	_ =	shalt  }
0x87: {  	_ =	shalt  }
.Lfunc_end0:
.L_simem_size_0:
called_computation.1_lowered:
.L_overlay_start_0:
0x88: {  	s2 =	sld [smem:$0x3FD9]  }
0x89: {  	s3 =	sld [smem:$0x3FFE];
	_ =	sdelay $0x1  }
0x8a: {  	s1 =	srdreg.scid  }
0x8b: {  	s0 =	sand.u32 $0x1, s1  }
0x8c: {  	s17 =	sshll.u32 s0, $0xA;
	s2 =	sadd.s32 s3, s2  }
0x8d: {  	s2 =	sadd.s32 s2, s17  }
0x8e: {  	[smem:$0x3FC2] =	sst s2  }
0x8f: {  	_ = 	snop  }
0x90: {  	s2 =	sld [smem:$0x3FD0];
	(tm) =	ssettm $0x1  }
0x91: {  	s18 =	sld [smem:$0x3FFB];
	_ =	sdelay $0x3  }
0x92: {  	_ =	strace s18  }
0x93: {  	s3 =	sld [smem:$0x3FFC];
	_ =	sdelay $0x3  }
0x94: {  	_ =	strace s3  }
0x95: {  	s3 =	sld [smem:$0x3FFD];
	_ =	sdelay $0x3  }
0x96: {  	_ =	strace s3  }
0x97: {  	_ =	strace $0x8FFFFFFF  }
0x98: {  	s19 =	sld [smem:$0x3FDB];
	_ =	sdelay $0x1  }
0x99: {  	s4 =	simm.s32 $_scs_section_size  }
0x9a: {  	s5 =	simm.s32 $_size__tile_overlayer_lowered;
	s6 =	simm.s32 $_tile_overlayer_lowered  }
0x9b: {  	s22 =	simm.s32 $0x1BFF;
	s21 =	sshll.u32 s6, $0x1;
	s3 =	sadd.s32 s4, s19  }
0x9c: {  	s7 =	simm.s32 $0x0;
	s20 =	sshll.u32 s5, $0x1;
	s5 =	sadd.s32 s21, s3  }
0x9d: {  	[timem:s7], [sflag:s22] =	dma.local [hbm:s5], s20  }
0x9e: {  	_ =	swait.ge [sflag:s22], s20  }
0x9f: {  	s4 =	ssub.s32 $0x0, s20;
	[sflag:s22] =	ssyncset.done $0x0  }
0xa0: {  	[sflag:s22] =	ssyncadd.s32 s4;
	_ =	sdelay $0x1  }
0xa1: {  	s23 =	simm.s32 $0x1B8B  }
0xa2: {  	_ =	swait.ge [sflag:s23], $0x1  }
0xa3: {  	[sflag:s23] =	ssyncset.done $0x0  }
0xa4: {  	s25 =	simm.s32 $0x1B8E;
	s24 =	sld [smem:$0x3FFE];
	[sflag:s23] =	ssyncadd.s32 $0xFFFFFFFF  }
0xa5: {  	s26 =	simm.s32 $execute0_lowered;
	[smem:$0x3FD2] =	sst s25  }
0xa6: {  	s5 =	sshll.u32 s26, $0x1;
	_ =	strace $0x80000049;
	[dreg:$0x1] =	wrdreg $0xFFFFFFFF  }
0xa7: {  	s28 =	simm.s32 $_size_execute0_lowered;
	s3 =	sadd.s32 s3, s5;
	[dreg:$0x0] =	wrdreg $0x0  }
0xa8: {  	s5 =	sshll.u32 s28, $0x1;
	[dreg:$0x2] =	wrdreg s3  }
0xa9: {  	[dreg:$0x3] =	wrdreg s5  }
0xaa: {  	[dreg:$0x4] =	wrdreg $0xC0  }
0xab: {  	_ =	task [dreg:s7], $0x5FFFF  }
0xac: {  	[dreg:$0x1] =	wrdreg $0xFFFFFFFF  }
0xad: {  	[dreg:$0x0] =	wrdreg $0x60  }
0xae: {  	[dreg:$0x2] =	wrdreg s2  }
0xaf: {  	[dreg:$0x3] =	wrdreg s24  }
0xb0: {  	[dreg:$0x4] =	wrdreg $0x9B800  }
0xb1: {  	[dreg:$0x5] =	wrdreg $0x9  }
0xb2: {  	_ =	task.clear_ibuf [dreg:s7], $0x6FFFF;
	_ =	strace $0x90000049  }
0xb3: {  	s29 =	simm.s32 $0x9;
	_ =	strace $0x8000004B  }
0xb4: {  	_ =	swait.ge [sflag:s29], $0x1  }
0xb5: {  	[sflag:s29] =	ssyncadd.s32 $0xFFFFFFFF  }
0xb6: {  	_ =	strace $0x9000004B  }
0xb7: {  	_ =	sfence  }
0xb8: {  	s30 =	sld [smem:$0x0];
	_ =	sdelay $0x2  }
0xb9: {  	s31 =	sshll.u32 s1, $0xD;
	s1 =	sshrl.u32 s1, $0x2  }
0xba: {  	s3 =	sand.u32 $0x4000, s31;
	s1 =	sadd.s32 s1, s30  }
0xbb: {  	s0 =	sor.u32 s3, s0;
	s1 =	sshll.u32 s1, $0x11  }
0xbc: {  	s0 =	sor.u32 s1, s0  }
0xbd: {  	s0 =	sadd.s32 $0x8F2B, s0  }
0xbe: {  	[sflag:s0] =	ssyncadd.remote.s32 $0x1  }
0xbf: {  	_ =	sfence.sel $0xFFFF  }
0xc0: {  	[dreg:$0x0] =	wrdreg $0xFFFFFFFF;
	(pc) =	sbr.abs _section_cstart, $3  }
0xc1: {  	[dreg:$0x1] =	wrdreg $0xFFFFFFFF  }
0xc2: {  	_ =	task.clear_ibuf [dreg:s7], $0x2FFFF;
	_ =	strace $0x9FFFFFFF  }
0xc3: {  	(tm) =	ssettm $0x7FFFFFFF  }
tec
execute0_lowered:
.L_overlay_start_1:
0x0: {  	(tag) =	ssettag $0x1  }
0x1: {  	s1 =	rddreg [dreg:$0x0]  }
0x2: {  	s0 =	rddreg [dreg:$0x1]  }
0x3: {  	s2 =	rddreg [dreg:$0x2];
	s3 =	simm.s32 $0x0;
	s5 =	srdreg.scid  }
0x4: {  	s12 =	stileid.u32;
	s18 =	simm.s32 $0x6;
	s19 =	simm.s32 $0x9300  }
0x5: {  	s28 =	simm.s32 $0x6A00;
	s29 =	simm.s32 $0x6B00;
	s30 =	simm.s32 $0x1  }
0x6: {  	s31 =	simm.s32 $0x4100;
	s20 =	simm.s32 $0x6A80;
	s13 =	simm.s32 $0x10  }
0x7: {  	s14 =	simm.s32 $0x9B00;
	[smem:$0x7FF] =	sst s3;
	s4 =	sadd.s32 $0xAC00, s0  }
0x8: {  	s6 =	sadd.s32 $0xFC00, s0;
	s7 =	sadd.s32 $0x5C00, s0;
	s17 =	sand.u32 $0x1, s5  }
0x9: {  	s8 =	sadd.s32 $0xC00, s0;
	s9 =	sadd.s32 $0x10200, s0;
	s10 =	smul.u32 $0x2710, s12  }
0xa: {  	s22 =	ssub.s32 $0x280, s12;
	s11 =	sshll.u32 s12, $0xB;
	s26 =	sshll.u32 s12, $0x4  }
0xb: {  	_ =	strace $0x8000004A;
	[dreg:$0x4] =	wrdreg s6;
	s5 =	ssub.s32 $0x2, s17  }
0xc: {  	s15 =	sshrl.u32 s22, $0x4;
	s16 =	sadd.s32 s11, s2;
	[dreg:$0xa] =	wrdreg s26  }
0xd: {  	s26 =	simm.s32 $0x4180;
	s23 =	sshrl.u32 s10, $0x3;
	[dreg:$0x5] =	wrdreg s15  }
0xe: {  	s22 =	simm.s32 $0x4;
	[dreg:$0x6] =	wrdreg s16;
	s24 =	sadd.s32 s7, s23  }
0xf: {  	s21 =	sshrl.u32 s5, $0x1;
	s25 =	sadd.s32 s8, s23;
	[dreg:$0x7] =	wrdreg s24  }
0x10: {  	s0 =	ssub.s32 s5, s21;
	s5 =	sadd.s32 s4, s23;
	[dreg:$0x8] =	wrdreg s25  }
0x11: {  	s11 =	simm.s32 $0x0;
	s21 =	simm.s32 $0x6980;
	[dreg:$0x9] =	wrdreg s5  }
0x12: {  	v2 =	vlaneseq.u32;
	s0 =	smax.u32 s0, $0x1;
	s24 =	simm.s32 $0x50;
	s25 =	simm.s32 $0x4080  }
0x13: {  	v1 =	vimm.f32 $0.0e+00;
	v2 =	vmul.u32 $0x2, v2;
	v0 =	vmov s17;
	s5 =	simm.s32 $0x2;
	[dreg:$0xb] =	wrdreg s0;
	s0 =	simm.s32 $0x4000  }
.LBB2_1:
0x14: {  	[dreg:$0xc] =	wrdreg s11  }
0x15: {  	s6 =	rddreg [dreg:$0x4]  }
0x16: {  	[tilespmem:s3], [sflag:$0x6] =	stream.linear.gather [hbm4b:s6+s3], $0x2800, $0x38;
	[tilespmem:$0x1D400] =	vst v63  }
0x17: {  	_ =	swait.ge [sflag:s18], $0x2800  }
0x18: {  	[sflag:s18] =	ssyncset.done $0x0  }
0x19: {  	s11 =	simm.s32 $0x200;
	s6 =	simm.s32 $0x0;
	[sflag:s18] =	ssyncadd.s32 $0xFFFFD800  }
.LBB2_2:
0x1a: {  	p0 =	sne.s32 s11, $0x1E00;
	[tilespmem:s6+$0x9370] =	vst v1  }
0x1b: {  	[tilespmem:s6+$0x9300] =	vst v1  }
0x1c: {  	[tilespmem:s6+$0x9310] =	vst v1  }
.Ltmp0:
0x1d: {  	[tilespmem:s6+$0x9320] =	vst v1;
	(pc) =	sbr.rel @p0 .LBB2_2-.Ltmp0, $4  }
0x1e: {  	[tilespmem:s6+$0x9330] =	vst v1  }
0x1f: {  	[tilespmem:s6+$0x9340] =	vst v1  }
0x20: {  	[tilespmem:s6+$0x9350] =	vst v1  }
0x21: {  	[tilespmem:s6+$0x9360] =	vst v1;
	s6 =	sshra.s32 s11, $0x2;
	s11 =	sadd.s32 $0x200, s11  }
0x22: {  	[tilespmem:s6+$0x9370] =	vst v1  }
0x23: {  	[tilespmem:s6+$0x9300] =	vst v1  }
0x24: {  	[tilespmem:s6+$0x9310] =	vst v1  }
0x25: {  	[tilespmem:s6+$0x9320] =	vst v1  }
0x26: {  	[tilespmem:s6+$0x9330] =	vst v1  }
0x27: {  	[tilespmem:s6+$0x9340] =	vst v1;
	p0 =	sne.s32 s15, $0x1  }
.Ltmp1:
0x28: {  	[tilespmem:s6+$0x9350] =	vst v1;
	(pc) =	sbr.rel @!p0 .LBB2_5-.Ltmp1, $4  }
0x29: {  	[tilespmem:s6+$0x9360] =	vst v1  }
0x2a: {  	[spmem:s16] =	stream.linear.scatter [tilespmem:s19], [sflag:$0x6], $0x800, $0x38;
	[tilespmem:$0x1D400] =	vst v63  }
0x2b: {  	_ =	swait.ge [sflag:s18], $0x800  }
0x2c: {  	s6 =	sadd.s32 $0xFFFFFFFF, s15;
	s11 =	smov.u32 s16;
	[sflag:s18] =	ssyncset.done $0x0  }
.LBB2_4:
0x2d: {  	p1 =	sne.s32 s6, $0x1;
	[sflag:s18] =	ssyncadd.s32 $0xFFFFF800;
	s11 =	sadd.s32 $0x8000, s11  }
.Ltmp2:
0x2e: {  	s6 =	sadd.s32 $0xFFFFFFFF, s6;
	(pc) =	sbr.rel @p1 .LBB2_4-.Ltmp2, $4  }
0x2f: {  	_ = 	snop  }
0x30: {  	[spmem:s11] =	stream.linear.scatter [tilespmem:s19], [sflag:$0x6], $0x800, $0x38;
	[tilespmem:$0x1D400] =	vst v63  }
0x31: {  	_ =	swait.ge [sflag:s18], $0x800  }
0x32: {  	[sflag:s18] =	ssyncset.done $0x0  }
.LBB2_5:
0x33: {  	[sflag:s18] =	ssyncadd.s32 $0xFFFFF800  }
0x34: {  	[bflag:$0x0] =	sbarrier.arrive $0xFFFF  }
0x35: {  	s17 =	simm.s32 $0x0;
	s11 =	simm.s32 $0x2800;
	s6 =	rddreg [dreg:$0x7]  }
0x36: {  	[tilespmem:s11], [sflag:$0x3] =	stream.linear.gather [hbm4b:s6+s17], $0x7D0, $0x38;
	[tilespmem:$0x1D400] =	vst v63  }
0x37: {  	s12 =	simm.s32 $0x3000;
	s11 =	rddreg [dreg:$0x8]  }
0x38: {  	[tilespmem:s12], [sflag:$0x3] =	stream.linear.gather [hbm4b:s11+s17], $0x7D0, $0x38;
	[tilespmem:$0x1D400] =	vst v63  }
0x39: {  	s16 =	simm.s32 $0x3800;
	s23 =	simm.s32 $0x3;
	s15 =	rddreg [dreg:$0x9]  }
0x3a: {  	[tilespmem:s16], [sflag:$0x3] =	stream.linear.gather [hbm4b:s15+s17], $0x7D0, $0x38;
	[tilespmem:$0x1D400] =	vst v63  }
0x3b: {  	_ =	swait.ge [sflag:s23], $0x7D0  }
0x3c: {  	[sflag:s23] =	ssyncset.done $0x0  }
0x3d: {  	[sflag:s23] =	ssyncadd.s32 $0xFFFFF830  }
0x3e: {  	_ =	swait.ge [sflag:s23], $0x7D0  }
0x3f: {  	[sflag:s23] =	ssyncset.done $0x0  }
0x40: {  	[sflag:s23] =	ssyncadd.s32 $0xFFFFF830  }
0x41: {  	_ =	swait.ge [sflag:s23], $0x7D0  }
0x42: {  	[sflag:s23] =	ssyncset.done $0x0  }
0x43: {  	[sflag:s23] =	ssyncadd.s32 $0xFFFFF830  }
0x44: {  	v3 =	vld [tilespmem:$0x3000]  }
0x45: {  	v4 =	vld [tilespmem:$0x2800];
	_ =	sdelay $0x4  }
0x46: {  	v4 =	vshll.u32 v4, $0x1  }
0x47: {  	[tilespmem:$0x4000] =	vst v3;
	v4 =	vor.u32 v0, v4  }
0x48: {  	[tilespmem:$0x4080] =	vst v4  }
0x49: {  	v3 =	vld.idx.msk [tilespmem:v3+s17+$0x0], $0xffff;
	_ =	sdelay $0x4  }
0x4a: {  	(erf) = vrcp.f32 v3;
	_ =	sdelay $0x4  }
0x4b: {  	v3 =	vld [tilespmem:$0x3800]  }
0x4c: {  	v53 =	vld [tilespmem:$0x3010]  }
0x4d: {  	v5 =	vld [tilespmem:$0x2810];
	_ =	sdelay $0x1  }
0x4e: {  	v6 =	vpop (erf)  }
0x4f: {  	v3 =	vmul.f32 v6, v3;
	_ =	sdelay $0x1  }
0x50: {  	[tilespmem:$0x4100] =	vst v3;
	v3 =	vshll.u32 v5, $0x1  }
0x51: {  	[tilespmem:$0x4010] =	vst v53;
	v3 =	vor.u32 v0, v3  }
0x52: {  	[tilespmem:$0x4090] =	vst v3  }
0x53: {  	v3 =	vld.idx.msk [tilespmem:v53+s17+$0x0], $0xffff;
	_ =	sdelay $0x4  }
0x54: {  	(erf) = vrcp.f32 v3;
	_ =	sdelay $0x4  }
0x55: {  	v3 =	vld [tilespmem:$0x3810]  }
0x56: {  	v54 =	vld [tilespmem:$0x3020]  }
0x57: {  	v55 =	vld [tilespmem:$0x2820];
	_ =	sdelay $0x1  }
0x58: {  	v56 =	vpop (erf)  }
0x59: {  	v3 =	vmul.f32 v56, v3;
	_ =	sdelay $0x1  }
0x5a: {  	[tilespmem:$0x4110] =	vst v3;
	v3 =	vshll.u32 v55, $0x1  }
0x5b: {  	[tilespmem:$0x4020] =	vst v54;
	v3 =	vor.u32 v0, v3  }
0x5c: {  	[tilespmem:$0x40A0] =	vst v3  }
0x5d: {  	v3 =	vld.idx.msk [tilespmem:v54+s17+$0x0], $0xffff;
	_ =	sdelay $0x4  }
0x5e: {  	(erf) = vrcp.f32 v3;
	_ =	sdelay $0x4  }
0x5f: {  	v3 =	vld [tilespmem:$0x3820]  }
0x60: {  	v57 =	vld [tilespmem:$0x3030]  }
0x61: {  	v58 =	vld [tilespmem:$0x2830];
	_ =	sdelay $0x1  }
0x62: {  	v59 =	vpop (erf)  }
0x63: {  	v3 =	vmul.f32 v59, v3;
	_ =	sdelay $0x1  }
0x64: {  	[tilespmem:$0x4120] =	vst v3;
	v3 =	vshll.u32 v58, $0x1  }
0x65: {  	[tilespmem:$0x4030] =	vst v57;
	v3 =	vor.u32 v0, v3  }
0x66: {  	[tilespmem:$0x40B0] =	vst v3  }
0x67: {  	v3 =	vld.idx.msk [tilespmem:v57+s17+$0x0], $0xffff;
	_ =	sdelay $0x4  }
0x68: {  	(erf) = vrcp.f32 v3;
	_ =	sdelay $0x4  }
0x69: {  	v3 =	vld [tilespmem:$0x3830]  }
0x6a: {  	v60 =	vld [tilespmem:$0x3040]  }
0x6b: {  	v61 =	vld [tilespmem:$0x2840];
	_ =	sdelay $0x1  }
0x6c: {  	v62 =	vpop (erf)  }
0x6d: {  	v3 =	vmul.f32 v62, v3;
	_ =	sdelay $0x1  }
0x6e: {  	[tilespmem:$0x4130] =	vst v3;
	v3 =	vshll.u32 v61, $0x1  }
0x6f: {  	[tilespmem:$0x4040] =	vst v60;
	v3 =	vor.u32 v0, v3  }
0x70: {  	[tilespmem:$0x40C0] =	vst v3  }
0x71: {  	v3 =	vld.idx.msk [tilespmem:v60+s17+$0x0], $0xffff;
	_ =	sdelay $0x4  }
0x72: {  	(erf) = vrcp.f32 v3;
	_ =	sdelay $0x4  }
0x73: {  	v3 =	vld [tilespmem:$0x3840];
	_ =	sdelay $0x3  }
.Ltmp3:
0x74: {  	v63 =	vpop (erf);
	(pc) =	sbr.rel .LBB2_6-.Ltmp3, $3  }
0x75: {  	v3 =	vmul.f32 v63, v3;
	_ =	sdelay $0x1  }
0x76: {  	[tilespmem:$0x4140] =	vst v3  }
0x77: {  	[tilespmem:s26], [sflag:$0x1] =	stream.indirect.gather [hbm4b:s1+s24], $0x80, s25, s24, $0xb8;
	[tilespmem:$0x1D400] =	vst v63  }
.LBB2_16:
0x78: {  	s17 =	sadd.s32 $0x1, s17  }
0x79: {  	p1 =	sne.s32 s17, $0x3F  }
.Ltmp4:
0x7a: {  	_ = 	snop;
	(pc) =	sbr.rel @!p1 .LBB2_17-.Ltmp4, $1  }
0x7b: {  	_ =	sdelay $0x3  }
.LBB2_6:
0x7c: {  	s6 =	sshllo.u32 s17, $0x1  }
0x7d: {  	p1 =	sgt.u32 s6, $0x7C  }
.Ltmp5:
0x7e: {  	_ = 	snop;
	(pc) =	sbr.rel @p1 .LBB2_8-.Ltmp5, $1  }
0x7f: {  	_ =	sdelay $0x3  }
0x80: {  	s11 =	smul.u32 $0x29, s6;
	_ =	sdelay $0x1  }
0x81: {  	s11 =	sshrl.u32 s11, $0xA  }
0x82: {  	s11 =	sand.u32 $0x3F, s11  }
0x83: {  	s11 =	smul.u32 $0x19, s11;
	_ =	sdelay $0x1  }
0x84: {  	s11 =	ssub.s32 s6, s11  }
0x85: {  	s11 =	sand.u32 $0xFF, s11  }
0x86: {  	p2 =	sne.s32 s11, $0x0  }
0x87: {  	s6 =	smul.u32 @!p2 $0x29, s6;
	_ =	sdelay $0x1  }
0x88: {  	s6 =	sshrl.u32 @!p2 s6, $0xA  }
0x89: {  	p3 =	seq.s32 s17, $0x0;
	s6 =	sand.u32 @!p2 $0x3F, s6  }
0x8a: {  	s12 =	simm.s32 @!p3 $0x5;
	s6 =	smul.u32 @!p2 $0x7D0, s6  }
0x8b: {  	_ =	swait.ge @!p3 [sflag:s12], $0x2800  }
0x8c: {  	[sflag:s12] =	ssyncset.done @!p3 $0x0;
	s6 =	sadd.s32 @!p2 s10, s6  }
0x8d: {  	[sflag:s12] =	ssyncadd.s32 @!p3 $0xFFFFD800;
	s6 =	sshrl.u32 @!p2 s6, $0x3  }
0x8e: {  	s16 =	simm.s32 @!p2 $0x0;
	s23 =	simm.s32 @!p2 $0x2800;
	s12 =	sadd.s32 @!p2 s7, s6  }
0x8f: {  	[tilespmem:s23], [sflag:$0x3] =	stream.linear.gather @!p2 [hbm4b:s12+s16], $0x7D0, $0x38;
	[tilespmem:$0x1D400] =	vst v63  }
0x90: {  	s12 =	sadd.s32 @!p2 s8, s6;
	s23 =	simm.s32 @!p2 $0x3000  }
0x91: {  	[tilespmem:s23], [sflag:$0x3] =	stream.linear.gather @!p2 [hbm4b:s12+s16], $0x7D0, $0x38;
	[tilespmem:$0x1D400] =	vst v63  }
0x92: {  	s6 =	sadd.s32 @!p2 s4, s6;
	s12 =	simm.s32 @!p2 $0x3800  }
0x93: {  	[tilespmem:s12], [sflag:$0x3] =	stream.linear.gather @!p2 [hbm4b:s6+s16], $0x7D0, $0x38;
	[tilespmem:$0x1D400] =	vst v63  }
0x94: {  	s6 =	simm.s32 @!p2 $0x3  }
0x95: {  	_ =	swait.ge @!p2 [sflag:s6], $0x7D0  }
0x96: {  	[sflag:s6] =	ssyncset.done @!p2 $0x0  }
0x97: {  	[sflag:s6] =	ssyncadd.s32 @!p2 $0xFFFFF830  }
0x98: {  	_ =	swait.ge @!p2 [sflag:s6], $0x7D0  }
0x99: {  	[sflag:s6] =	ssyncset.done @!p2 $0x0  }
0x9a: {  	[sflag:s6] =	ssyncadd.s32 @!p2 $0xFFFFF830  }
0x9b: {  	_ =	swait.ge @!p2 [sflag:s6], $0x7D0  }
0x9c: {  	s11 =	smul.u32 $0x50, s11;
	[sflag:s6] =	ssyncset.done @!p2 $0x0  }
0x9d: {  	[sflag:s6] =	ssyncadd.s32 @!p2 $0xFFFFF830  }
0x9e: {  	v3 =	vld [tilespmem:s11+$0x3000];
	_ =	sdelay $0x4  }
0x9f: {  	[tilespmem:$0x6980] =	vst v3  }
0xa0: {  	v4 =	vld [tilespmem:s11+$0x2800];
	_ =	sdelay $0x4  }
0xa1: {  	v4 =	vshll.u32 v4, $0x1  }
0xa2: {  	v4 =	vor.u32 v0, v4  }
0xa3: {  	[tilespmem:$0x6A00] =	vst v4  }
0xa4: {  	v3 =	vld.idx.msk [tilespmem:v3+s3+$0x0], $0xffff;
	_ =	sdelay $0x4  }
0xa5: {  	(erf) = vrcp.f32 v3;
	_ =	sdelay $0x4  }
0xa6: {  	v3 =	vld [tilespmem:s11+$0x3800];
	_ =	sdelay $0x3  }
0xa7: {  	v55 =	vpop (erf)  }
0xa8: {  	v3 =	vmul.f32 v55, v3;
	_ =	sdelay $0x1  }
0xa9: {  	[tilespmem:$0x6A80] =	vst v3  }
0xaa: {  	v3 =	vld [tilespmem:s11+$0x3010];
	_ =	sdelay $0x4  }
0xab: {  	[tilespmem:$0x6990] =	vst v3  }
0xac: {  	v56 =	vld [tilespmem:s11+$0x2810];
	_ =	sdelay $0x4  }
0xad: {  	v4 =	vshll.u32 v56, $0x1  }
0xae: {  	v4 =	vor.u32 v0, v4  }
0xaf: {  	[tilespmem:$0x6A10] =	vst v4  }
0xb0: {  	v3 =	vld.idx.msk [tilespmem:v3+s3+$0x0], $0xffff;
	_ =	sdelay $0x4  }
0xb1: {  	(erf) = vrcp.f32 v3;
	_ =	sdelay $0x4  }
0xb2: {  	v3 =	vld [tilespmem:s11+$0x3810];
	_ =	sdelay $0x3  }
0xb3: {  	v57 =	vpop (erf)  }
0xb4: {  	v3 =	vmul.f32 v57, v3;
	_ =	sdelay $0x1  }
0xb5: {  	[tilespmem:$0x6A90] =	vst v3  }
0xb6: {  	v3 =	vld [tilespmem:s11+$0x3020];
	_ =	sdelay $0x4  }
0xb7: {  	[tilespmem:$0x69A0] =	vst v3  }
0xb8: {  	v58 =	vld [tilespmem:s11+$0x2820];
	_ =	sdelay $0x4  }
0xb9: {  	v4 =	vshll.u32 v58, $0x1  }
0xba: {  	v4 =	vor.u32 v0, v4  }
0xbb: {  	[tilespmem:$0x6A20] =	vst v4  }
0xbc: {  	v3 =	vld.idx.msk [tilespmem:v3+s3+$0x0], $0xffff;
	_ =	sdelay $0x4  }
0xbd: {  	(erf) = vrcp.f32 v3;
	_ =	sdelay $0x4  }
0xbe: {  	v3 =	vld [tilespmem:s11+$0x3820];
	_ =	sdelay $0x3  }
0xbf: {  	v59 =	vpop (erf)  }
0xc0: {  	v3 =	vmul.f32 v59, v3;
	_ =	sdelay $0x1  }
0xc1: {  	[tilespmem:$0x6AA0] =	vst v3  }
0xc2: {  	v3 =	vld [tilespmem:s11+$0x3030];
	_ =	sdelay $0x4  }
0xc3: {  	[tilespmem:$0x69B0] =	vst v3  }
0xc4: {  	v60 =	vld [tilespmem:s11+$0x2830];
	_ =	sdelay $0x4  }
0xc5: {  	v4 =	vshll.u32 v60, $0x1  }
0xc6: {  	v4 =	vor.u32 v0, v4  }
0xc7: {  	[tilespmem:$0x6A30] =	vst v4  }
0xc8: {  	v3 =	vld.idx.msk [tilespmem:v3+s3+$0x0], $0xffff;
	_ =	sdelay $0x4  }
0xc9: {  	(erf) = vrcp.f32 v3;
	_ =	sdelay $0x4  }
0xca: {  	v3 =	vld [tilespmem:s11+$0x3830];
	_ =	sdelay $0x3  }
0xcb: {  	v61 =	vpop (erf)  }
0xcc: {  	v3 =	vmul.f32 v61, v3;
	_ =	sdelay $0x1  }
0xcd: {  	[tilespmem:$0x6AB0] =	vst v3  }
0xce: {  	v3 =	vld [tilespmem:s11+$0x3040];
	_ =	sdelay $0x4  }
0xcf: {  	[tilespmem:$0x69C0] =	vst v3  }
0xd0: {  	v62 =	vld [tilespmem:s11+$0x2840];
	_ =	sdelay $0x4  }
0xd1: {  	v4 =	vshll.u32 v62, $0x1  }
0xd2: {  	v4 =	vor.u32 v0, v4  }
0xd3: {  	[tilespmem:$0x6A40] =	vst v4  }
0xd4: {  	v3 =	vld.idx.msk [tilespmem:v3+s3+$0x0], $0xffff;
	_ =	sdelay $0x4  }
0xd5: {  	(erf) = vrcp.f32 v3;
	_ =	sdelay $0x4  }
0xd6: {  	v3 =	vld [tilespmem:s11+$0x3840];
	_ =	sdelay $0x3  }
0xd7: {  	v63 =	vpop (erf)  }
0xd8: {  	v3 =	vmul.f32 v63, v3;
	_ =	sdelay $0x1  }
0xd9: {  	[tilespmem:$0x6AC0] =	vst v3  }
0xda: {  	[tilespmem:s29], [sflag:$0x2] =	stream.indirect.gather [hbm4b:s1+s24], $0x80, s28, s24, $0xb8;
	[tilespmem:$0x1D400] =	vst v63  }
.LBB2_8:
0xdb: {  	s6 =	simm.s32 $0x0  }
0xdc: {  	v3 =	vmov s6  }
0xdd: {  	v3 =	vand.u32 $0xFFFFFFFC, v3  }
0xde: {  	v3 =	vbroadcast v3, $0x0;
	_ =	sdelay $0x1  }
0xdf: {  	_ =	swait.ge [sflag:s30], $0x2800  }
0xe0: {  	[sflag:s30] =	ssyncset.done $0x0  }
0xe1: {  	s6 =	simm.s32 $0x4280;
	[sflag:s30] =	ssyncadd.s32 $0xFFFFD800  }
0xe2: {  	v5 =	vld [tilespmem:s6+$0xFFFFFF70]  }
0xe3: {  	v3 =	vld.idx.msk [tilespmem:v3+s31+$0x0], $0xffff  }
0xe4: {  	v6 =	vld [tilespmem:s6+$0xFFFFFF00]  }
0xe5: {  	v7 =	vld [tilespmem:s6+$0xFFFFFF20]  }
0xe6: {  	v8 =	vld [tilespmem:s6+$0xFFFFFF30]  }
0xe7: {  	v4 =	vld [tilespmem:s6+$0xFFFFFF50]  }
0xe8: {  	v10 =	vld [tilespmem:s6+$0xFFFFFF10];
	v5 =	vmul.f32 v5, v3  }
0xe9: {  	s11 =	simm.s32 $0x1;
	v9 =	vld [tilespmem:s6+$0xFFFFFF60];
	v6 =	vmul.f32 v6, v3  }
0xea: {  	v11 =	vld [tilespmem:s6+$0xFFFFFF40];
	v7 =	vmul.f32 v7, v3;
	[tilespmem:s6+$0xFFFFFF70] =	vst v5;
	v5 =	vmov s11  }
0xeb: {  	v8 =	vmul.f32 v8, v3;
	[tilespmem:s6+$0xFFFFFF00] =	vst v6;
	v5 =	vand.u32 $0xFFFFFFFD, v5  }
0xec: {  	v4 =	vmul.f32 v4, v3;
	[tilespmem:s6+$0xFFFFFF20] =	vst v7;
	v5 =	vbroadcast v5, $0x0  }
0xed: {  	v6 =	vmul.f32 v10, v3;
	[tilespmem:s6+$0xFFFFFF30] =	vst v8  }
0xee: {  	v7 =	vmul.f32 v9, v3;
	[tilespmem:s6+$0xFFFFFF50] =	vst v4  }
0xef: {  	v3 =	vmul.f32 v11, v3;
	[tilespmem:s6+$0xFFFFFF10] =	vst v6  }
0xf0: {  	[tilespmem:s6+$0xFFFFFF60] =	vst v7  }
0xf1: {  	[tilespmem:s6+$0xFFFFFF40] =	vst v3;
	v3 =	vld [tilespmem:s6+$0xFFFFFF80]  }
0xf2: {  	v5 =	vld.idx.msk [tilespmem:v5+s31+$0x0], $0xffff  }
0xf3: {  	v4 =	vld [tilespmem:s6+$0xFFFFFFA0]  }
0xf4: {  	v6 =	vld [tilespmem:s6+$0xFFFFFF90]  }
0xf5: {  	v7 =	vld [tilespmem:s6+$0xFFFFFFD0]  }
0xf6: {  	v8 =	vld [tilespmem:s6+$0xFFFFFFE0]  }
0xf7: {  	v9 =	vld [tilespmem:s6+$0xFFFFFFF0];
	v3 =	vmul.f32 v3, v5  }
0xf8: {  	s23 =	simm.s32 $0x2;
	v10 =	vld [tilespmem:s6+$0xFFFFFFB0];
	v4 =	vmul.f32 v4, v5  }
0xf9: {  	v11 =	vld [tilespmem:s6+$0xFFFFFFC0];
	v6 =	vmul.f32 v6, v5;
	[tilespmem:s6+$0xFFFFFF80] =	vst v3;
	v3 =	vmov s23  }
0xfa: {  	v7 =	vmul.f32 v7, v5;
	[tilespmem:s6+$0xFFFFFFA0] =	vst v4;
	v3 =	vand.u32 $0xFFFFFFFE, v3  }
0xfb: {  	v4 =	vmul.f32 v8, v5;
	[tilespmem:s6+$0xFFFFFF90] =	vst v6;
	v8 =	vld [tilespmem:s6+$0x0];
	v12 =	vbroadcast v3, $0x0  }
0xfc: {  	v6 =	vmul.f32 v9, v5;
	[tilespmem:s6+$0xFFFFFFD0] =	vst v7;
	v9 =	vld [tilespmem:s6+$0x30]  }
0xfd: {  	v7 =	vmul.f32 v10, v5;
	v3 =	vld [tilespmem:s6+$0x40];
	[tilespmem:s6+$0xFFFFFFE0] =	vst v4  }
0xfe: {  	v5 =	vmul.f32 v11, v5;
	v4 =	vld [tilespmem:s6+$0x70];
	[tilespmem:s6+$0xFFFFFFF0] =	vst v6  }
0xff: {  	[tilespmem:s6+$0xFFFFFFB0] =	vst v7;
	v6 =	vld [tilespmem:s6+$0x20]  }
0x100: {  	s16 =	sshll.u32 s17, $0x1;
	[tilespmem:s6+$0xFFFFFFC0] =	vst v5;
	v7 =	vld [tilespmem:s6+$0x10]  }
0x101: {  	s12 =	simm.s32 $0x7;
	s11 =	simm.s32 $0x3;
	s23 =	simm.s32 $0x4280;
	v5 =	vld.idx.msk [tilespmem:v12+s31+$0x0], $0xffff  }
.LBB2_9:
0x102: {  	p2 =	sne.s32 s12, $0x4F  }
0x103: {  	v10 =	vld [tilespmem:s6+$0x50];
	s23 =	sadd.s32 $0x200, s23;
	s15 =	smov.u32 s12;
	s12 =	sadd.s32 $0x4, s12  }
0x104: {  	v11 =	vld [tilespmem:s6+$0x60];
	_ =	sdelay $0x1  }
0x105: {  	v8 =	vmul.f32 v8, v5;
	v7 =	vmul.f32 v7, v5  }
0x106: {  	v6 =	vmul.f32 v6, v5;
	v9 =	vmul.f32 v9, v5  }
0x107: {  	v3 =	vmul.f32 v3, v5;
	v4 =	vmul.f32 v4, v5;
	[tilespmem:s6+$0x0] =	vst v8  }
0x108: {  	[tilespmem:s6+$0x20] =	vst v6;
	v6 =	vmul.f32 v10, v5;
	v5 =	vmul.f32 v11, v5  }
0x109: {  	[tilespmem:s6+$0x30] =	vst v9;
	v8 =	vld [tilespmem:s6+$0x80]  }
0x10a: {  	[tilespmem:s6+$0x60] =	vst v5;
	v5 =	vmov s11;
	v9 =	vld [tilespmem:s6+$0xD0];
	s11 =	smov.u32 s15  }
0x10b: {  	[tilespmem:s6+$0x50] =	vst v6;
	v6 =	vld [tilespmem:s6+$0xE0]  }
0x10c: {  	[tilespmem:s6+$0x40] =	vst v3;
	v10 =	vld [tilespmem:s6+$0xB0]  }
0x10d: {  	v3 =	vld [tilespmem:s23+$0x40];
	[tilespmem:s6+$0x70] =	vst v4  }
0x10e: {  	v4 =	vld [tilespmem:s23+$0x70];
	[tilespmem:s6+$0x10] =	vst v7  }
0x10f: {  	v5 =	vld.idx.msk [tilespmem:v5+s31+$0x0], $0xffff  }
0x110: {  	v7 =	vld [tilespmem:s6+$0x90]  }
0x111: {  	v11 =	vld [tilespmem:s6+$0xA0]  }
0x112: {  	v12 =	vld [tilespmem:s6+$0xC0]  }
0x113: {  	v13 =	vld [tilespmem:s6+$0xF0];
	_ =	sdelay $0x1  }
0x114: {  	v8 =	vmul.f32 v8, v5;
	v7 =	vmul.f32 v7, v5  }
0x115: {  	s15 =	sadd.s32 $0xFFFFFFFD, s11;
	v10 =	vmul.f32 v10, v5;
	v11 =	vmul.f32 v11, v5  }
0x116: {  	v14 =	vmov s15;
	v9 =	vmul.f32 v9, v5;
	[tilespmem:s6+$0x80] =	vst v8;
	v8 =	vmul.f32 v12, v5  }
0x117: {  	v6 =	vmul.f32 v6, v5;
	v12 =	vand.u32 $0xFFFFFFFC, v14;
	[tilespmem:s6+$0x90] =	vst v7;
	v5 =	vmul.f32 v13, v5  }
0x118: {  	v7 =	vbroadcast v12, $0x0;
	[tilespmem:s6+$0xA0] =	vst v11  }
0x119: {  	[tilespmem:s6+$0xD0] =	vst v9  }
0x11a: {  	v9 =	vld [tilespmem:s23+$0xFFFFFF50];
	[tilespmem:s6+$0xB0] =	vst v10  }
0x11b: {  	v10 =	vld [tilespmem:s23+$0xFFFFFF30];
	[tilespmem:s6+$0xC0] =	vst v8  }
0x11c: {  	v8 =	vld [tilespmem:s23+$0xFFFFFF60];
	[tilespmem:s6+$0xE0] =	vst v6  }
0x11d: {  	v6 =	vld [tilespmem:s23+$0xFFFFFF70];
	[tilespmem:s6+$0xF0] =	vst v5;
	s6 =	smov.u32 s23  }
0x11e: {  	v5 =	vld.idx.msk [tilespmem:v7+s31+$0x0], $0xffff  }
0x11f: {  	v7 =	vld [tilespmem:s23+$0xFFFFFF00]  }
0x120: {  	v11 =	vld [tilespmem:s23+$0xFFFFFF20]  }
0x121: {  	v12 =	vld [tilespmem:s23+$0xFFFFFF10]  }
0x122: {  	v13 =	vld [tilespmem:s23+$0xFFFFFF40];
	_ =	sdelay $0x1  }
0x123: {  	v6 =	vmul.f32 v6, v5;
	v7 =	vmul.f32 v7, v5  }
0x124: {  	s15 =	sadd.s32 $0xFFFFFFFE, s11;
	v8 =	vmul.f32 v8, v5;
	v11 =	vmul.f32 v11, v5  }
0x125: {  	v10 =	vmul.f32 v10, v5;
	v12 =	vmul.f32 v12, v5;
	[tilespmem:s23+$0xFFFFFF70] =	vst v6;
	v6 =	vmov s15  }
0x126: {  	[tilespmem:s23+$0xFFFFFF00] =	vst v7;
	v7 =	vmul.f32 v13, v5;
	v5 =	vmul.f32 v9, v5;
	v6 =	vand.u32 $0xFFFFFFFD, v6  }
0x127: {  	[tilespmem:s23+$0xFFFFFF20] =	vst v11;
	v6 =	vbroadcast v6, $0x0  }
0x128: {  	[tilespmem:s23+$0xFFFFFF30] =	vst v10  }
0x129: {  	[tilespmem:s23+$0xFFFFFF50] =	vst v5;
	v5 =	vld [tilespmem:s23+$0xFFFFFFF0]  }
0x12a: {  	[tilespmem:s23+$0xFFFFFF10] =	vst v12;
	v9 =	vld [tilespmem:s23+$0xFFFFFFD0]  }
0x12b: {  	[tilespmem:s23+$0xFFFFFF60] =	vst v8;
	v8 =	vld [tilespmem:s23+$0xFFFFFFB0]  }
0x12c: {  	[tilespmem:s23+$0xFFFFFF40] =	vst v7;
	v7 =	vld [tilespmem:s23+$0xFFFFFF90]  }
0x12d: {  	v6 =	vld.idx.msk [tilespmem:v6+s31+$0x0], $0xffff  }
0x12e: {  	v10 =	vld [tilespmem:s23+$0xFFFFFF80]  }
0x12f: {  	v11 =	vld [tilespmem:s23+$0xFFFFFFA0]  }
0x130: {  	v12 =	vld [tilespmem:s23+$0xFFFFFFC0]  }
0x131: {  	v13 =	vld [tilespmem:s23+$0xFFFFFFE0];
	_ =	sdelay $0x1  }
0x132: {  	v7 =	vmul.f32 v7, v6;
	v10 =	vmul.f32 v10, v6  }
0x133: {  	s15 =	sadd.s32 $0xFFFFFFFF, s11;
	v8 =	vmul.f32 v8, v6;
	v11 =	vmul.f32 v11, v6  }
0x134: {  	v9 =	vmul.f32 v9, v6;
	[tilespmem:s23+$0xFFFFFF80] =	vst v10;
	v10 =	vmul.f32 v12, v6;
	v12 =	vmov s15  }
0x135: {  	v5 =	vmul.f32 v5, v6;
	[tilespmem:s23+$0xFFFFFFA0] =	vst v11;
	v11 =	vmul.f32 v13, v6;
	v6 =	vand.u32 $0xFFFFFFFE, v12  }
0x136: {  	[tilespmem:s23+$0xFFFFFF90] =	vst v7;
	v7 =	vbroadcast v6, $0x0  }
0x137: {  	[tilespmem:s23+$0xFFFFFFD0] =	vst v9  }
0x138: {  	[tilespmem:s23+$0xFFFFFFE0] =	vst v11  }
0x139: {  	[tilespmem:s23+$0xFFFFFFB0] =	vst v8  }
.Ltmp6:
0x13a: {  	[tilespmem:s23+$0xFFFFFFF0] =	vst v5;
	v6 =	vld [tilespmem:s23+$0x20];
	(pc) =	sbr.rel @p2 .LBB2_9-.Ltmp6, $4  }
0x13b: {  	[tilespmem:s23+$0xFFFFFFC0] =	vst v10;
	v8 =	vld [tilespmem:s23+$0x0]  }
0x13c: {  	v5 =	vld.idx.msk [tilespmem:v7+s31+$0x0], $0xffff  }
0x13d: {  	v7 =	vld [tilespmem:s23+$0x10]  }
0x13e: {  	v9 =	vld [tilespmem:s23+$0x30]  }
0x13f: {  	_ =	sdelay $0x1  }
0x140: {  	v8 =	vmul.f32 v8, v5  }
0x141: {  	v10 =	vld [tilespmem:s6+$0x60];
	v6 =	vmul.f32 v6, v5  }
0x142: {  	v11 =	vld [tilespmem:s6+$0x50];
	v3 =	vmul.f32 v3, v5;
	[tilespmem:s6+$0x0] =	vst v8  }
0x143: {  	v4 =	vmul.f32 v4, v5;
	[tilespmem:s6+$0x20] =	vst v6  }
0x144: {  	v53 =	vmul.f32 v7, v5;
	[tilespmem:s6+$0x40] =	vst v3  }
0x145: {  	v52 =	vmov s11;
	v9 =	vmul.f32 v9, v5;
	[tilespmem:s6+$0x70] =	vst v4  }
0x146: {  	v49 =	vmul.f32 v10, v5;
	[tilespmem:s6+$0x10] =	vst v53  }
0x147: {  	v50 =	vmul.f32 v11, v5;
	[tilespmem:s6+$0x30] =	vst v9  }
0x148: {  	[tilespmem:s6+$0x60] =	vst v49  }
0x149: {  	v51 =	vld [tilespmem:s6+$0x80];
	[tilespmem:s6+$0x50] =	vst v50  }
0x14a: {  	v3 =	vld.idx.msk [tilespmem:v52+s31+$0x0], $0xffff  }
0x14b: {  	v54 =	vld [tilespmem:s6+$0x90]  }
0x14c: {  	v55 =	vld [tilespmem:s6+$0xA0]  }
0x14d: {  	v56 =	vld [tilespmem:s6+$0xD0]  }
0x14e: {  	v57 =	vld [tilespmem:s6+$0xB0]  }
0x14f: {  	v58 =	vld [tilespmem:s6+$0xC0];
	v9 =	vmul.f32 v51, v3  }
0x150: {  	v59 =	vld [tilespmem:s6+$0xE0];
	v4 =	vmul.f32 v54, v3  }
0x151: {  	v60 =	vld [tilespmem:s6+$0xF0];
	v5 =	vmul.f32 v55, v3;
	[tilespmem:s6+$0x80] =	vst v9  }
0x152: {  	v6 =	vmul.f32 v56, v3;
	[tilespmem:s6+$0x90] =	vst v4  }
0x153: {  	v61 =	vmul.f32 v57, v3;
	[tilespmem:s6+$0xA0] =	vst v5  }
0x154: {  	p2 =	seq.s32 s17, $0x3E;
	v62 =	vmul.f32 v58, v3;
	[tilespmem:s6+$0xD0] =	vst v6  }
.Ltmp7:
0x155: {  	v63 =	vmul.f32 v59, v3;
	[tilespmem:s6+$0xB0] =	vst v61;
	(pc) =	sbr.rel @p2 .LBB2_12-.Ltmp7, $4  }
0x156: {  	v3 =	vmul.f32 v60, v3;
	[tilespmem:s6+$0xC0] =	vst v62  }
0x157: {  	[tilespmem:s6+$0xE0] =	vst v63  }
0x158: {  	[tilespmem:s6+$0xF0] =	vst v3  }
0x159: {  	[spmem:s2] =	stream.indirect.scatter.add.f32 [tilespmem:s26], [sflag:$0x4], $0x80, s0, s24, $0xb8;
	[tilespmem:$0x1D400] =	vst v63  }
0x15a: {  	s6 =	sadd.s32 $0x2, s16  }
0x15b: {  	s11 =	smulhi.u32 $0x51EB851F, s6;
	_ =	sdelay $0x1  }
0x15c: {  	s11 =	sshrl.u32 s11, $0x3  }
0x15d: {  	s11 =	smul.u32 $0x19, s11;
	_ =	sdelay $0x1  }
0x15e: {  	s11 =	ssub.s32 s6, s11  }
0x15f: {  	p2 =	sne.s32 s11, $0x0  }
0x160: {  	s6 =	smulhi.u32 @!p2 $0x51EB851F, s6;
	_ =	sdelay $0x1  }
0x161: {  	s6 =	sshrl.u32 @!p2 s6, $0x3  }
0x162: {  	s6 =	smul.u32 @!p2 $0x7D0, s6  }
0x163: {  	_ =	swait.ge [sflag:s22], $0x2800  }
0x164: {  	[sflag:s22] =	ssyncset.done $0x0;
	s6 =	sadd.s32 @!p2 s10, s6  }
0x165: {  	[sflag:s22] =	ssyncadd.s32 $0xFFFFD800;
	s6 =	sshrl.u32 @!p2 s6, $0x3  }
0x166: {  	s15 =	simm.s32 @!p2 $0x0;
	s16 =	simm.s32 @!p2 $0x2800;
	s12 =	sadd.s32 @!p2 s7, s6  }
0x167: {  	[tilespmem:s16], [sflag:$0x3] =	stream.linear.gather @!p2 [hbm4b:s12+s15], $0x7D0, $0x38;
	[tilespmem:$0x1D400] =	vst v63  }
0x168: {  	s12 =	sadd.s32 @!p2 s8, s6;
	s16 =	simm.s32 @!p2 $0x3000  }
0x169: {  	[tilespmem:s16], [sflag:$0x3] =	stream.linear.gather @!p2 [hbm4b:s12+s15], $0x7D0, $0x38;
	[tilespmem:$0x1D400] =	vst v63  }
0x16a: {  	s6 =	sadd.s32 @!p2 s4, s6;
	s12 =	simm.s32 @!p2 $0x3800  }
0x16b: {  	[tilespmem:s12], [sflag:$0x3] =	stream.linear.gather @!p2 [hbm4b:s6+s15], $0x7D0, $0x38;
	[tilespmem:$0x1D400] =	vst v63  }
0x16c: {  	s6 =	simm.s32 @!p2 $0x3  }
0x16d: {  	_ =	swait.ge @!p2 [sflag:s6], $0x7D0  }
0x16e: {  	[sflag:s6] =	ssyncset.done @!p2 $0x0  }
0x16f: {  	[sflag:s6] =	ssyncadd.s32 @!p2 $0xFFFFF830  }
0x170: {  	_ =	swait.ge @!p2 [sflag:s6], $0x7D0  }
0x171: {  	[sflag:s6] =	ssyncset.done @!p2 $0x0  }
0x172: {  	[sflag:s6] =	ssyncadd.s32 @!p2 $0xFFFFF830  }
0x173: {  	_ =	swait.ge @!p2 [sflag:s6], $0x7D0  }
0x174: {  	s11 =	smul.u32 $0x50, s11;
	[sflag:s6] =	ssyncset.done @!p2 $0x0  }
0x175: {  	[sflag:s6] =	ssyncadd.s32 @!p2 $0xFFFFF830  }
0x176: {  	v3 =	vld [tilespmem:s11+$0x3000];
	_ =	sdelay $0x4  }
0x177: {  	[tilespmem:$0x4000] =	vst v3  }
0x178: {  	v4 =	vld [tilespmem:s11+$0x2800];
	_ =	sdelay $0x4  }
0x179: {  	v4 =	vshll.u32 v4, $0x1  }
0x17a: {  	v4 =	vor.u32 v0, v4  }
0x17b: {  	[tilespmem:$0x4080] =	vst v4  }
0x17c: {  	v3 =	vld.idx.msk [tilespmem:v3+s3+$0x0], $0xffff;
	_ =	sdelay $0x4  }
0x17d: {  	(erf) = vrcp.f32 v3;
	_ =	sdelay $0x4  }
0x17e: {  	v3 =	vld [tilespmem:s11+$0x3800];
	_ =	sdelay $0x3  }
0x17f: {  	v55 =	vpop (erf)  }
0x180: {  	v3 =	vmul.f32 v55, v3;
	_ =	sdelay $0x1  }
0x181: {  	[tilespmem:$0x4100] =	vst v3  }
0x182: {  	v3 =	vld [tilespmem:s11+$0x3010];
	_ =	sdelay $0x4  }
0x183: {  	[tilespmem:$0x4010] =	vst v3  }
0x184: {  	v56 =	vld [tilespmem:s11+$0x2810];
	_ =	sdelay $0x4  }
0x185: {  	v4 =	vshll.u32 v56, $0x1  }
0x186: {  	v4 =	vor.u32 v0, v4  }
0x187: {  	[tilespmem:$0x4090] =	vst v4  }
0x188: {  	v3 =	vld.idx.msk [tilespmem:v3+s3+$0x0], $0xffff;
	_ =	sdelay $0x4  }
0x189: {  	(erf) = vrcp.f32 v3;
	_ =	sdelay $0x4  }
0x18a: {  	v3 =	vld [tilespmem:s11+$0x3810];
	_ =	sdelay $0x3  }
0x18b: {  	v57 =	vpop (erf)  }
0x18c: {  	v3 =	vmul.f32 v57, v3;
	_ =	sdelay $0x1  }
0x18d: {  	[tilespmem:$0x4110] =	vst v3  }
0x18e: {  	v3 =	vld [tilespmem:s11+$0x3020];
	_ =	sdelay $0x4  }
0x18f: {  	[tilespmem:$0x4020] =	vst v3  }
0x190: {  	v58 =	vld [tilespmem:s11+$0x2820];
	_ =	sdelay $0x4  }
0x191: {  	v4 =	vshll.u32 v58, $0x1  }
0x192: {  	v4 =	vor.u32 v0, v4  }
0x193: {  	[tilespmem:$0x40A0] =	vst v4  }
0x194: {  	v3 =	vld.idx.msk [tilespmem:v3+s3+$0x0], $0xffff;
	_ =	sdelay $0x4  }
0x195: {  	(erf) = vrcp.f32 v3;
	_ =	sdelay $0x4  }
0x196: {  	v3 =	vld [tilespmem:s11+$0x3820];
	_ =	sdelay $0x3  }
0x197: {  	v59 =	vpop (erf)  }
0x198: {  	v3 =	vmul.f32 v59, v3;
	_ =	sdelay $0x1  }
0x199: {  	[tilespmem:$0x4120] =	vst v3  }
0x19a: {  	v3 =	vld [tilespmem:s11+$0x3030];
	_ =	sdelay $0x4  }
0x19b: {  	[tilespmem:$0x4030] =	vst v3  }
0x19c: {  	v60 =	vld [tilespmem:s11+$0x2830];
	_ =	sdelay $0x4  }
0x19d: {  	v4 =	vshll.u32 v60, $0x1  }
0x19e: {  	v4 =	vor.u32 v0, v4  }
0x19f: {  	[tilespmem:$0x40B0] =	vst v4  }
0x1a0: {  	v3 =	vld.idx.msk [tilespmem:v3+s3+$0x0], $0xffff;
	_ =	sdelay $0x4  }
0x1a1: {  	(erf) = vrcp.f32 v3;
	_ =	sdelay $0x4  }
0x1a2: {  	v3 =	vld [tilespmem:s11+$0x3830];
	_ =	sdelay $0x3  }
0x1a3: {  	v61 =	vpop (erf)  }
0x1a4: {  	v3 =	vmul.f32 v61, v3;
	_ =	sdelay $0x1  }
0x1a5: {  	[tilespmem:$0x4130] =	vst v3  }
0x1a6: {  	v3 =	vld [tilespmem:s11+$0x3040];
	_ =	sdelay $0x4  }
0x1a7: {  	[tilespmem:$0x4040] =	vst v3  }
0x1a8: {  	v62 =	vld [tilespmem:s11+$0x2840];
	_ =	sdelay $0x4  }
0x1a9: {  	v4 =	vshll.u32 v62, $0x1  }
0x1aa: {  	v4 =	vor.u32 v0, v4  }
0x1ab: {  	[tilespmem:$0x40C0] =	vst v4  }
0x1ac: {  	v3 =	vld.idx.msk [tilespmem:v3+s3+$0x0], $0xffff;
	_ =	sdelay $0x4  }
0x1ad: {  	(erf) = vrcp.f32 v3;
	_ =	sdelay $0x4  }
0x1ae: {  	v3 =	vld [tilespmem:s11+$0x3840];
	_ =	sdelay $0x3  }
0x1af: {  	v63 =	vpop (erf)  }
0x1b0: {  	v3 =	vmul.f32 v63, v3;
	_ =	sdelay $0x1  }
0x1b1: {  	[tilespmem:$0x4140] =	vst v3  }
0x1b2: {  	[tilespmem:s26], [sflag:$0x1] =	stream.indirect.gather [hbm4b:s1+s24], $0x80, s25, s24, $0xb8;
	[tilespmem:$0x1D400] =	vst v63  }
.LBB2_12:
.Ltmp8:
0x1b3: {  	(pc) =	sbr.rel @p1 .LBB2_16-.Ltmp8, $1  }
0x1b4: {  	_ =	sdelay $0x3  }
0x1b5: {  	s6 =	simm.s32 $0x0  }
0x1b6: {  	v3 =	vmov s6  }
0x1b7: {  	v3 =	vand.u32 $0xFFFFFFFC, v3  }
0x1b8: {  	v3 =	vbroadcast v3, $0x0;
	_ =	sdelay $0x1  }
0x1b9: {  	_ =	swait.ge [sflag:s5], $0x2800  }
0x1ba: {  	[sflag:s5] =	ssyncset.done $0x0  }
0x1bb: {  	s6 =	simm.s32 $0x6C00;
	[sflag:s5] =	ssyncadd.s32 $0xFFFFD800  }
0x1bc: {  	v5 =	vld [tilespmem:s6+$0xFFFFFF70]  }
0x1bd: {  	v3 =	vld.idx.msk [tilespmem:v3+s20+$0x0], $0xffff  }
0x1be: {  	v6 =	vld [tilespmem:s6+$0xFFFFFF00]  }
0x1bf: {  	v7 =	vld [tilespmem:s6+$0xFFFFFF20]  }
0x1c0: {  	v8 =	vld [tilespmem:s6+$0xFFFFFF30]  }
0x1c1: {  	v4 =	vld [tilespmem:s6+$0xFFFFFF50]  }
0x1c2: {  	v10 =	vld [tilespmem:s6+$0xFFFFFF10];
	v5 =	vmul.f32 v5, v3  }
0x1c3: {  	s11 =	simm.s32 $0x1;
	v9 =	vld [tilespmem:s6+$0xFFFFFF60];
	v6 =	vmul.f32 v6, v3  }
0x1c4: {  	v11 =	vld [tilespmem:s6+$0xFFFFFF40];
	v7 =	vmul.f32 v7, v3;
	[tilespmem:s6+$0xFFFFFF70] =	vst v5;
	v5 =	vmov s11  }
0x1c5: {  	v8 =	vmul.f32 v8, v3;
	[tilespmem:s6+$0xFFFFFF00] =	vst v6;
	v5 =	vand.u32 $0xFFFFFFFD, v5  }
0x1c6: {  	v4 =	vmul.f32 v4, v3;
	[tilespmem:s6+$0xFFFFFF20] =	vst v7;
	v5 =	vbroadcast v5, $0x0  }
0x1c7: {  	v6 =	vmul.f32 v10, v3;
	[tilespmem:s6+$0xFFFFFF30] =	vst v8  }
0x1c8: {  	v7 =	vmul.f32 v9, v3;
	[tilespmem:s6+$0xFFFFFF50] =	vst v4  }
0x1c9: {  	v3 =	vmul.f32 v11, v3;
	[tilespmem:s6+$0xFFFFFF10] =	vst v6  }
0x1ca: {  	[tilespmem:s6+$0xFFFFFF60] =	vst v7  }
0x1cb: {  	[tilespmem:s6+$0xFFFFFF40] =	vst v3;
	v3 =	vld [tilespmem:s6+$0xFFFFFF80]  }
0x1cc: {  	v5 =	vld.idx.msk [tilespmem:v5+s20+$0x0], $0xffff  }
0x1cd: {  	v4 =	vld [tilespmem:s6+$0xFFFFFFA0]  }
0x1ce: {  	v6 =	vld [tilespmem:s6+$0xFFFFFF90]  }
0x1cf: {  	v7 =	vld [tilespmem:s6+$0xFFFFFFD0]  }
0x1d0: {  	v8 =	vld [tilespmem:s6+$0xFFFFFFE0]  }
0x1d1: {  	v9 =	vld [tilespmem:s6+$0xFFFFFFF0];
	v3 =	vmul.f32 v3, v5  }
0x1d2: {  	s23 =	simm.s32 $0x2;
	v10 =	vld [tilespmem:s6+$0xFFFFFFB0];
	v4 =	vmul.f32 v4, v5  }
0x1d3: {  	v11 =	vld [tilespmem:s6+$0xFFFFFFC0];
	v6 =	vmul.f32 v6, v5;
	[tilespmem:s6+$0xFFFFFF80] =	vst v3;
	v3 =	vmov s23  }
0x1d4: {  	v7 =	vmul.f32 v7, v5;
	[tilespmem:s6+$0xFFFFFFA0] =	vst v4;
	v3 =	vand.u32 $0xFFFFFFFE, v3  }
0x1d5: {  	v4 =	vmul.f32 v8, v5;
	[tilespmem:s6+$0xFFFFFF90] =	vst v6;
	v6 =	vbroadcast v3, $0x0  }
0x1d6: {  	v8 =	vmul.f32 v9, v5;
	[tilespmem:s6+$0xFFFFFFD0] =	vst v7;
	v9 =	vld [tilespmem:s6+$0x30]  }
0x1d7: {  	v7 =	vmul.f32 v10, v5;
	v3 =	vld [tilespmem:s6+$0x40];
	[tilespmem:s6+$0xFFFFFFE0] =	vst v4  }
0x1d8: {  	v5 =	vmul.f32 v11, v5;
	v4 =	vld [tilespmem:s6+$0x70];
	[tilespmem:s6+$0xFFFFFFF0] =	vst v8  }
0x1d9: {  	[tilespmem:s6+$0xFFFFFFB0] =	vst v7;
	v7 =	vld [tilespmem:s6+$0x20]  }
0x1da: {  	[tilespmem:s6+$0xFFFFFFC0] =	vst v5;
	v8 =	vld [tilespmem:s6+$0x0]  }
0x1db: {  	v5 =	vld.idx.msk [tilespmem:v6+s20+$0x0], $0xffff  }
0x1dc: {  	s12 =	simm.s32 $0x7;
	s16 =	simm.s32 $0x6C00;
	s11 =	simm.s32 $0x3;
	v6 =	vld [tilespmem:s6+$0x10]  }
.LBB2_14:
0x1dd: {  	p1 =	sne.s32 s12, $0x4F  }
0x1de: {  	v10 =	vld [tilespmem:s6+$0x50];
	s16 =	sadd.s32 $0x200, s16;
	s15 =	smov.u32 s12;
	s12 =	sadd.s32 $0x4, s12  }
0x1df: {  	v11 =	vld [tilespmem:s6+$0x60];
	_ =	sdelay $0x1  }
0x1e0: {  	v8 =	vmul.f32 v8, v5;
	v6 =	vmul.f32 v6, v5  }
0x1e1: {  	v7 =	vmul.f32 v7, v5;
	v9 =	vmul.f32 v9, v5  }
0x1e2: {  	v3 =	vmul.f32 v3, v5;
	v4 =	vmul.f32 v4, v5;
	[tilespmem:s6+$0x0] =	vst v8  }
0x1e3: {  	[tilespmem:s6+$0x20] =	vst v7;
	v7 =	vmul.f32 v10, v5;
	v5 =	vmul.f32 v11, v5  }
0x1e4: {  	[tilespmem:s6+$0x30] =	vst v9;
	v8 =	vld [tilespmem:s6+$0x80]  }
0x1e5: {  	[tilespmem:s6+$0x60] =	vst v5;
	v5 =	vmov s11;
	v9 =	vld [tilespmem:s6+$0xD0];
	s11 =	smov.u32 s15  }
0x1e6: {  	[tilespmem:s6+$0x50] =	vst v7;
	v7 =	vld [tilespmem:s6+$0xE0]  }
0x1e7: {  	[tilespmem:s6+$0x40] =	vst v3;
	v10 =	vld [tilespmem:s6+$0xB0]  }
0x1e8: {  	v3 =	vld [tilespmem:s16+$0x40];
	[tilespmem:s6+$0x70] =	vst v4  }
0x1e9: {  	v4 =	vld [tilespmem:s16+$0x70];
	[tilespmem:s6+$0x10] =	vst v6  }
0x1ea: {  	v5 =	vld.idx.msk [tilespmem:v5+s20+$0x0], $0xffff  }
0x1eb: {  	v6 =	vld [tilespmem:s6+$0x90]  }
0x1ec: {  	v11 =	vld [tilespmem:s6+$0xA0]  }
0x1ed: {  	v12 =	vld [tilespmem:s6+$0xC0]  }
0x1ee: {  	v13 =	vld [tilespmem:s6+$0xF0];
	_ =	sdelay $0x1  }
0x1ef: {  	v8 =	vmul.f32 v8, v5;
	v6 =	vmul.f32 v6, v5  }
0x1f0: {  	s15 =	sadd.s32 $0xFFFFFFFD, s11;
	v10 =	vmul.f32 v10, v5;
	v11 =	vmul.f32 v11, v5  }
0x1f1: {  	v14 =	vmov s15;
	v9 =	vmul.f32 v9, v5;
	[tilespmem:s6+$0x80] =	vst v8;
	v8 =	vmul.f32 v12, v5  }
0x1f2: {  	v12 =	vand.u32 $0xFFFFFFFC, v14;
	[tilespmem:s6+$0x90] =	vst v6;
	v6 =	vmul.f32 v7, v5;
	v5 =	vmul.f32 v13, v5  }
0x1f3: {  	v7 =	vbroadcast v12, $0x0;
	[tilespmem:s6+$0xA0] =	vst v11  }
0x1f4: {  	[tilespmem:s6+$0xD0] =	vst v9  }
0x1f5: {  	v9 =	vld [tilespmem:s16+$0xFFFFFF50];
	[tilespmem:s6+$0xB0] =	vst v10  }
0x1f6: {  	v10 =	vld [tilespmem:s16+$0xFFFFFF30];
	[tilespmem:s6+$0xC0] =	vst v8  }
0x1f7: {  	v8 =	vld [tilespmem:s16+$0xFFFFFF60];
	[tilespmem:s6+$0xE0] =	vst v6  }
0x1f8: {  	v6 =	vld [tilespmem:s16+$0xFFFFFF70];
	[tilespmem:s6+$0xF0] =	vst v5;
	s6 =	smov.u32 s16  }
0x1f9: {  	v5 =	vld.idx.msk [tilespmem:v7+s20+$0x0], $0xffff  }
0x1fa: {  	v7 =	vld [tilespmem:s16+$0xFFFFFF00]  }
0x1fb: {  	v11 =	vld [tilespmem:s16+$0xFFFFFF20]  }
0x1fc: {  	v12 =	vld [tilespmem:s16+$0xFFFFFF10]  }
0x1fd: {  	v13 =	vld [tilespmem:s16+$0xFFFFFF40];
	_ =	sdelay $0x1  }
0x1fe: {  	v6 =	vmul.f32 v6, v5;
	v7 =	vmul.f32 v7, v5  }
0x1ff: {  	s15 =	sadd.s32 $0xFFFFFFFE, s11;
	v8 =	vmul.f32 v8, v5;
	v11 =	vmul.f32 v11, v5  }
0x200: {  	v10 =	vmul.f32 v10, v5;
	v12 =	vmul.f32 v12, v5;
	[tilespmem:s16+$0xFFFFFF70] =	vst v6;
	v6 =	vmov s15  }
0x201: {  	[tilespmem:s16+$0xFFFFFF00] =	vst v7;
	v7 =	vmul.f32 v13, v5;
	v5 =	vmul.f32 v9, v5;
	v6 =	vand.u32 $0xFFFFFFFD, v6  }
0x202: {  	[tilespmem:s16+$0xFFFFFF20] =	vst v11;
	v6 =	vbroadcast v6, $0x0  }
0x203: {  	[tilespmem:s16+$0xFFFFFF30] =	vst v10  }
0x204: {  	[tilespmem:s16+$0xFFFFFF50] =	vst v5;
	v5 =	vld [tilespmem:s16+$0xFFFFFFF0]  }
0x205: {  	[tilespmem:s16+$0xFFFFFF10] =	vst v12;
	v9 =	vld [tilespmem:s16+$0xFFFFFFD0]  }
0x206: {  	[tilespmem:s16+$0xFFFFFF60] =	vst v8;
	v8 =	vld [tilespmem:s16+$0xFFFFFFB0]  }
0x207: {  	[tilespmem:s16+$0xFFFFFF40] =	vst v7;
	v7 =	vld [tilespmem:s16+$0xFFFFFF90]  }
0x208: {  	v6 =	vld.idx.msk [tilespmem:v6+s20+$0x0], $0xffff  }
0x209: {  	v10 =	vld [tilespmem:s16+$0xFFFFFF80]  }
0x20a: {  	v11 =	vld [tilespmem:s16+$0xFFFFFFA0]  }
0x20b: {  	v12 =	vld [tilespmem:s16+$0xFFFFFFC0]  }
0x20c: {  	v13 =	vld [tilespmem:s16+$0xFFFFFFE0];
	_ =	sdelay $0x1  }
0x20d: {  	v7 =	vmul.f32 v7, v6;
	v10 =	vmul.f32 v10, v6  }
0x20e: {  	s15 =	sadd.s32 $0xFFFFFFFF, s11;
	v8 =	vmul.f32 v8, v6;
	v11 =	vmul.f32 v11, v6  }
0x20f: {  	v9 =	vmul.f32 v9, v6;
	[tilespmem:s16+$0xFFFFFF80] =	vst v10;
	v10 =	vmul.f32 v12, v6;
	v12 =	vmov s15  }
0x210: {  	v5 =	vmul.f32 v5, v6;
	[tilespmem:s16+$0xFFFFFFA0] =	vst v11;
	v11 =	vmul.f32 v13, v6;
	v6 =	vand.u32 $0xFFFFFFFE, v12  }
0x211: {  	[tilespmem:s16+$0xFFFFFF90] =	vst v7;
	v6 =	vbroadcast v6, $0x0  }
0x212: {  	[tilespmem:s16+$0xFFFFFFD0] =	vst v9  }
0x213: {  	[tilespmem:s16+$0xFFFFFFE0] =	vst v11  }
0x214: {  	[tilespmem:s16+$0xFFFFFFB0] =	vst v8  }
.Ltmp9:
0x215: {  	[tilespmem:s16+$0xFFFFFFF0] =	vst v5;
	v7 =	vld [tilespmem:s16+$0x20];
	(pc) =	sbr.rel @p1 .LBB2_14-.Ltmp9, $4  }
0x216: {  	[tilespmem:s16+$0xFFFFFFC0] =	vst v10;
	v8 =	vld [tilespmem:s16+$0x0]  }
0x217: {  	v5 =	vld.idx.msk [tilespmem:v6+s20+$0x0], $0xffff  }
0x218: {  	v6 =	vld [tilespmem:s16+$0x10]  }
0x219: {  	v9 =	vld [tilespmem:s16+$0x30]  }
0x21a: {  	_ =	sdelay $0x1  }
0x21b: {  	v8 =	vmul.f32 v8, v5  }
0x21c: {  	v10 =	vld [tilespmem:s6+$0x60];
	v7 =	vmul.f32 v7, v5  }
0x21d: {  	v11 =	vld [tilespmem:s6+$0x50];
	v3 =	vmul.f32 v3, v5;
	[tilespmem:s6+$0x0] =	vst v8  }
0x21e: {  	v4 =	vmul.f32 v4, v5;
	[tilespmem:s6+$0x20] =	vst v7  }
0x21f: {  	v53 =	vmul.f32 v6, v5;
	[tilespmem:s6+$0x40] =	vst v3  }
0x220: {  	v52 =	vmov s11;
	v9 =	vmul.f32 v9, v5;
	[tilespmem:s6+$0x70] =	vst v4  }
0x221: {  	v49 =	vmul.f32 v10, v5;
	[tilespmem:s6+$0x10] =	vst v53  }
0x222: {  	v50 =	vmul.f32 v11, v5;
	[tilespmem:s6+$0x30] =	vst v9  }
0x223: {  	[tilespmem:s6+$0x60] =	vst v49  }
0x224: {  	v51 =	vld [tilespmem:s6+$0x80];
	[tilespmem:s6+$0x50] =	vst v50  }
0x225: {  	v3 =	vld.idx.msk [tilespmem:v52+s20+$0x0], $0xffff  }
0x226: {  	v54 =	vld [tilespmem:s6+$0x90]  }
0x227: {  	v55 =	vld [tilespmem:s6+$0xA0]  }
0x228: {  	v56 =	vld [tilespmem:s6+$0xD0]  }
0x229: {  	v57 =	vld [tilespmem:s6+$0xB0]  }
0x22a: {  	v58 =	vld [tilespmem:s6+$0xC0];
	v9 =	vmul.f32 v51, v3  }
0x22b: {  	v59 =	vld [tilespmem:s6+$0xE0];
	v4 =	vmul.f32 v54, v3  }
0x22c: {  	v60 =	vld [tilespmem:s6+$0xF0];
	v5 =	vmul.f32 v55, v3;
	[tilespmem:s6+$0x80] =	vst v9  }
0x22d: {  	v6 =	vmul.f32 v56, v3;
	[tilespmem:s6+$0x90] =	vst v4  }
0x22e: {  	v61 =	vmul.f32 v57, v3;
	[tilespmem:s6+$0xA0] =	vst v5  }
0x22f: {  	v62 =	vmul.f32 v58, v3;
	[tilespmem:s6+$0xD0] =	vst v6  }
.Ltmp10:
0x230: {  	v63 =	vmul.f32 v59, v3;
	[tilespmem:s6+$0xB0] =	vst v61;
	(pc) =	sbr.rel .LBB2_16-.Ltmp10, $4  }
0x231: {  	v3 =	vmul.f32 v60, v3;
	[tilespmem:s6+$0xC0] =	vst v62  }
0x232: {  	[tilespmem:s6+$0xE0] =	vst v63  }
0x233: {  	[tilespmem:s6+$0xF0] =	vst v3  }
0x234: {  	[spmem:s2] =	stream.indirect.scatter.add.f32 [tilespmem:s29], [sflag:$0x5], $0x80, s21, s24, $0xb8;
	[tilespmem:$0x1D400] =	vst v63  }
.LBB2_17:
0x235: {  	_ =	swait.ge [sflag:s22], $0x2800  }
0x236: {  	[sflag:s22] =	ssyncset.done $0x0  }
0x237: {  	s6 =	simm.s32 $0x5;
	[sflag:s22] =	ssyncadd.s32 $0xFFFFD800  }
0x238: {  	_ =	swait.ge [sflag:s6], $0x2800  }
0x239: {  	[sflag:s6] =	ssyncset.done $0x0  }
0x23a: {  	[sflag:s6] =	ssyncadd.s32 $0xFFFFD800  }
0x23b: {  	[bflag:$0x0] =	sbarrier.arrive $0xFFFF  }
0x23c: {  	s16 =	rddreg [dreg:$0x6]  }
0x23d: {  	s11 =	rddreg [dreg:$0xa]  }
0x23e: {  	[tilespmem:s19], [sflag:$0x6] =	stream.linear.gather [spmem:s16], $0x800, $0x38;
	v3 =	vmov s11;
	[tilespmem:$0x1D400] =	vst v63  }
0x23f: {  	_ =	swait.ge [sflag:s18], $0x800;
	v3 =	vshll.u32 v3, $0x1  }
0x240: {  	[sflag:s18] =	ssyncset.done $0x0;
	v3 =	vor.u32 v2, v3  }
0x241: {  	[sflag:s18] =	ssyncadd.s32 $0xFFFFF800;
	v3 =	vor.u32 v0, v3  }
.Ltmp11:
0x242: {  	[tilespmem:$0x9B00] =	vst v3;
	(pc) =	sbr.rel @!p0 .LBB2_19-.Ltmp11, $4  }
0x243: {  	[hbm4b:s9+s13] =	stream.indirect.scatter [tilespmem:s19], [sflag:$0x1], $0x80, s14, s13, $0xb8;
	[tilespmem:$0x1D400] =	vst v63  }
0x244: {  	_ =	swait.ge [sflag:s30], $0x800  }
0x245: {  	s15 =	rddreg [dreg:$0x5]  }
0x246: {  	s12 =	smov.u32 s16;
	[sflag:s30] =	ssyncset.done $0x0;
	s6 =	sadd.s32 $0xFFFFFFFF, s15  }
.LBB2_18:
0x247: {  	[sflag:s30] =	ssyncadd.s32 $0xFFFFF800;
	s11 =	sadd.s32 $0x100, s11;
	s12 =	sadd.s32 $0x8000, s12  }
0x248: {  	[tilespmem:s19], [sflag:$0x6] =	stream.linear.gather [spmem:s12], $0x800, $0x38;
	v3 =	vmov s11;
	[tilespmem:$0x1D400] =	vst v63  }
0x249: {  	p0 =	sne.s32 s6, $0x1;
	s6 =	sadd.s32 $0xFFFFFFFF, s6;
	_ =	swait.ge [sflag:s18], $0x800;
	v3 =	vshll.u32 v3, $0x1  }
0x24a: {  	[sflag:s18] =	ssyncset.done $0x0;
	v3 =	vor.u32 v2, v3  }
.Ltmp12:
0x24b: {  	[sflag:s18] =	ssyncadd.s32 $0xFFFFF800;
	v3 =	vor.u32 v0, v3;
	(pc) =	sbr.rel @p0 .LBB2_18-.Ltmp12, $4  }
0x24c: {  	[tilespmem:$0x9B00] =	vst v3  }
0x24d: {  	[hbm4b:s9+s13] =	stream.indirect.scatter [tilespmem:s19], [sflag:$0x1], $0x80, s14, s13, $0xb8;
	[tilespmem:$0x1D400] =	vst v63  }
0x24e: {  	_ =	swait.ge [sflag:s30], $0x800  }
0x24f: {  	[sflag:s30] =	ssyncset.done $0x0  }
.LBB2_19:
0x250: {  	s11 =	rddreg [dreg:$0xc]  }
0x251: {  	s6 =	rddreg [dreg:$0xb];
	s11 =	sadd.s32 $0x1, s11  }
0x252: {  	p0 =	sne.s32 s11, s6  }
.Ltmp13:
0x253: {  	_ = 	snop;
	(pc) =	sbr.rel @p0 .LBB2_1-.Ltmp13, $2  }
0x254: {  	_ =	sdelay $0x2  }
0x255: {  	[sflag:s30] =	ssyncadd.s32 $0xFFFFF800  }
0x256: {  	_ =	sfence.sel $0x180000  }
0x257: {  	[bflag:$0x0] =	sbarrier.arrive $0xFFFF  }
0x258: {  	_ =	strace $0x9000004A  }
0x259: {  	s0 =	stileid.u32;
	[bflag:$0x2] =	sbarrier.arrive $0xFFFF  }
0x25a: {  	p0 =	sne.s32 s0, $0x0;
	s0 =	rddreg [dreg:$0x3]  }
0x25b: {  	s0 =	sadd.s32 @!p0 $0x100000, s0  }
0x25c: {  	[sflag:s0] =	ssyncadd.tile.s32 @!p0 $0x1;
	_ =	shalt  }
.Lfunc_end2:
_tile_overlayer_lowered:
.L_overlay_start_2:
0x25d: {  	(tag) =	ssettag $0x2  }
0x25e: {  	s0 =	rddreg [dreg:$0x0];
	s2 =	stileid.u32  }
0x25f: {  	s1 =	rddreg [dreg:$0x1];
	p0 =	sne.s32 s2, $0x0  }
0x260: {  	s3 =	rddreg [dreg:$0x2];
	[bflag:$0x3] =	sbarrier.arrive $0xFFFF;
	s2 =	simm.s32 @!p0 $0x1C06  }
0x261: {  	[timem:s3], [sflag:s2] =	dma.local @!p0 [hbm:s0], s1  }
0x262: {  	s0 =	simm.s32 @!p0 $0x6  }
0x263: {  	_ =	swait.ge @!p0 [sflag:s0], s1  }
0x264: {  	s1 =	ssub.s32 @!p0 $0x0, s1;
	[sflag:s0] =	ssyncset.done @!p0 $0x0  }
0x265: {  	[sflag:s0] =	ssyncadd.s32 @!p0 s1  }
0x266: {  	[bflag:$0x3] =	sbarrier.arrive $0xFFFF  }
0x267: {  	_ =	shalt  }

</sc_bundles>
